<compile_context>
chip_gen: v7x
topology: tpu7x:2x2x1
jax: 0.10.2.dev20260603
libtpu: 0.0.44.dev20260713+nightly
codegen_flags: <defaults>
</compile_context>

<pallas_src>
import jax
import jax.numpy as jnp
from jax import lax
from jax.experimental import pallas as pl
from jax.experimental.pallas import tpu as pltpu
from jax.experimental.pallas import tpu_sc as plsc

NNODES = 50000
NGRAPH = 256
FEAT = 32
NPAD = 50048
NSUB = 16
NCORE = 2
NTILE = NCORE * NSUB
CHUNK = 128
SB = 40
HF = 40
CHUNK0 = 64
SB0 = 8
BN = 2000
BEPS = 1e-5
HIGH = lax.Precision.HIGHEST


def _sc_agg_body(y_hbm, src_hbm, dst_hbm, zeros_hbm, out_hbm,
                 src_v, dst_v, rows_v, acc_sh, sem):
    c = lax.axis_index("c")
    s = lax.axis_index("s")
    wid = c * NSUB + s
    cpt = src_hbm.shape[0] // NTILE
    rpt = NPAD // NSUB

    pltpu.sync_copy(zeros_hbm.at[pl.ds(s * rpt, rpt)],
                    acc_sh.at[pl.ds(s * rpt, rpt)])
    plsc.subcore_barrier()

    def blk_body(b, carry):
        base = wid * cpt + b * SB
        pltpu.sync_copy(src_hbm.at[pl.ds(base, SB)], src_v)
        pltpu.sync_copy(dst_hbm.at[pl.ds(base, SB)], dst_v)

        def chunk_body(j, carry2):
            pltpu.async_copy(y_hbm.at[src_v.at[j]], rows_v, sem).wait()
            pltpu.sync_copy(rows_v, acc_sh.at[dst_v.at[j]], add=True)
            return carry2
        lax.fori_loop(0, SB, chunk_body, 0)
        return carry
    lax.fori_loop(0, cpt // SB, blk_body, 0)

    plsc.subcore_barrier()
    pltpu.sync_copy(acc_sh.at[pl.ds(s * rpt, rpt)],
                    out_hbm.at[c, pl.ds(s * rpt, rpt)])


def _sc_aggregate(y, src2d, dst2d, zeros_pad):
    mesh = plsc.VectorSubcoreMesh(core_axis_name="c", subcore_axis_name="s")
    return pl.kernel(
        _sc_agg_body,
        out_type=jax.ShapeDtypeStruct((NCORE, NPAD, FEAT), jnp.float32),
        mesh=mesh,
        scratch_types=[
            pltpu.VMEM((SB, CHUNK), jnp.int32),
            pltpu.VMEM((SB, CHUNK), jnp.int32),
            pltpu.VMEM((CHUNK, FEAT), jnp.float32),
            pltpu.VMEM_SHARED((NPAD, FEAT), jnp.float32),
            pltpu.SemaphoreType.DMA,
        ],
        compiler_params=pltpu.CompilerParams(use_tc_tiling_on_sc=False),
    )(y, src2d, dst2d, zeros_pad)


def _sc_agg0_body(x_hbm, src_hbm, dst_hbm, zeros_hbm, out_hbm,
                  src_v, dst_v, rows_v, acc_sh, sem):
    c = lax.axis_index("c")
    s = lax.axis_index("s")
    cpt = src_hbm.shape[0] // NSUB
    rpt = NPAD // NSUB

    pltpu.sync_copy(zeros_hbm.at[pl.ds(s * rpt, rpt)],
                    acc_sh.at[pl.ds(s * rpt, rpt)])
    plsc.subcore_barrier()

    def blk_body(b, carry):
        base = s * cpt + b * SB0
        pltpu.sync_copy(src_hbm.at[pl.ds(base, SB0)], src_v)
        pltpu.sync_copy(dst_hbm.at[pl.ds(base, SB0)], dst_v)

        def chunk_body(j, carry2):
            pltpu.async_copy(x_hbm.at[c].at[src_v.at[j]], rows_v, sem).wait()
            pltpu.sync_copy(rows_v, acc_sh.at[dst_v.at[j]], add=True)
            return carry2
        lax.fori_loop(0, SB0, chunk_body, 0)
        return carry
    lax.fori_loop(0, cpt // SB0, blk_body, 0)

    plsc.subcore_barrier()
    pltpu.sync_copy(acc_sh.at[pl.ds(s * rpt, rpt)],
                    out_hbm.at[c, pl.ds(s * rpt, rpt)])


def _sc_aggregate0(x3d, src2d, dst2d, zeros_half):
    mesh = plsc.VectorSubcoreMesh(core_axis_name="c", subcore_axis_name="s")
    return pl.kernel(
        _sc_agg0_body,
        out_type=jax.ShapeDtypeStruct((NCORE, NPAD, HF), jnp.float32),
        mesh=mesh,
        scratch_types=[
            pltpu.VMEM((SB0, CHUNK0), jnp.int32),
            pltpu.VMEM((SB0, CHUNK0), jnp.int32),
            pltpu.VMEM((CHUNK0, HF), jnp.float32),
            pltpu.VMEM_SHARED((NPAD, HF), jnp.float32),
            pltpu.SemaphoreType.DMA,
        ],
        compiler_params=pltpu.CompilerParams(use_tc_tiling_on_sc=False),
    )(x3d, src2d, dst2d, zeros_half)


def _sum_update(st_ref, z):
    blk = jnp.concatenate([jnp.sum(z, axis=0)[None, :],
                           jnp.zeros((7, FEAT), jnp.float32)], axis=0)

    @pl.when(pl.program_id(0) == 0)
    def _init():
        st_ref[...] = blk

    @pl.when(pl.program_id(0) > 0)
    def _acc():
        st_ref[...] += blk


def _gin0_body(x_ref, p0_ref, p1_ref, w_ref, b1_ref,
               w2_ref, b2_ref, z_ref, st_ref):
    z0 = x_ref[...] + jnp.concatenate([p0_ref[...], p1_ref[...]], axis=1)
    u = jnp.dot(z0, w_ref[...],
                preferred_element_type=jnp.float32) + b1_ref[...]
    a = jnp.maximum(u, 0.0)
    v = jnp.dot(a, w2_ref[...],
                preferred_element_type=jnp.float32) + b2_ref[...]
    z = jnp.maximum(v, 0.0)
    z_ref[...] = z
    _sum_update(st_ref, z)


def _gin0(x80, p0, p1, w80, b1row, w2, b2row):
    n = x80.shape[0]
    rb = lambda i: (i, 0)
    cb = lambda i: (0, 0)
    return pl.pallas_call(
        _gin0_body,
        grid=(n // BN,),
        in_specs=[
            pl.BlockSpec((BN, 2 * HF), rb),
            pl.BlockSpec((BN, HF), rb),
            pl.BlockSpec((BN, HF), rb),
            pl.BlockSpec((2 * HF, FEAT), cb),
            pl.BlockSpec((1, FEAT), cb),
            pl.BlockSpec((FEAT, FEAT), cb),
            pl.BlockSpec((1, FEAT), cb),
        ],
        out_specs=[
            pl.BlockSpec((BN, FEAT), rb),
            pl.BlockSpec((8, FEAT), cb),
        ],
        out_shape=[
            jax.ShapeDtypeStruct((n, FEAT), jnp.float32),
            jax.ShapeDtypeStruct((8, FEAT), jnp.float32),
        ],
    )(x80, p0, p1, w80, b1row, w2, b2row)


def _gin_body(h_ref, p0_ref, p1_ref, w1_ref, b1_ref,
              w2_ref, b2_ref, zo_ref, st_ref):
    z0 = h_ref[...] + p0_ref[...] + p1_ref[...]
    u = jnp.dot(z0, w1_ref[...],
                preferred_element_type=jnp.float32) + b1_ref[...]
    a = jnp.maximum(u, 0.0)
    v = jnp.dot(a, w2_ref[...],
                preferred_element_type=jnp.float32) + b2_ref[...]
    z = jnp.maximum(v, 0.0)
    zo_ref[...] = z
    _sum_update(st_ref, z)


def _gin(h, p0, p1, w1, b1row, w2, b2row):
    n = h.shape[0]
    rb = lambda i: (i, 0)
    cb = lambda i: (0, 0)
    return pl.pallas_call(
        _gin_body,
        grid=(n // BN,),
        in_specs=[
            pl.BlockSpec((BN, FEAT), rb),
            pl.BlockSpec((BN, FEAT), rb),
            pl.BlockSpec((BN, FEAT), rb),
            pl.BlockSpec((FEAT, FEAT), cb),
            pl.BlockSpec((1, FEAT), cb),
            pl.BlockSpec((FEAT, FEAT), cb),
            pl.BlockSpec((1, FEAT), cb),
        ],
        out_specs=[
            pl.BlockSpec((BN, FEAT), rb),
            pl.BlockSpec((8, FEAT), cb),
        ],
        out_shape=[
            jax.ShapeDtypeStruct((n, FEAT), jnp.float32),
            jax.ShapeDtypeStruct((8, FEAT), jnp.float32),
        ],
    )(h, p0, p1, w1, b1row, w2, b2row)


def _var_body(z_ref, mu_ref, st_ref):
    d = z_ref[...] - mu_ref[...]
    _sum_update(st_ref, d * d)


def _bnvar(z, murow):
    n = z.shape[0]
    return pl.pallas_call(
        _var_body,
        grid=(n // BN,),
        in_specs=[
            pl.BlockSpec((BN, FEAT), lambda i: (i, 0)),
            pl.BlockSpec((1, FEAT), lambda i: (0, 0)),
        ],
        out_specs=pl.BlockSpec((8, FEAT), lambda i: (0, 0)),
        out_shape=jax.ShapeDtypeStruct((8, FEAT), jnp.float32),
    )(z, murow)


def _bn_body(z_ref, mu_ref, sd_ref, g_ref, b_ref, h_ref):
    h_ref[...] = ((z_ref[...] - mu_ref[...]) / sd_ref[...] * g_ref[...]
                  + b_ref[...])


def _bnapply(z, murow, sdrow, grow, brow):
    n = z.shape[0]
    cb = lambda i: (0, 0)
    return pl.pallas_call(
        _bn_body,
        grid=(n // BN,),
        in_specs=[
            pl.BlockSpec((BN, FEAT), lambda i: (i, 0)),
            pl.BlockSpec((1, FEAT), cb),
            pl.BlockSpec((1, FEAT), cb),
            pl.BlockSpec((1, FEAT), cb),
            pl.BlockSpec((1, FEAT), cb),
        ],
        out_specs=pl.BlockSpec((BN, FEAT), lambda i: (i, 0)),
        out_shape=jax.ShapeDtypeStruct((n, FEAT), jnp.float32),
    )(z, murow, sdrow, grow, brow)


def _pool_body(z_ref, b_ref, o_ref):
    z = z_ref[...]
    brow = b_ref[...].reshape(1, BN)
    m = (lax.broadcasted_iota(jnp.int32, (NGRAPH, BN), 0) == brow
         ).astype(jnp.float32)
    zz = jnp.concatenate([z, jnp.ones((BN, FEAT), jnp.float32)], axis=1)
    blk = jnp.dot(m, zz, preferred_element_type=jnp.float32, precision=HIGH)

    @pl.when(pl.program_id(0) == 0)
    def _init():
        o_ref[...] = blk

    @pl.when(pl.program_id(0) > 0)
    def _acc():
        o_ref[...] += blk


def _pool(z, batch3d):
    n = z.shape[0]
    grid = n // BN
    return pl.pallas_call(
        _pool_body,
        grid=(grid,),
        in_specs=[
            pl.BlockSpec((BN, FEAT), lambda i: (i, 0)),
            pl.BlockSpec((1, 1, BN), lambda i: (i, 0, 0)),
        ],
        out_specs=pl.BlockSpec((NGRAPH, 2 * FEAT), lambda i: (0, 0)),
        out_shape=jax.ShapeDtypeStruct((NGRAPH, 2 * FEAT), jnp.float32),
    )(z, batch3d)


BH = 16


def _head_body(pool_ref, w0_ref, b0_ref, tgt_ref, emb_ref, wf_ref,
               wbig_ref, bxt_ref, w1_ref, b1_ref, w2_ref, b2_ref,
               wo_ref, bo_ref, o_ref):
    poolb = pool_ref[...]
    seg = poolb[:, :FEAT]
    cnt = poolb[:, FEAT:]
    g = seg / jnp.maximum(cnt, 1.0)
    xd = jnp.maximum(jnp.dot(g, w0_ref[...], preferred_element_type=jnp.float32
                             ) + b0_ref[...], 0.0)

    tgt = tgt_ref[...]
    emb = emb_ref[...]
    wf = wf_ref[...]
    rows = []
    for r in range(BH):
        tr = tgt[r:r + 1, :]
        ohT = (lax.broadcasted_iota(jnp.int32, (32, 1000), 0) == tr
               ).astype(jnp.float32)
        q = jnp.dot(ohT, wf, preferred_element_type=jnp.float32,
                    precision=HIGH)
        u = lax.dot_general(emb, q, (((0,), (0,)), ((), ())),
                            preferred_element_type=jnp.float32,
                            precision=HIGH)
        rows.append(u.reshape(1, 128 * 256))
    uflat = jnp.concatenate(rows, axis=0)
    xt = jnp.dot(uflat, wbig_ref[...], preferred_element_type=jnp.float32,
                 precision=HIGH) + bxt_ref[...]
    xc = jnp.concatenate([xd, xt], axis=1)
    h1 = jnp.maximum(jnp.dot(xc, w1_ref[...], preferred_element_type=jnp.float32
                             ) + b1_ref[...], 0.0)
    h2 = jnp.maximum(jnp.dot(h1, w2_ref[...], preferred_element_type=jnp.float32
                             ) + b2_ref[...], 0.0)
    o_ref[...] = jnp.dot(h2, wo_ref[...], preferred_element_type=jnp.float32
                         ) + bo_ref[...]


def _head(pool, w0, b0, tgt, embp, wf, wbig, bxt, w1, b1, w2, b2, wo, bo):
    grid = NGRAPH // BH
    cm = lambda i: (0, 0)
    return pl.pallas_call(
        _head_body,
        grid=(grid,),
        in_specs=[
            pl.BlockSpec((BH, 2 * FEAT), lambda i: (i, 0)),
            pl.BlockSpec((FEAT, 128), cm),
            pl.BlockSpec((1, 128), cm),
            pl.BlockSpec((BH, 1000), lambda i: (i, 0)),
            pl.BlockSpec((32, 128), cm),
            pl.BlockSpec((1000, 256), cm),
            pl.BlockSpec((128 * 256, 128), cm),
            pl.BlockSpec((1, 128), cm),
            pl.BlockSpec((256, 1024), cm),
            pl.BlockSpec((1, 1024), cm),
            pl.BlockSpec((1024, 256), cm),
            pl.BlockSpec((1, 256), cm),
            pl.BlockSpec((256, 128), cm),
            pl.BlockSpec((1, 128), cm),
        ],
        out_specs=pl.BlockSpec((BH, 128), lambda i: (i, 0)),
        out_shape=jax.ShapeDtypeStruct((NGRAPH, 128), jnp.float32),
    )(pool, w0, b0, tgt, embp, wf, wbig, bxt, w1, b1, w2, b2, wo, bo)


def kernel(x, edge_index, batch, target, params):
    n = x.shape[0]
    e = edge_index.shape[1]
    src = edge_index[0]
    dst = edge_index[1]

    cpt = -(-e // (NTILE * CHUNK))
    cpt = -(-cpt // SB) * SB
    epad = cpt * NTILE * CHUNK
    src2d = jnp.concatenate(
        [src, jnp.zeros((epad - e,), jnp.int32)]).reshape(-1, CHUNK)
    dst2d = jnp.concatenate(
        [dst, jnp.full((epad - e,), n, jnp.int32)]).reshape(-1, CHUNK)
    zeros_pad = jnp.zeros((NPAD, FEAT), jnp.float32)

    cpt0 = -(-e // (NSUB * CHUNK0))
    cpt0 = -(-cpt0 // SB0) * SB0
    epad0 = cpt0 * NSUB * CHUNK0
    src2d0 = jnp.concatenate(
        [src, jnp.full((epad0 - e,), n, jnp.int32)]).reshape(-1, CHUNK0)
    dst2d0 = jnp.concatenate(
        [dst, jnp.zeros((epad0 - e,), jnp.int32)]).reshape(-1, CHUNK0)
    zeros_half = jnp.zeros((NPAD, HF), jnp.float32)

    def _bn_layer(z, stats, i):
        mu = stats[0] / n
        var = _bnvar(z, mu[None, :])[0] / n
        sd = jnp.sqrt(var + BEPS)
        return _bnapply(z, mu[None, :], sd[None, :],
                        params['bn%d_g' % i][None, :],
                        params['bn%d_b' % i][None, :])

    x80 = jnp.concatenate([x, jnp.zeros((n, 2), jnp.float32)], axis=1)
    x80p = jnp.concatenate(
        [x80, jnp.zeros((NPAD - n, 2 * HF), jnp.float32)], axis=0)
    x3d = jnp.stack([x80p[:, :HF], x80p[:, HF:]])
    agg0 = _sc_aggregate0(x3d, src2d0, dst2d0, zeros_half)

    w80 = jnp.concatenate(
        [params['gin0_l1']['W'], jnp.zeros((2, FEAT), jnp.float32)])
    z, stats = _gin0(x80p[:n], agg0[0, :n], agg0[1, :n], w80,
                     params['gin0_l1']['b'][None, :],
                     params['gin0_l2']['W'], params['gin0_l2']['b'][None, :])
    h = _bn_layer(z, stats, 0)

    for i in range(1, 5):
        l1 = params['gin%d_l1' % i]
        l2 = params['gin%d_l2' % i]
        p = _sc_aggregate(h, src2d, dst2d, zeros_pad)
        z, stats = _gin(h, p[0, :n], p[1, :n],
                        l1['W'], l1['b'][None, :],
                        l2['W'], l2['b'][None, :])
        h = _bn_layer(z, stats, i)

    batch3d = batch.reshape(n // BN, 1, BN)
    pool = _pool(h, batch3d)

    def _rnd(a):
        return a.astype(jnp.bfloat16).astype(jnp.float32)

    embp = jnp.concatenate(
        [_rnd(params['emb']), jnp.zeros((6, 128), jnp.float32)], axis=0)
    wf = _rnd(params['conv_W']).transpose(1, 0, 2).reshape(1000, 256)
    wxtr = _rnd(params['fc1_xt']['W'])
    bias_rep = jnp.repeat(params['conv_b'], 121)
    bxt = (params['fc1_xt']['b'] + bias_rep @ wxtr)[None, :]
    wxt3 = wxtr.reshape(32, 121, 128)
    pp = jnp.arange(128)[:, None] - jnp.arange(8)[None, :]
    valid = (pp >= 0) & (pp <= 120)
    gathered = wxt3[:, jnp.clip(pp, 0, 120), :]
    wbig = jnp.where(valid[None, :, :, None], gathered,
                     0.0).transpose(1, 0, 2, 3).reshape(128 * 256, 128)
    wo = jnp.concatenate(
        [params['out']['W'], jnp.zeros((256, 127), jnp.float32)], axis=1)
    bo = jnp.concatenate(
        [params['out']['b'], jnp.zeros((127,), jnp.float32)])[None, :]

    res = _head(pool,
                params['fc1_xd']['W'], params['fc1_xd']['b'][None, :],
                target, embp, wf,
                wbig, bxt,
                params['fc1']['W'], params['fc1']['b'][None, :],
                params['fc2']['W'], params['fc2']['b'][None, :],
                wo, bo)
    return res[:, :1]

# --- scband reference (transcript-rebuilt; emitter-appended) ---
"""Pipeline reference for scband-ginconv-net-53240414601408 (READ-ONLY COPY).

The authoritative reference and input builder live on the scoring server;
editing this copy changes nothing except your own understanding.
"""

import jax, jax.numpy as jnp
import numpy as np

N = 50000
E = 800000
B = 256

def _make_params(key):
    keys = list(jax.random.split(key, 40))
    ctr = [0]
    def nk():
        k = keys[ctr[0]]
        ctr[0] += 1
        return k
    def lin(fi, fo):
        return {'W': jax.random.normal(nk(), (fi, fo), jnp.float32) / np.float32(np.sqrt(fi)), 'b': jnp.zeros((fo,), jnp.float32)}
    p = {}
    ins = [78, 32, 32, 32, 32]
    for i in range(5):
        p['gin%d_l1' % i] = lin(ins[i], 32)
        p['gin%d_l2' % i] = lin(32, 32)
        p['bn%d_g' % i] = jnp.ones((32,), jnp.float32)
        p['bn%d_b' % i] = jnp.zeros((32,), jnp.float32)
    p['fc1_xd'] = lin(32, 128)
    p['emb'] = jax.random.normal(nk(), (26, 128), jnp.float32) * 0.02
    p['conv_W'] = jax.random.normal(nk(), (32, 1000, 8), jnp.float32) / np.float32(np.sqrt(1000 * 8))
    p['conv_b'] = jnp.zeros((32,), jnp.float32)
    p['fc1_xt'] = lin(32 * 121, 128)
    p['fc1'] = lin(256, 1024)
    p['fc2'] = lin(1024, 256)
    p['out'] = lin(256, 1)
    return p

def setup_inputs(seed: int = 0):
    key = jax.random.key(seed)
    kx, ke, kb, kt, kp = jax.random.split(key, 5)
    return {
        'x': jax.random.normal(kx, (N, 78), jnp.float32),
        'edge_index': jax.random.randint(ke, (2, E), 0, N, dtype=jnp.int32),
        'batch': jnp.sort(jax.random.randint(kb, (N,), 0, B, dtype=jnp.int32)),
        'target': jax.random.randint(kt, (B, 1000), 0, 26, dtype=jnp.int32),
        'params': _make_params(kp),
    }

def _forward(x, params, edge_index, batch, target):
    src = edge_index[0]
    dst = edge_index[1]
    h = x
    for i in range(5):
        # GINConv (eps=0): nn((1+eps)*x + sum_{j in N(i)} x_j) via gather + scatter-add
        agg = jnp.zeros_like(h).at[dst].add(h[src])
        z = h + agg
        l1 = params['gin%d_l1' % i]
        l2 = params['gin%d_l2' % i]
        z = jnp.maximum(z @ l1['W'] + l1['b'], 0.0) @ l2['W'] + l2['b']
        z = jnp.maximum(z, 0.0)
        # BatchNorm1d (training-style batch statistics)
        mu = jnp.mean(z, axis=0)
        var = jnp.var(z, axis=0)
        h = (z - mu) / jnp.sqrt(var + 1e-5) * params['bn%d_g' % i] + params['bn%d_b' % i]
    # global mean pool (gap) over graphs
    s = jax.ops.segment_sum(h, batch, num_segments=B)
    cnt = jax.ops.segment_sum(jnp.ones((h.shape[0], 1), jnp.float32), batch, num_segments=B)
    g = s / jnp.maximum(cnt, 1.0)
    g = jnp.maximum(g @ params['fc1_xd']['W'] + params['fc1_xd']['b'], 0.0)
    # protein branch: embedding lookup -> conv1d over embed axis -> fc
    emb = jnp.take(params['emb'], target, axis=0)
    conv = jax.lax.conv_general_dilated(emb, params['conv_W'], (1,), 'VALID', dimension_numbers=('NCH', 'OIH', 'NCH'))
    conv = conv + params['conv_b'][None, :, None]
    xt = conv.reshape(B, 32 * 121) @ params['fc1_xt']['W'] + params['fc1_xt']['b']
    xc = jnp.concatenate([g, xt], axis=1)
    xc = jnp.maximum(xc @ params['fc1']['W'] + params['fc1']['b'], 0.0)
    xc = jnp.maximum(xc @ params['fc2']['W'] + params['fc2']['b'], 0.0)
    return xc @ params['out']['W'] + params['out']['b']

def reference(x, edge_index, batch, target, params):
    return _forward(x, params, edge_index, batch, target)

if __name__ == "__main__":
    import jax
    _d = setup_inputs()
    print(jax.jit(kernel)(*tuple(_d.values())))

</pallas_src>

<mosaic_0001>
#map = affine_map<(d0, d1) -> (0, 0)>
#map1 = affine_map<(d0, d1) -> (0, 0, 0)>
module attributes {stable_mosaic.version = 14 : i64} {
  func.func @_sc_agg_body(%arg0: i32, %arg1: i32, %arg2: memref<50000x32xf32, #tpu.memory_space<hbm>>, %arg3: memref<6400x128xi32, #tpu.memory_space<hbm>>, %arg4: memref<6400x128xi32, #tpu.memory_space<hbm>>, %arg5: memref<50048x32xf32, #tpu.memory_space<hbm>>, %arg6: memref<2x50048x32xf32, #tpu.memory_space<hbm>>, %arg7: memref<40x128xi32, #tpu.memory_space<vmem>>, %arg8: memref<40x128xi32, #tpu.memory_space<vmem>>, %arg9: memref<128x32xf32, #tpu.memory_space<vmem>>, %arg10: memref<50048x32xf32, #tpu.memory_space<vmem_shared>>, %arg11: memref<!tpu.dma_semaphore, #tpu.memory_space<semaphore_mem>>) attributes {dimension_semantics = [#tpu.dimension_semantics<core_parallel>, #tpu.dimension_semantics<subcore_parallel>], iteration_bounds = array<i64: 2, 16>, scalar_prefetch = 0 : i64, scratch_operands = 5 : i64, tpu.core_type = #tpu.core_type<sc_vector_subcore>, window_params = [{transform_indices = #map}, {transform_indices = #map}, {transform_indices = #map}, {transform_indices = #map}, {transform_indices = #map1}]} {
    %mul3A = arith.constant 16 : i32
    %mul3A_0 = arith.muli %arg0, %mul3A : i32
    %add3A = arith.addi %mul3A_0, %arg1 : i32
    %mul3A_1 = arith.constant 3128 : i32
    %mul3A_2 = arith.muli %arg1, %mul3A_1 : i32
    %mul3A_3 = arith.constant 3128 : i32
    %mul3A_4 = arith.muli %arg1, %mul3A_3 : i32
    "tpu.region"() ({
      %run_scoped3A = tpu.sem_alloc : memref<!tpu.dma_semaphore, #tpu.memory_space<semaphore_mem>>
      %dma_start3A = arith.constant 0 : i32
      %dma_start3A_15 = tpu.memref_slice %arg10[%mul3A_4, %dma_start3A] : memref<50048x32xf32, #tpu.memory_space<vmem_shared>> -> memref<3128x32xf32, #tpu.memory_space<vmem_shared>>
      %dma_start3A_16 = arith.constant 0 : i32
      %dma_start3A_17 = tpu.memref_slice %arg5[%mul3A_2, %dma_start3A_16] : memref<50048x32xf32, #tpu.memory_space<hbm>> -> memref<3128x32xf32, #tpu.memory_space<hbm>>
      tpu.enqueue_dma source(%dma_start3A_17 : memref<3128x32xf32, #tpu.memory_space<hbm>>) target(%dma_start3A_15 : memref<3128x32xf32, #tpu.memory_space<vmem_shared>>) target_semaphore(%run_scoped3A : memref<!tpu.dma_semaphore, #tpu.memory_space<semaphore_mem>>)
      %dma_wait3A = arith.constant 0 : i32
      %dma_wait3A_18 = tpu.memref_slice %arg10[%mul3A_4, %dma_wait3A] : memref<50048x32xf32, #tpu.memory_space<vmem_shared>> -> memref<3128x32xf32, #tpu.memory_space<vmem_shared>>
      %dma_wait3A_19 = arith.constant 0 : i32
      %dma_wait3A_20 = tpu.memref_slice %arg5[%mul3A_2, %dma_wait3A_19] : memref<50048x32xf32, #tpu.memory_space<hbm>> -> memref<3128x32xf32, #tpu.memory_space<hbm>>
      tpu.wait_dma2 semaphore(%run_scoped3A : memref<!tpu.dma_semaphore, #tpu.memory_space<semaphore_mem>>) src(%dma_wait3A_20 : memref<3128x32xf32, #tpu.memory_space<hbm>>) dst(%dma_wait3A_18 : memref<3128x32xf32, #tpu.memory_space<vmem_shared>>)
      tpu.yield
    }) : () -> ()
    %barrier3A = arith.constant 0 : index
    tpu.barrier barrier_id(%barrier3A)
    %scan3A = arith.constant 0 : i32
    %scan3A_5 = arith.constant 0 : i32
    %scan3A_6 = arith.constant 5 : i32
    %scan3A_7 = arith.addi %scan3A_5, %scan3A_6 : i32
    %scan3A_8 = arith.constant 1 : i32
    scf.for %scan3A_15 = %scan3A_5 to %scan3A_7 step %scan3A_8  : i32 {
      %mul3A_16 = arith.constant 200 : i32
      %mul3A_17 = arith.muli %add3A, %mul3A_16 : i32
      %mul3A_18 = arith.constant 40 : i32
      %mul3A_19 = arith.muli %scan3A_15, %mul3A_18 : i32
      %add3A_20 = arith.addi %mul3A_17, %mul3A_19 : i32
      "tpu.region"() ({
        %run_scoped3A = tpu.sem_alloc : memref<!tpu.dma_semaphore, #tpu.memory_space<semaphore_mem>>
        %dma_start3A = arith.constant 0 : i32
        %dma_start3A_27 = tpu.memref_slice %arg3[%add3A_20, %dma_start3A] : memref<6400x128xi32, #tpu.memory_space<hbm>> -> memref<40x128xi32, #tpu.memory_space<hbm>>
        %dma_start3A_28 = arith.constant 0 : i32
        %dma_start3A_29 = tpu.memref_slice %arg3[%add3A_20, %dma_start3A_28] : memref<6400x128xi32, #tpu.memory_space<hbm>> -> memref<40x128xi32, #tpu.memory_space<hbm>>
        tpu.enqueue_dma source(%dma_start3A_29 : memref<40x128xi32, #tpu.memory_space<hbm>>) target(%arg7 : memref<40x128xi32, #tpu.memory_space<vmem>>) target_semaphore(%run_scoped3A : memref<!tpu.dma_semaphore, #tpu.memory_space<semaphore_mem>>)
        %dma_wait3A = arith.constant 0 : i32
        %dma_wait3A_30 = tpu.memref_slice %arg3[%add3A_20, %dma_wait3A] : memref<6400x128xi32, #tpu.memory_space<hbm>> -> memref<40x128xi32, #tpu.memory_space<hbm>>
        %dma_wait3A_31 = arith.constant 0 : i32
        %dma_wait3A_32 = tpu.memref_slice %arg3[%add3A_20, %dma_wait3A_31] : memref<6400x128xi32, #tpu.memory_space<hbm>> -> memref<40x128xi32, #tpu.memory_space<hbm>>
        tpu.wait_dma2 semaphore(%run_scoped3A : memref<!tpu.dma_semaphore, #tpu.memory_space<semaphore_mem>>) src(%dma_wait3A_32 : memref<40x128xi32, #tpu.memory_space<hbm>>) dst(%arg7 : memref<40x128xi32, #tpu.memory_space<vmem>>)
        tpu.yield
      }) : () -> ()
      "tpu.region"() ({
        %run_scoped3A = tpu.sem_alloc : memref<!tpu.dma_semaphore, #tpu.memory_space<semaphore_mem>>
        %dma_start3A = arith.constant 0 : i32
        %dma_start3A_27 = tpu.memref_slice %arg4[%add3A_20, %dma_start3A] : memref<6400x128xi32, #tpu.memory_space<hbm>> -> memref<40x128xi32, #tpu.memory_space<hbm>>
        %dma_start3A_28 = arith.constant 0 : i32
        %dma_start3A_29 = tpu.memref_slice %arg4[%add3A_20, %dma_start3A_28] : memref<6400x128xi32, #tpu.memory_space<hbm>> -> memref<40x128xi32, #tpu.memory_space<hbm>>
        tpu.enqueue_dma source(%dma_start3A_29 : memref<40x128xi32, #tpu.memory_space<hbm>>) target(%arg8 : memref<40x128xi32, #tpu.memory_space<vmem>>) target_semaphore(%run_scoped3A : memref<!tpu.dma_semaphore, #tpu.memory_space<semaphore_mem>>)
        %dma_wait3A = arith.constant 0 : i32
        %dma_wait3A_30 = tpu.memref_slice %arg4[%add3A_20, %dma_wait3A] : memref<6400x128xi32, #tpu.memory_space<hbm>> -> memref<40x128xi32, #tpu.memory_space<hbm>>
        %dma_wait3A_31 = arith.constant 0 : i32
        %dma_wait3A_32 = tpu.memref_slice %arg4[%add3A_20, %dma_wait3A_31] : memref<6400x128xi32, #tpu.memory_space<hbm>> -> memref<40x128xi32, #tpu.memory_space<hbm>>
        tpu.wait_dma2 semaphore(%run_scoped3A : memref<!tpu.dma_semaphore, #tpu.memory_space<semaphore_mem>>) src(%dma_wait3A_32 : memref<40x128xi32, #tpu.memory_space<hbm>>) dst(%arg8 : memref<40x128xi32, #tpu.memory_space<vmem>>)
        tpu.yield
      }) : () -> ()
      %scan3A_21 = arith.constant 0 : i32
      %scan3A_22 = arith.constant 0 : i32
      %scan3A_23 = arith.constant 40 : i32
      %scan3A_24 = arith.addi %scan3A_22, %scan3A_23 : i32
      %scan3A_25 = arith.constant 1 : i32
      scf.for %scan3A_27 = %scan3A_22 to %scan3A_24 step %scan3A_25  : i32 {
        %dma_start3A = arith.constant 0 : i32
        %dma_start3A_28 = tpu.memref_slice %arg7[%scan3A_27, %dma_start3A] : memref<40x128xi32, #tpu.memory_space<vmem>> -> memref<1x128xi32, #tpu.memory_space<vmem>>
        %dma_start3A_29 = tpu.memref_squeeze %dma_start3A_28 : memref<1x128xi32, #tpu.memory_space<vmem>> -> memref<128xi32, #tpu.memory_space<vmem>>
        %dma_start3A_30 = arith.constant 0 : i32
        %dma_start3A_31 = arith.constant 0 : i32
        %dma_start3A_32 = tpu.memref_slice %arg2[%dma_start3A_30, %dma_start3A_31] : memref<50000x32xf32, #tpu.memory_space<hbm>> -> memref<50000x32xf32, #tpu.memory_space<hbm>>
        tpu.enqueue_indirect_dma source(%dma_start3A_32 : memref<50000x32xf32, #tpu.memory_space<hbm>>) target(%arg9 : memref<128x32xf32, #tpu.memory_space<vmem>>) offsets(%dma_start3A_29 : memref<128xi32, #tpu.memory_space<vmem>>) semaphore(%arg11 : memref<!tpu.dma_semaphore, #tpu.memory_space<semaphore_mem>>)
        %dma_wait3A = arith.constant 0 : i32
        %dma_wait3A_33 = tpu.memref_slice %arg7[%scan3A_27, %dma_wait3A] : memref<40x128xi32, #tpu.memory_space<vmem>> -> memref<1x128xi32, #tpu.memory_space<vmem>>
        %dma_wait3A_34 = tpu.memref_squeeze %dma_wait3A_33 : memref<1x128xi32, #tpu.memory_space<vmem>> -> memref<128xi32, #tpu.memory_space<vmem>>
        %dma_wait3A_35 = arith.constant 0 : i32
        %dma_wait3A_36 = arith.constant 0 : i32
        %dma_wait3A_37 = tpu.memref_slice %arg2[%dma_wait3A_35, %dma_wait3A_36] : memref<50000x32xf32, #tpu.memory_space<hbm>> -> memref<50000x32xf32, #tpu.memory_space<hbm>>
        tpu.wait_indirect_dma semaphore(%arg11 : memref<!tpu.dma_semaphore, #tpu.memory_space<semaphore_mem>>) src(%dma_wait3A_37 : memref<50000x32xf32, #tpu.memory_space<hbm>>) dst(%arg9 : memref<128x32xf32, #tpu.memory_space<vmem>>)
        "tpu.region"() ({
          %run_scoped3A = tpu.sem_alloc : memref<!tpu.dma_semaphore, #tpu.memory_space<semaphore_mem>>
          %dma_start3A_38 = arith.constant 0 : i32
          %dma_start3A_39 = tpu.memref_slice %arg8[%scan3A_27, %dma_start3A_38] : memref<40x128xi32, #tpu.memory_space<vmem>> -> memref<1x128xi32, #tpu.memory_space<vmem>>
          %dma_start3A_40 = tpu.memref_squeeze %dma_start3A_39 : memref<1x128xi32, #tpu.memory_space<vmem>> -> memref<128xi32, #tpu.memory_space<vmem>>
          %dma_start3A_41 = arith.constant 0 : i32
          %dma_start3A_42 = arith.constant 0 : i32
          %dma_start3A_43 = tpu.memref_slice %arg10[%dma_start3A_41, %dma_start3A_42] : memref<50048x32xf32, #tpu.memory_space<vmem_shared>> -> memref<50048x32xf32, #tpu.memory_space<vmem_shared>>
          tpu.enqueue_indirect_dma source(%arg9 : memref<128x32xf32, #tpu.memory_space<vmem>>) target(%dma_start3A_43 : memref<50048x32xf32, #tpu.memory_space<vmem_shared>>) offsets(%dma_start3A_40 : memref<128xi32, #tpu.memory_space<vmem>>) semaphore(%run_scoped3A : memref<!tpu.dma_semaphore, #tpu.memory_space<semaphore_mem>>) {add = true}
          %dma_wait3A_44 = arith.constant 0 : i32
          %dma_wait3A_45 = tpu.memref_slice %arg8[%scan3A_27, %dma_wait3A_44] : memref<40x128xi32, #tpu.memory_space<vmem>> -> memref<1x128xi32, #tpu.memory_space<vmem>>
          %dma_wait3A_46 = tpu.memref_squeeze %dma_wait3A_45 : memref<1x128xi32, #tpu.memory_space<vmem>> -> memref<128xi32, #tpu.memory_space<vmem>>
          %dma_wait3A_47 = arith.constant 0 : i32
          %dma_wait3A_48 = arith.constant 0 : i32
          %dma_wait3A_49 = tpu.memref_slice %arg10[%dma_wait3A_47, %dma_wait3A_48] : memref<50048x32xf32, #tpu.memory_space<vmem_shared>> -> memref<50048x32xf32, #tpu.memory_space<vmem_shared>>
          tpu.wait_indirect_dma semaphore(%run_scoped3A : memref<!tpu.dma_semaphore, #tpu.memory_space<semaphore_mem>>) src(%arg9 : memref<128x32xf32, #tpu.memory_space<vmem>>) dst(%dma_wait3A_49 : memref<50048x32xf32, #tpu.memory_space<vmem_shared>>)
          tpu.yield
        }) : () -> ()
      }
      %scan3A_26 = arith.constant 40 : i32
    }
    %scan3A_9 = arith.constant 5 : i32
    %barrier3A_10 = arith.constant 0 : index
    tpu.barrier barrier_id(%barrier3A_10)
    %mul3A_11 = arith.constant 3128 : i32
    %mul3A_12 = arith.muli %arg1, %mul3A_11 : i32
    %mul3A_13 = arith.constant 3128 : i32
    %mul3A_14 = arith.muli %arg1, %mul3A_13 : i32
    "tpu.region"() ({
      %run_scoped3A = tpu.sem_alloc : memref<!tpu.dma_semaphore, #tpu.memory_space<semaphore_mem>>
      %dma_start3A = arith.constant 0 : i32
      %dma_start3A_15 = tpu.memref_slice %arg6[%arg0, %mul3A_14, %dma_start3A] : memref<2x50048x32xf32, #tpu.memory_space<hbm>> -> memref<1x3128x32xf32, #tpu.memory_space<hbm>>
      %dma_start3A_16 = tpu.memref_squeeze %dma_start3A_15 : memref<1x3128x32xf32, #tpu.memory_space<hbm>> -> memref<3128x32xf32, #tpu.memory_space<hbm>>
      %dma_start3A_17 = arith.constant 0 : i32
      %dma_start3A_18 = tpu.memref_slice %arg10[%mul3A_12, %dma_start3A_17] : memref<50048x32xf32, #tpu.memory_space<vmem_shared>> -> memref<3128x32xf32, #tpu.memory_space<vmem_shared>>
      tpu.enqueue_dma source(%dma_start3A_18 : memref<3128x32xf32, #tpu.memory_space<vmem_shared>>) target(%dma_start3A_16 : memref<3128x32xf32, #tpu.memory_space<hbm>>) target_semaphore(%run_scoped3A : memref<!tpu.dma_semaphore, #tpu.memory_space<semaphore_mem>>)
      %dma_wait3A = arith.constant 0 : i32
      %dma_wait3A_19 = tpu.memref_slice %arg6[%arg0, %mul3A_14, %dma_wait3A] : memref<2x50048x32xf32, #tpu.memory_space<hbm>> -> memref<1x3128x32xf32, #tpu.memory_space<hbm>>
      %dma_wait3A_20 = tpu.memref_squeeze %dma_wait3A_19 : memref<1x3128x32xf32, #tpu.memory_space<hbm>> -> memref<3128x32xf32, #tpu.memory_space<hbm>>
      %dma_wait3A_21 = arith.constant 0 : i32
      %dma_wait3A_22 = tpu.memref_slice %arg10[%mul3A_12, %dma_wait3A_21] : memref<50048x32xf32, #tpu.memory_space<vmem_shared>> -> memref<3128x32xf32, #tpu.memory_space<vmem_shared>>
      tpu.wait_dma2 semaphore(%run_scoped3A : memref<!tpu.dma_semaphore, #tpu.memory_space<semaphore_mem>>) src(%dma_wait3A_22 : memref<3128x32xf32, #tpu.memory_space<vmem_shared>>) dst(%dma_wait3A_20 : memref<3128x32xf32, #tpu.memory_space<hbm>>)
      tpu.yield
    }) : () -> ()
    return
  }
}

#map = affine_map<(d0, d1) -> (0, 0, 0)>
#map1 = affine_map<(d0, d1) -> (0, 0)>
module attributes {stable_mosaic.version = 14 : i64} {
  func.func @_sc_agg0_body(%arg0: i32, %arg1: i32, %arg2: memref<2x50048x40xf32, #tpu.memory_space<hbm>>, %arg3: memref<12544x64xi32, #tpu.memory_space<hbm>>, %arg4: memref<12544x64xi32, #tpu.memory_space<hbm>>, %arg5: memref<50048x40xf32, #tpu.memory_space<hbm>>, %arg6: memref<2x50048x40xf32, #tpu.memory_space<hbm>>, %arg7: memref<8x64xi32, #tpu.memory_space<vmem>>, %arg8: memref<8x64xi32, #tpu.memory_space<vmem>>, %arg9: memref<64x40xf32, #tpu.memory_space<vmem>>, %arg10: memref<50048x40xf32, #tpu.memory_space<vmem_shared>>, %arg11: memref<!tpu.dma_semaphore, #tpu.memory_space<semaphore_mem>>) attributes {dimension_semantics = [#tpu.dimension_semantics<core_parallel>, #tpu.dimension_semantics<subcore_parallel>], iteration_bounds = array<i64: 2, 16>, scalar_prefetch = 0 : i64, scratch_operands = 5 : i64, tpu.core_type = #tpu.core_type<sc_vector_subcore>, window_params = [{transform_indices = #map}, {transform_indices = #map1}, {transform_indices = #map1}, {transform_indices = #map1}, {transform_indices = #map}]} {
    %mul3A = arith.constant 3128 : i32
    %mul3A_0 = arith.muli %arg1, %mul3A : i32
    %mul3A_1 = arith.constant 3128 : i32
    %mul3A_2 = arith.muli %arg1, %mul3A_1 : i32
    "tpu.region"() ({
      %run_scoped3A = tpu.sem_alloc : memref<!tpu.dma_semaphore, #tpu.memory_space<semaphore_mem>>
      %dma_start3A = arith.constant 0 : i32
      %dma_start3A_13 = tpu.memref_slice %arg10[%mul3A_2, %dma_start3A] : memref<50048x40xf32, #tpu.memory_space<vmem_shared>> -> memref<3128x40xf32, #tpu.memory_space<vmem_shared>>
      %dma_start3A_14 = arith.constant 0 : i32
      %dma_start3A_15 = tpu.memref_slice %arg5[%mul3A_0, %dma_start3A_14] : memref<50048x40xf32, #tpu.memory_space<hbm>> -> memref<3128x40xf32, #tpu.memory_space<hbm>>
      tpu.enqueue_dma source(%dma_start3A_15 : memref<3128x40xf32, #tpu.memory_space<hbm>>) target(%dma_start3A_13 : memref<3128x40xf32, #tpu.memory_space<vmem_shared>>) target_semaphore(%run_scoped3A : memref<!tpu.dma_semaphore, #tpu.memory_space<semaphore_mem>>)
      %dma_wait3A = arith.constant 0 : i32
      %dma_wait3A_16 = tpu.memref_slice %arg10[%mul3A_2, %dma_wait3A] : memref<50048x40xf32, #tpu.memory_space<vmem_shared>> -> memref<3128x40xf32, #tpu.memory_space<vmem_shared>>
      %dma_wait3A_17 = arith.constant 0 : i32
      %dma_wait3A_18 = tpu.memref_slice %arg5[%mul3A_0, %dma_wait3A_17] : memref<50048x40xf32, #tpu.memory_space<hbm>> -> memref<3128x40xf32, #tpu.memory_space<hbm>>
      tpu.wait_dma2 semaphore(%run_scoped3A : memref<!tpu.dma_semaphore, #tpu.memory_space<semaphore_mem>>) src(%dma_wait3A_18 : memref<3128x40xf32, #tpu.memory_space<hbm>>) dst(%dma_wait3A_16 : memref<3128x40xf32, #tpu.memory_space<vmem_shared>>)
      tpu.yield
    }) : () -> ()
    %barrier3A = arith.constant 0 : index
    tpu.barrier barrier_id(%barrier3A)
    %scan3A = arith.constant 0 : i32
    %scan3A_3 = arith.constant 0 : i32
    %scan3A_4 = arith.constant 98 : i32
    %scan3A_5 = arith.addi %scan3A_3, %scan3A_4 : i32
    %scan3A_6 = arith.constant 1 : i32
    scf.for %scan3A_13 = %scan3A_3 to %scan3A_5 step %scan3A_6  : i32 {
      %mul3A_14 = arith.constant 784 : i32
      %mul3A_15 = arith.muli %arg1, %mul3A_14 : i32
      %mul3A_16 = arith.constant 8 : i32
      %mul3A_17 = arith.muli %scan3A_13, %mul3A_16 : i32
      %add3A = arith.addi %mul3A_15, %mul3A_17 : i32
      "tpu.region"() ({
        %run_scoped3A = tpu.sem_alloc : memref<!tpu.dma_semaphore, #tpu.memory_space<semaphore_mem>>
        %dma_start3A = arith.constant 0 : i32
        %dma_start3A_24 = tpu.memref_slice %arg3[%add3A, %dma_start3A] : memref<12544x64xi32, #tpu.memory_space<hbm>> -> memref<8x64xi32, #tpu.memory_space<hbm>>
        %dma_start3A_25 = arith.constant 0 : i32
        %dma_start3A_26 = tpu.memref_slice %arg3[%add3A, %dma_start3A_25] : memref<12544x64xi32, #tpu.memory_space<hbm>> -> memref<8x64xi32, #tpu.memory_space<hbm>>
        tpu.enqueue_dma source(%dma_start3A_26 : memref<8x64xi32, #tpu.memory_space<hbm>>) target(%arg7 : memref<8x64xi32, #tpu.memory_space<vmem>>) target_semaphore(%run_scoped3A : memref<!tpu.dma_semaphore, #tpu.memory_space<semaphore_mem>>)
        %dma_wait3A = arith.constant 0 : i32
        %dma_wait3A_27 = tpu.memref_slice %arg3[%add3A, %dma_wait3A] : memref<12544x64xi32, #tpu.memory_space<hbm>> -> memref<8x64xi32, #tpu.memory_space<hbm>>
        %dma_wait3A_28 = arith.constant 0 : i32
        %dma_wait3A_29 = tpu.memref_slice %arg3[%add3A, %dma_wait3A_28] : memref<12544x64xi32, #tpu.memory_space<hbm>> -> memref<8x64xi32, #tpu.memory_space<hbm>>
        tpu.wait_dma2 semaphore(%run_scoped3A : memref<!tpu.dma_semaphore, #tpu.memory_space<semaphore_mem>>) src(%dma_wait3A_29 : memref<8x64xi32, #tpu.memory_space<hbm>>) dst(%arg7 : memref<8x64xi32, #tpu.memory_space<vmem>>)
        tpu.yield
      }) : () -> ()
      "tpu.region"() ({
        %run_scoped3A = tpu.sem_alloc : memref<!tpu.dma_semaphore, #tpu.memory_space<semaphore_mem>>
        %dma_start3A = arith.constant 0 : i32
        %dma_start3A_24 = tpu.memref_slice %arg4[%add3A, %dma_start3A] : memref<12544x64xi32, #tpu.memory_space<hbm>> -> memref<8x64xi32, #tpu.memory_space<hbm>>
        %dma_start3A_25 = arith.constant 0 : i32
        %dma_start3A_26 = tpu.memref_slice %arg4[%add3A, %dma_start3A_25] : memref<12544x64xi32, #tpu.memory_space<hbm>> -> memref<8x64xi32, #tpu.memory_space<hbm>>
        tpu.enqueue_dma source(%dma_start3A_26 : memref<8x64xi32, #tpu.memory_space<hbm>>) target(%arg8 : memref<8x64xi32, #tpu.memory_space<vmem>>) target_semaphore(%run_scoped3A : memref<!tpu.dma_semaphore, #tpu.memory_space<semaphore_mem>>)
        %dma_wait3A = arith.constant 0 : i32
        %dma_wait3A_27 = tpu.memref_slice %arg4[%add3A, %dma_wait3A] : memref<12544x64xi32, #tpu.memory_space<hbm>> -> memref<8x64xi32, #tpu.memory_space<hbm>>
        %dma_wait3A_28 = arith.constant 0 : i32
        %dma_wait3A_29 = tpu.memref_slice %arg4[%add3A, %dma_wait3A_28] : memref<12544x64xi32, #tpu.memory_space<hbm>> -> memref<8x64xi32, #tpu.memory_space<hbm>>
        tpu.wait_dma2 semaphore(%run_scoped3A : memref<!tpu.dma_semaphore, #tpu.memory_space<semaphore_mem>>) src(%dma_wait3A_29 : memref<8x64xi32, #tpu.memory_space<hbm>>) dst(%arg8 : memref<8x64xi32, #tpu.memory_space<vmem>>)
        tpu.yield
      }) : () -> ()
      %scan3A_18 = arith.constant 0 : i32
      %scan3A_19 = arith.constant 0 : i32
      %scan3A_20 = arith.constant 8 : i32
      %scan3A_21 = arith.addi %scan3A_19, %scan3A_20 : i32
      %scan3A_22 = arith.constant 1 : i32
      scf.for %scan3A_24 = %scan3A_19 to %scan3A_21 step %scan3A_22  : i32 {
        %dma_start3A = arith.constant 0 : i32
        %dma_start3A_25 = tpu.memref_slice %arg7[%scan3A_24, %dma_start3A] : memref<8x64xi32, #tpu.memory_space<vmem>> -> memref<1x64xi32, #tpu.memory_space<vmem>>
        %dma_start3A_26 = tpu.memref_squeeze %dma_start3A_25 : memref<1x64xi32, #tpu.memory_space<vmem>> -> memref<64xi32, #tpu.memory_space<vmem>>
        %dma_start3A_27 = arith.constant 0 : i32
        %dma_start3A_28 = arith.constant 0 : i32
        %dma_start3A_29 = tpu.memref_slice %arg2[%arg0, %dma_start3A_27, %dma_start3A_28] : memref<2x50048x40xf32, #tpu.memory_space<hbm>> -> memref<1x50048x40xf32, #tpu.memory_space<hbm>>
        %dma_start3A_30 = tpu.memref_squeeze %dma_start3A_29 : memref<1x50048x40xf32, #tpu.memory_space<hbm>> -> memref<50048x40xf32, #tpu.memory_space<hbm>>
        %dma_start3A_31 = arith.constant 0 : i32
        %dma_start3A_32 = arith.constant 0 : i32
        %dma_start3A_33 = tpu.memref_slice %dma_start3A_30[%dma_start3A_31, %dma_start3A_32] : memref<50048x40xf32, #tpu.memory_space<hbm>> -> memref<50048x40xf32, #tpu.memory_space<hbm>>
        tpu.enqueue_indirect_dma source(%dma_start3A_33 : memref<50048x40xf32, #tpu.memory_space<hbm>>) target(%arg9 : memref<64x40xf32, #tpu.memory_space<vmem>>) offsets(%dma_start3A_26 : memref<64xi32, #tpu.memory_space<vmem>>) semaphore(%arg11 : memref<!tpu.dma_semaphore, #tpu.memory_space<semaphore_mem>>)
        %dma_wait3A = arith.constant 0 : i32
        %dma_wait3A_34 = tpu.memref_slice %arg7[%scan3A_24, %dma_wait3A] : memref<8x64xi32, #tpu.memory_space<vmem>> -> memref<1x64xi32, #tpu.memory_space<vmem>>
        %dma_wait3A_35 = tpu.memref_squeeze %dma_wait3A_34 : memref<1x64xi32, #tpu.memory_space<vmem>> -> memref<64xi32, #tpu.memory_space<vmem>>
        %dma_wait3A_36 = arith.constant 0 : i32
        %dma_wait3A_37 = arith.constant 0 : i32
        %dma_wait3A_38 = tpu.memref_slice %arg2[%arg0, %dma_wait3A_36, %dma_wait3A_37] : memref<2x50048x40xf32, #tpu.memory_space<hbm>> -> memref<1x50048x40xf32, #tpu.memory_space<hbm>>
        %dma_wait3A_39 = tpu.memref_squeeze %dma_wait3A_38 : memref<1x50048x40xf32, #tpu.memory_space<hbm>> -> memref<50048x40xf32, #tpu.memory_space<hbm>>
        %dma_wait3A_40 = arith.constant 0 : i32
        %dma_wait3A_41 = arith.constant 0 : i32
        %dma_wait3A_42 = tpu.memref_slice %dma_wait3A_39[%dma_wait3A_40, %dma_wait3A_41] : memref<50048x40xf32, #tpu.memory_space<hbm>> -> memref<50048x40xf32, #tpu.memory_space<hbm>>
        tpu.wait_indirect_dma semaphore(%arg11 : memref<!tpu.dma_semaphore, #tpu.memory_space<semaphore_mem>>) src(%dma_wait3A_42 : memref<50048x40xf32, #tpu.memory_space<hbm>>) dst(%arg9 : memref<64x40xf32, #tpu.memory_space<vmem>>)
        "tpu.region"() ({
          %run_scoped3A = tpu.sem_alloc : memref<!tpu.dma_semaphore, #tpu.memory_space<semaphore_mem>>
          %dma_start3A_43 = arith.constant 0 : i32
          %dma_start3A_44 = tpu.memref_slice %arg8[%scan3A_24, %dma_start3A_43] : memref<8x64xi32, #tpu.memory_space<vmem>> -> memref<1x64xi32, #tpu.memory_space<vmem>>
          %dma_start3A_45 = tpu.memref_squeeze %dma_start3A_44 : memref<1x64xi32, #tpu.memory_space<vmem>> -> memref<64xi32, #tpu.memory_space<vmem>>
          %dma_start3A_46 = arith.constant 0 : i32
          %dma_start3A_47 = arith.constant 0 : i32
          %dma_start3A_48 = tpu.memref_slice %arg10[%dma_start3A_46, %dma_start3A_47] : memref<50048x40xf32, #tpu.memory_space<vmem_shared>> -> memref<50048x40xf32, #tpu.memory_space<vmem_shared>>
          tpu.enqueue_indirect_dma source(%arg9 : memref<64x40xf32, #tpu.memory_space<vmem>>) target(%dma_start3A_48 : memref<50048x40xf32, #tpu.memory_space<vmem_shared>>) offsets(%dma_start3A_45 : memref<64xi32, #tpu.memory_space<vmem>>) semaphore(%run_scoped3A : memref<!tpu.dma_semaphore, #tpu.memory_space<semaphore_mem>>) {add = true}
          %dma_wait3A_49 = arith.constant 0 : i32
          %dma_wait3A_50 = tpu.memref_slice %arg8[%scan3A_24, %dma_wait3A_49] : memref<8x64xi32, #tpu.memory_space<vmem>> -> memref<1x64xi32, #tpu.memory_space<vmem>>
          %dma_wait3A_51 = tpu.memref_squeeze %dma_wait3A_50 : memref<1x64xi32, #tpu.memory_space<vmem>> -> memref<64xi32, #tpu.memory_space<vmem>>
          %dma_wait3A_52 = arith.constant 0 : i32
          %dma_wait3A_53 = arith.constant 0 : i32
          %dma_wait3A_54 = tpu.memref_slice %arg10[%dma_wait3A_52, %dma_wait3A_53] : memref<50048x40xf32, #tpu.memory_space<vmem_shared>> -> memref<50048x40xf32, #tpu.memory_space<vmem_shared>>
          tpu.wait_indirect_dma semaphore(%run_scoped3A : memref<!tpu.dma_semaphore, #tpu.memory_space<semaphore_mem>>) src(%arg9 : memref<64x40xf32, #tpu.memory_space<vmem>>) dst(%dma_wait3A_54 : memref<50048x40xf32, #tpu.memory_space<vmem_shared>>)
          tpu.yield
        }) : () -> ()
      }
      %scan3A_23 = arith.constant 8 : i32
    }
    %scan3A_7 = arith.constant 98 : i32
    %barrier3A_8 = arith.constant 0 : index
    tpu.barrier barrier_id(%barrier3A_8)
    %mul3A_9 = arith.constant 3128 : i32
    %mul3A_10 = arith.muli %arg1, %mul3A_9 : i32
    %mul3A_11 = arith.constant 3128 : i32
    %mul3A_12 = arith.muli %arg1, %mul3A_11 : i32
    "tpu.region"() ({
      %run_scoped3A = tpu.sem_alloc : memref<!tpu.dma_semaphore, #tpu.memory_space<semaphore_mem>>
      %dma_start3A = arith.constant 0 : i32
      %dma_start3A_13 = tpu.memref_slice %arg6[%arg0, %mul3A_12, %dma_start3A] : memref<2x50048x40xf32, #tpu.memory_space<hbm>> -> memref<1x3128x40xf32, #tpu.memory_space<hbm>>
      %dma_start3A_14 = tpu.memref_squeeze %dma_start3A_13 : memref<1x3128x40xf32, #tpu.memory_space<hbm>> -> memref<3128x40xf32, #tpu.memory_space<hbm>>
      %dma_start3A_15 = arith.constant 0 : i32
      %dma_start3A_16 = tpu.memref_slice %arg10[%mul3A_10, %dma_start3A_15] : memref<50048x40xf32, #tpu.memory_space<vmem_shared>> -> memref<3128x40xf32, #tpu.memory_space<vmem_shared>>
      tpu.enqueue_dma source(%dma_start3A_16 : memref<3128x40xf32, #tpu.memory_space<vmem_shared>>) target(%dma_start3A_14 : memref<3128x40xf32, #tpu.memory_space<hbm>>) target_semaphore(%run_scoped3A : memref<!tpu.dma_semaphore, #tpu.memory_space<semaphore_mem>>)
      %dma_wait3A = arith.constant 0 : i32
      %dma_wait3A_17 = tpu.memref_slice %arg6[%arg0, %mul3A_12, %dma_wait3A] : memref<2x50048x40xf32, #tpu.memory_space<hbm>> -> memref<1x3128x40xf32, #tpu.memory_space<hbm>>
      %dma_wait3A_18 = tpu.memref_squeeze %dma_wait3A_17 : memref<1x3128x40xf32, #tpu.memory_space<hbm>> -> memref<3128x40xf32, #tpu.memory_space<hbm>>
      %dma_wait3A_19 = arith.constant 0 : i32
      %dma_wait3A_20 = tpu.memref_slice %arg10[%mul3A_10, %dma_wait3A_19] : memref<50048x40xf32, #tpu.memory_space<vmem_shared>> -> memref<3128x40xf32, #tpu.memory_space<vmem_shared>>
      tpu.wait_dma2 semaphore(%run_scoped3A : memref<!tpu.dma_semaphore, #tpu.memory_space<semaphore_mem>>) src(%dma_wait3A_20 : memref<3128x40xf32, #tpu.memory_space<vmem_shared>>) dst(%dma_wait3A_18 : memref<3128x40xf32, #tpu.memory_space<hbm>>)
      tpu.yield
    }) : () -> ()
    return
  }
}

#map = affine_map<(d0, d1) -> (0, 0)>
#map1 = affine_map<(d0, d1) -> (0, 0, 0)>
module attributes {stable_mosaic.version = 14 : i64} {
  func.func @_sc_agg_body(%arg0: i32, %arg1: i32, %arg2: memref<50000x32xf32, #tpu.memory_space<hbm>>, %arg3: memref<6400x128xi32, #tpu.memory_space<hbm>>, %arg4: memref<6400x128xi32, #tpu.memory_space<hbm>>, %arg5: memref<50048x32xf32, #tpu.memory_space<hbm>>, %arg6: memref<2x50048x32xf32, #tpu.memory_space<hbm>>, %arg7: memref<40x128xi32, #tpu.memory_space<vmem>>, %arg8: memref<40x128xi32, #tpu.memory_space<vmem>>, %arg9: memref<128x32xf32, #tpu.memory_space<vmem>>, %arg10: memref<50048x32xf32, #tpu.memory_space<vmem_shared>>, %arg11: memref<!tpu.dma_semaphore, #tpu.memory_space<semaphore_mem>>) attributes {dimension_semantics = [#tpu.dimension_semantics<core_parallel>, #tpu.dimension_semantics<subcore_parallel>], iteration_bounds = array<i64: 2, 16>, scalar_prefetch = 0 : i64, scratch_operands = 5 : i64, tpu.core_type = #tpu.core_type<sc_vector_subcore>, window_params = [{transform_indices = #map}, {transform_indices = #map}, {transform_indices = #map}, {transform_indices = #map}, {transform_indices = #map1}]} {
    %mul3A = arith.constant 16 : i32
    %mul3A_0 = arith.muli %arg0, %mul3A : i32
    %add3A = arith.addi %mul3A_0, %arg1 : i32
    %mul3A_1 = arith.constant 3128 : i32
    %mul3A_2 = arith.muli %arg1, %mul3A_1 : i32
    %mul3A_3 = arith.constant 3128 : i32
    %mul3A_4 = arith.muli %arg1, %mul3A_3 : i32
    "tpu.region"() ({
      %run_scoped3A = tpu.sem_alloc : memref<!tpu.dma_semaphore, #tpu.memory_space<semaphore_mem>>
      %dma_start3A = arith.constant 0 : i32
      %dma_start3A_15 = tpu.memref_slice %arg10[%mul3A_4, %dma_start3A] : memref<50048x32xf32, #tpu.memory_space<vmem_shared>> -> memref<3128x32xf32, #tpu.memory_space<vmem_shared>>
      %dma_start3A_16 = arith.constant 0 : i32
      %dma_start3A_17 = tpu.memref_slice %arg5[%mul3A_2, %dma_start3A_16] : memref<50048x32xf32, #tpu.memory_space<hbm>> -> memref<3128x32xf32, #tpu.memory_space<hbm>>
      tpu.enqueue_dma source(%dma_start3A_17 : memref<3128x32xf32, #tpu.memory_space<hbm>>) target(%dma_start3A_15 : memref<3128x32xf32, #tpu.memory_space<vmem_shared>>) target_semaphore(%run_scoped3A : memref<!tpu.dma_semaphore, #tpu.memory_space<semaphore_mem>>)
      %dma_wait3A = arith.constant 0 : i32
      %dma_wait3A_18 = tpu.memref_slice %arg10[%mul3A_4, %dma_wait3A] : memref<50048x32xf32, #tpu.memory_space<vmem_shared>> -> memref<3128x32xf32, #tpu.memory_space<vmem_shared>>
      %dma_wait3A_19 = arith.constant 0 : i32
      %dma_wait3A_20 = tpu.memref_slice %arg5[%mul3A_2, %dma_wait3A_19] : memref<50048x32xf32, #tpu.memory_space<hbm>> -> memref<3128x32xf32, #tpu.memory_space<hbm>>
      tpu.wait_dma2 semaphore(%run_scoped3A : memref<!tpu.dma_semaphore, #tpu.memory_space<semaphore_mem>>) src(%dma_wait3A_20 : memref<3128x32xf32, #tpu.memory_space<hbm>>) dst(%dma_wait3A_18 : memref<3128x32xf32, #tpu.memory_space<vmem_shared>>)
      tpu.yield
    }) : () -> ()
    %barrier3A = arith.constant 0 : index
    tpu.barrier barrier_id(%barrier3A)
    %scan3A = arith.constant 0 : i32
    %scan3A_5 = arith.constant 0 : i32
    %scan3A_6 = arith.constant 5 : i32
    %scan3A_7 = arith.addi %scan3A_5, %scan3A_6 : i32
    %scan3A_8 = arith.constant 1 : i32
    scf.for %scan3A_15 = %scan3A_5 to %scan3A_7 step %scan3A_8  : i32 {
      %mul3A_16 = arith.constant 200 : i32
      %mul3A_17 = arith.muli %add3A, %mul3A_16 : i32
      %mul3A_18 = arith.constant 40 : i32
      %mul3A_19 = arith.muli %scan3A_15, %mul3A_18 : i32
      %add3A_20 = arith.addi %mul3A_17, %mul3A_19 : i32
      "tpu.region"() ({
        %run_scoped3A = tpu.sem_alloc : memref<!tpu.dma_semaphore, #tpu.memory_space<semaphore_mem>>
        %dma_start3A = arith.constant 0 : i32
        %dma_start3A_27 = tpu.memref_slice %arg3[%add3A_20, %dma_start3A] : memref<6400x128xi32, #tpu.memory_space<hbm>> -> memref<40x128xi32, #tpu.memory_space<hbm>>
        %dma_start3A_28 = arith.constant 0 : i32
        %dma_start3A_29 = tpu.memref_slice %arg3[%add3A_20, %dma_start3A_28] : memref<6400x128xi32, #tpu.memory_space<hbm>> -> memref<40x128xi32, #tpu.memory_space<hbm>>
        tpu.enqueue_dma source(%dma_start3A_29 : memref<40x128xi32, #tpu.memory_space<hbm>>) target(%arg7 : memref<40x128xi32, #tpu.memory_space<vmem>>) target_semaphore(%run_scoped3A : memref<!tpu.dma_semaphore, #tpu.memory_space<semaphore_mem>>)
        %dma_wait3A = arith.constant 0 : i32
        %dma_wait3A_30 = tpu.memref_slice %arg3[%add3A_20, %dma_wait3A] : memref<6400x128xi32, #tpu.memory_space<hbm>> -> memref<40x128xi32, #tpu.memory_space<hbm>>
        %dma_wait3A_31 = arith.constant 0 : i32
        %dma_wait3A_32 = tpu.memref_slice %arg3[%add3A_20, %dma_wait3A_31] : memref<6400x128xi32, #tpu.memory_space<hbm>> -> memref<40x128xi32, #tpu.memory_space<hbm>>
        tpu.wait_dma2 semaphore(%run_scoped3A : memref<!tpu.dma_semaphore, #tpu.memory_space<semaphore_mem>>) src(%dma_wait3A_32 : memref<40x128xi32, #tpu.memory_space<hbm>>) dst(%arg7 : memref<40x128xi32, #tpu.memory_space<vmem>>)
        tpu.yield
      }) : () -> ()
      "tpu.region"() ({
        %run_scoped3A = tpu.sem_alloc : memref<!tpu.dma_semaphore, #tpu.memory_space<semaphore_mem>>
        %dma_start3A = arith.constant 0 : i32
        %dma_start3A_27 = tpu.memref_slice %arg4[%add3A_20, %dma_start3A] : memref<6400x128xi32, #tpu.memory_space<hbm>> -> memref<40x128xi32, #tpu.memory_space<hbm>>
        %dma_start3A_28 = arith.constant 0 : i32
        %dma_start3A_29 = tpu.memref_slice %arg4[%add3A_20, %dma_start3A_28] : memref<6400x128xi32, #tpu.memory_space<hbm>> -> memref<40x128xi32, #tpu.memory_space<hbm>>
        tpu.enqueue_dma source(%dma_start3A_29 : memref<40x128xi32, #tpu.memory_space<hbm>>) target(%arg8 : memref<40x128xi32, #tpu.memory_space<vmem>>) target_semaphore(%run_scoped3A : memref<!tpu.dma_semaphore, #tpu.memory_space<semaphore_mem>>)
        %dma_wait3A = arith.constant 0 : i32
        %dma_wait3A_30 = tpu.memref_slice %arg4[%add3A_20, %dma_wait3A] : memref<6400x128xi32, #tpu.memory_space<hbm>> -> memref<40x128xi32, #tpu.memory_space<hbm>>
        %dma_wait3A_31 = arith.constant 0 : i32
        %dma_wait3A_32 = tpu.memref_slice %arg4[%add3A_20, %dma_wait3A_31] : memref<6400x128xi32, #tpu.memory_space<hbm>> -> memref<40x128xi32, #tpu.memory_space<hbm>>
        tpu.wait_dma2 semaphore(%run_scoped3A : memref<!tpu.dma_semaphore, #tpu.memory_space<semaphore_mem>>) src(%dma_wait3A_32 : memref<40x128xi32, #tpu.memory_space<hbm>>) dst(%arg8 : memref<40x128xi32, #tpu.memory_space<vmem>>)
        tpu.yield
      }) : () -> ()
      %scan3A_21 = arith.constant 0 : i32
      %scan3A_22 = arith.constant 0 : i32
      %scan3A_23 = arith.constant 40 : i32
      %scan3A_24 = arith.addi %scan3A_22, %scan3A_23 : i32
      %scan3A_25 = arith.constant 1 : i32
      scf.for %scan3A_27 = %scan3A_22 to %scan3A_24 step %scan3A_25  : i32 {
        %dma_start3A = arith.constant 0 : i32
        %dma_start3A_28 = tpu.memref_slice %arg7[%scan3A_27, %dma_start3A] : memref<40x128xi32, #tpu.memory_space<vmem>> -> memref<1x128xi32, #tpu.memory_space<vmem>>
        %dma_start3A_29 = tpu.memref_squeeze %dma_start3A_28 : memref<1x128xi32, #tpu.memory_space<vmem>> -> memref<128xi32, #tpu.memory_space<vmem>>
        %dma_start3A_30 = arith.constant 0 : i32
        %dma_start3A_31 = arith.constant 0 : i32
        %dma_start3A_32 = tpu.memref_slice %arg2[%dma_start3A_30, %dma_start3A_31] : memref<50000x32xf32, #tpu.memory_space<hbm>> -> memref<50000x32xf32, #tpu.memory_space<hbm>>
        tpu.enqueue_indirect_dma source(%dma_start3A_32 : memref<50000x32xf32, #tpu.memory_space<hbm>>) target(%arg9 : memref<128x32xf32, #tpu.memory_space<vmem>>) offsets(%dma_start3A_29 : memref<128xi32, #tpu.memory_space<vmem>>) semaphore(%arg11 : memref<!tpu.dma_semaphore, #tpu.memory_space<semaphore_mem>>)
        %dma_wait3A = arith.constant 0 : i32
        %dma_wait3A_33 = tpu.memref_slice %arg7[%scan3A_27, %dma_wait3A] : memref<40x128xi32, #tpu.memory_space<vmem>> -> memref<1x128xi32, #tpu.memory_space<vmem>>
        %dma_wait3A_34 = tpu.memref_squeeze %dma_wait3A_33 : memref<1x128xi32, #tpu.memory_space<vmem>> -> memref<128xi32, #tpu.memory_space<vmem>>
        %dma_wait3A_35 = arith.constant 0 : i32
        %dma_wait3A_36 = arith.constant 0 : i32
        %dma_wait3A_37 = tpu.memref_slice %arg2[%dma_wait3A_35, %dma_wait3A_36] : memref<50000x32xf32, #tpu.memory_space<hbm>> -> memref<50000x32xf32, #tpu.memory_space<hbm>>
        tpu.wait_indirect_dma semaphore(%arg11 : memref<!tpu.dma_semaphore, #tpu.memory_space<semaphore_mem>>) src(%dma_wait3A_37 : memref<50000x32xf32, #tpu.memory_space<hbm>>) dst(%arg9 : memref<128x32xf32, #tpu.memory_space<vmem>>)
        "tpu.region"() ({
          %run_scoped3A = tpu.sem_alloc : memref<!tpu.dma_semaphore, #tpu.memory_space<semaphore_mem>>
          %dma_start3A_38 = arith.constant 0 : i32
          %dma_start3A_39 = tpu.memref_slice %arg8[%scan3A_27, %dma_start3A_38] : memref<40x128xi32, #tpu.memory_space<vmem>> -> memref<1x128xi32, #tpu.memory_space<vmem>>
          %dma_start3A_40 = tpu.memref_squeeze %dma_start3A_39 : memref<1x128xi32, #tpu.memory_space<vmem>> -> memref<128xi32, #tpu.memory_space<vmem>>
          %dma_start3A_41 = arith.constant 0 : i32
          %dma_start3A_42 = arith.constant 0 : i32
          %dma_start3A_43 = tpu.memref_slice %arg10[%dma_start3A_41, %dma_start3A_42] : memref<50048x32xf32, #tpu.memory_space<vmem_shared>> -> memref<50048x32xf32, #tpu.memory_space<vmem_shared>>
          tpu.enqueue_indirect_dma source(%arg9 : memref<128x32xf32, #tpu.memory_space<vmem>>) target(%dma_start3A_43 : memref<50048x32xf32, #tpu.memory_space<vmem_shared>>) offsets(%dma_start3A_40 : memref<128xi32, #tpu.memory_space<vmem>>) semaphore(%run_scoped3A : memref<!tpu.dma_semaphore, #tpu.memory_space<semaphore_mem>>) {add = true}
          %dma_wait3A_44 = arith.constant 0 : i32
          %dma_wait3A_45 = tpu.memref_slice %arg8[%scan3A_27, %dma_wait3A_44] : memref<40x128xi32, #tpu.memory_space<vmem>> -> memref<1x128xi32, #tpu.memory_space<vmem>>
          %dma_wait3A_46 = tpu.memref_squeeze %dma_wait3A_45 : memref<1x128xi32, #tpu.memory_space<vmem>> -> memref<128xi32, #tpu.memory_space<vmem>>
          %dma_wait3A_47 = arith.constant 0 : i32
          %dma_wait3A_48 = arith.constant 0 : i32
          %dma_wait3A_49 = tpu.memref_slice %arg10[%dma_wait3A_47, %dma_wait3A_48] : memref<50048x32xf32, #tpu.memory_space<vmem_shared>> -> memref<50048x32xf32, #tpu.memory_space<vmem_shared>>
          tpu.wait_indirect_dma semaphore(%run_scoped3A : memref<!tpu.dma_semaphore, #tpu.memory_space<semaphore_mem>>) src(%arg9 : memref<128x32xf32, #tpu.memory_space<vmem>>) dst(%dma_wait3A_49 : memref<50048x32xf32, #tpu.memory_space<vmem_shared>>)
          tpu.yield
        }) : () -> ()
      }
      %scan3A_26 = arith.constant 40 : i32
    }
    %scan3A_9 = arith.constant 5 : i32
    %barrier3A_10 = arith.constant 0 : index
    tpu.barrier barrier_id(%barrier3A_10)
    %mul3A_11 = arith.constant 3128 : i32
    %mul3A_12 = arith.muli %arg1, %mul3A_11 : i32
    %mul3A_13 = arith.constant 3128 : i32
    %mul3A_14 = arith.muli %arg1, %mul3A_13 : i32
    "tpu.region"() ({
      %run_scoped3A = tpu.sem_alloc : memref<!tpu.dma_semaphore, #tpu.memory_space<semaphore_mem>>
      %dma_start3A = arith.constant 0 : i32
      %dma_start3A_15 = tpu.memref_slice %arg6[%arg0, %mul3A_14, %dma_start3A] : memref<2x50048x32xf32, #tpu.memory_space<hbm>> -> memref<1x3128x32xf32, #tpu.memory_space<hbm>>
      %dma_start3A_16 = tpu.memref_squeeze %dma_start3A_15 : memref<1x3128x32xf32, #tpu.memory_space<hbm>> -> memref<3128x32xf32, #tpu.memory_space<hbm>>
      %dma_start3A_17 = arith.constant 0 : i32
      %dma_start3A_18 = tpu.memref_slice %arg10[%mul3A_12, %dma_start3A_17] : memref<50048x32xf32, #tpu.memory_space<vmem_shared>> -> memref<3128x32xf32, #tpu.memory_space<vmem_shared>>
      tpu.enqueue_dma source(%dma_start3A_18 : memref<3128x32xf32, #tpu.memory_space<vmem_shared>>) target(%dma_start3A_16 : memref<3128x32xf32, #tpu.memory_space<hbm>>) target_semaphore(%run_scoped3A : memref<!tpu.dma_semaphore, #tpu.memory_space<semaphore_mem>>)
      %dma_wait3A = arith.constant 0 : i32
      %dma_wait3A_19 = tpu.memref_slice %arg6[%arg0, %mul3A_14, %dma_wait3A] : memref<2x50048x32xf32, #tpu.memory_space<hbm>> -> memref<1x3128x32xf32, #tpu.memory_space<hbm>>
      %dma_wait3A_20 = tpu.memref_squeeze %dma_wait3A_19 : memref<1x3128x32xf32, #tpu.memory_space<hbm>> -> memref<3128x32xf32, #tpu.memory_space<hbm>>
      %dma_wait3A_21 = arith.constant 0 : i32
      %dma_wait3A_22 = tpu.memref_slice %arg10[%mul3A_12, %dma_wait3A_21] : memref<50048x32xf32, #tpu.memory_space<vmem_shared>> -> memref<3128x32xf32, #tpu.memory_space<vmem_shared>>
      tpu.wait_dma2 semaphore(%run_scoped3A : memref<!tpu.dma_semaphore, #tpu.memory_space<semaphore_mem>>) src(%dma_wait3A_22 : memref<3128x32xf32, #tpu.memory_space<vmem_shared>>) dst(%dma_wait3A_20 : memref<3128x32xf32, #tpu.memory_space<hbm>>)
      tpu.yield
    }) : () -> ()
    return
  }
}

#map = affine_map<(d0, d1) -> (0, 0)>
#map1 = affine_map<(d0, d1) -> (0, 0, 0)>
module attributes {stable_mosaic.version = 14 : i64} {
  func.func @_sc_agg_body(%arg0: i32, %arg1: i32, %arg2: memref<50000x32xf32, #tpu.memory_space<hbm>>, %arg3: memref<6400x128xi32, #tpu.memory_space<hbm>>, %arg4: memref<6400x128xi32, #tpu.memory_space<hbm>>, %arg5: memref<50048x32xf32, #tpu.memory_space<hbm>>, %arg6: memref<2x50048x32xf32, #tpu.memory_space<hbm>>, %arg7: memref<40x128xi32, #tpu.memory_space<vmem>>, %arg8: memref<40x128xi32, #tpu.memory_space<vmem>>, %arg9: memref<128x32xf32, #tpu.memory_space<vmem>>, %arg10: memref<50048x32xf32, #tpu.memory_space<vmem_shared>>, %arg11: memref<!tpu.dma_semaphore, #tpu.memory_space<semaphore_mem>>) attributes {dimension_semantics = [#tpu.dimension_semantics<core_parallel>, #tpu.dimension_semantics<subcore_parallel>], iteration_bounds = array<i64: 2, 16>, scalar_prefetch = 0 : i64, scratch_operands = 5 : i64, tpu.core_type = #tpu.core_type<sc_vector_subcore>, window_params = [{transform_indices = #map}, {transform_indices = #map}, {transform_indices = #map}, {transform_indices = #map}, {transform_indices = #map1}]} {
    %mul3A = arith.constant 16 : i32
    %mul3A_0 = arith.muli %arg0, %mul3A : i32
    %add3A = arith.addi %mul3A_0, %arg1 : i32
    %mul3A_1 = arith.constant 3128 : i32
    %mul3A_2 = arith.muli %arg1, %mul3A_1 : i32
    %mul3A_3 = arith.constant 3128 : i32
    %mul3A_4 = arith.muli %arg1, %mul3A_3 : i32
    "tpu.region"() ({
      %run_scoped3A = tpu.sem_alloc : memref<!tpu.dma_semaphore, #tpu.memory_space<semaphore_mem>>
      %dma_start3A = arith.constant 0 : i32
      %dma_start3A_15 = tpu.memref_slice %arg10[%mul3A_4, %dma_start3A] : memref<50048x32xf32, #tpu.memory_space<vmem_shared>> -> memref<3128x32xf32, #tpu.memory_space<vmem_shared>>
      %dma_start3A_16 = arith.constant 0 : i32
      %dma_start3A_17 = tpu.memref_slice %arg5[%mul3A_2, %dma_start3A_16] : memref<50048x32xf32, #tpu.memory_space<hbm>> -> memref<3128x32xf32, #tpu.memory_space<hbm>>
      tpu.enqueue_dma source(%dma_start3A_17 : memref<3128x32xf32, #tpu.memory_space<hbm>>) target(%dma_start3A_15 : memref<3128x32xf32, #tpu.memory_space<vmem_shared>>) target_semaphore(%run_scoped3A : memref<!tpu.dma_semaphore, #tpu.memory_space<semaphore_mem>>)
      %dma_wait3A = arith.constant 0 : i32
      %dma_wait3A_18 = tpu.memref_slice %arg10[%mul3A_4, %dma_wait3A] : memref<50048x32xf32, #tpu.memory_space<vmem_shared>> -> memref<3128x32xf32, #tpu.memory_space<vmem_shared>>
      %dma_wait3A_19 = arith.constant 0 : i32
      %dma_wait3A_20 = tpu.memref_slice %arg5[%mul3A_2, %dma_wait3A_19] : memref<50048x32xf32, #tpu.memory_space<hbm>> -> memref<3128x32xf32, #tpu.memory_space<hbm>>
      tpu.wait_dma2 semaphore(%run_scoped3A : memref<!tpu.dma_semaphore, #tpu.memory_space<semaphore_mem>>) src(%dma_wait3A_20 : memref<3128x32xf32, #tpu.memory_space<hbm>>) dst(%dma_wait3A_18 : memref<3128x32xf32, #tpu.memory_space<vmem_shared>>)
      tpu.yield
    }) : () -> ()
    %barrier3A = arith.constant 0 : index
    tpu.barrier barrier_id(%barrier3A)
    %scan3A = arith.constant 0 : i32
    %scan3A_5 = arith.constant 0 : i32
    %scan3A_6 = arith.constant 5 : i32
    %scan3A_7 = arith.addi %scan3A_5, %scan3A_6 : i32
    %scan3A_8 = arith.constant 1 : i32
    scf.for %scan3A_15 = %scan3A_5 to %scan3A_7 step %scan3A_8  : i32 {
      %mul3A_16 = arith.constant 200 : i32
      %mul3A_17 = arith.muli %add3A, %mul3A_16 : i32
      %mul3A_18 = arith.constant 40 : i32
      %mul3A_19 = arith.muli %scan3A_15, %mul3A_18 : i32
      %add3A_20 = arith.addi %mul3A_17, %mul3A_19 : i32
      "tpu.region"() ({
        %run_scoped3A = tpu.sem_alloc : memref<!tpu.dma_semaphore, #tpu.memory_space<semaphore_mem>>
        %dma_start3A = arith.constant 0 : i32
        %dma_start3A_27 = tpu.memref_slice %arg3[%add3A_20, %dma_start3A] : memref<6400x128xi32, #tpu.memory_space<hbm>> -> memref<40x128xi32, #tpu.memory_space<hbm>>
        %dma_start3A_28 = arith.constant 0 : i32
        %dma_start3A_29 = tpu.memref_slice %arg3[%add3A_20, %dma_start3A_28] : memref<6400x128xi32, #tpu.memory_space<hbm>> -> memref<40x128xi32, #tpu.memory_space<hbm>>
        tpu.enqueue_dma source(%dma_start3A_29 : memref<40x128xi32, #tpu.memory_space<hbm>>) target(%arg7 : memref<40x128xi32, #tpu.memory_space<vmem>>) target_semaphore(%run_scoped3A : memref<!tpu.dma_semaphore, #tpu.memory_space<semaphore_mem>>)
        %dma_wait3A = arith.constant 0 : i32
        %dma_wait3A_30 = tpu.memref_slice %arg3[%add3A_20, %dma_wait3A] : memref<6400x128xi32, #tpu.memory_space<hbm>> -> memref<40x128xi32, #tpu.memory_space<hbm>>
        %dma_wait3A_31 = arith.constant 0 : i32
        %dma_wait3A_32 = tpu.memref_slice %arg3[%add3A_20, %dma_wait3A_31] : memref<6400x128xi32, #tpu.memory_space<hbm>> -> memref<40x128xi32, #tpu.memory_space<hbm>>
        tpu.wait_dma2 semaphore(%run_scoped3A : memref<!tpu.dma_semaphore, #tpu.memory_space<semaphore_mem>>) src(%dma_wait3A_32 : memref<40x128xi32, #tpu.memory_space<hbm>>) dst(%arg7 : memref<40x128xi32, #tpu.memory_space<vmem>>)
        tpu.yield
      }) : () -> ()
      "tpu.region"() ({
        %run_scoped3A = tpu.sem_alloc : memref<!tpu.dma_semaphore, #tpu.memory_space<semaphore_mem>>
        %dma_start3A = arith.constant 0 : i32
        %dma_start3A_27 = tpu.memref_slice %arg4[%add3A_20, %dma_start3A] : memref<6400x128xi32, #tpu.memory_space<hbm>> -> memref<40x128xi32, #tpu.memory_space<hbm>>
        %dma_start3A_28 = arith.constant 0 : i32
        %dma_start3A_29 = tpu.memref_slice %arg4[%add3A_20, %dma_start3A_28] : memref<6400x128xi32, #tpu.memory_space<hbm>> -> memref<40x128xi32, #tpu.memory_space<hbm>>
        tpu.enqueue_dma source(%dma_start3A_29 : memref<40x128xi32, #tpu.memory_space<hbm>>) target(%arg8 : memref<40x128xi32, #tpu.memory_space<vmem>>) target_semaphore(%run_scoped3A : memref<!tpu.dma_semaphore, #tpu.memory_space<semaphore_mem>>)
        %dma_wait3A = arith.constant 0 : i32
        %dma_wait3A_30 = tpu.memref_slice %arg4[%add3A_20, %dma_wait3A] : memref<6400x128xi32, #tpu.memory_space<hbm>> -> memref<40x128xi32, #tpu.memory_space<hbm>>
        %dma_wait3A_31 = arith.constant 0 : i32
        %dma_wait3A_32 = tpu.memref_slice %arg4[%add3A_20, %dma_wait3A_31] : memref<6400x128xi32, #tpu.memory_space<hbm>> -> memref<40x128xi32, #tpu.memory_space<hbm>>
        tpu.wait_dma2 semaphore(%run_scoped3A : memref<!tpu.dma_semaphore, #tpu.memory_space<semaphore_mem>>) src(%dma_wait3A_32 : memref<40x128xi32, #tpu.memory_space<hbm>>) dst(%arg8 : memref<40x128xi32, #tpu.memory_space<vmem>>)
        tpu.yield
      }) : () -> ()
      %scan3A_21 = arith.constant 0 : i32
      %scan3A_22 = arith.constant 0 : i32
      %scan3A_23 = arith.constant 40 : i32
      %scan3A_24 = arith.addi %scan3A_22, %scan3A_23 : i32
      %scan3A_25 = arith.constant 1 : i32
      scf.for %scan3A_27 = %scan3A_22 to %scan3A_24 step %scan3A_25  : i32 {
        %dma_start3A = arith.constant 0 : i32
        %dma_start3A_28 = tpu.memref_slice %arg7[%scan3A_27, %dma_start3A] : memref<40x128xi32, #tpu.memory_space<vmem>> -> memref<1x128xi32, #tpu.memory_space<vmem>>
        %dma_start3A_29 = tpu.memref_squeeze %dma_start3A_28 : memref<1x128xi32, #tpu.memory_space<vmem>> -> memref<128xi32, #tpu.memory_space<vmem>>
        %dma_start3A_30 = arith.constant 0 : i32
        %dma_start3A_31 = arith.constant 0 : i32
        %dma_start3A_32 = tpu.memref_slice %arg2[%dma_start3A_30, %dma_start3A_31] : memref<50000x32xf32, #tpu.memory_space<hbm>> -> memref<50000x32xf32, #tpu.memory_space<hbm>>
        tpu.enqueue_indirect_dma source(%dma_start3A_32 : memref<50000x32xf32, #tpu.memory_space<hbm>>) target(%arg9 : memref<128x32xf32, #tpu.memory_space<vmem>>) offsets(%dma_start3A_29 : memref<128xi32, #tpu.memory_space<vmem>>) semaphore(%arg11 : memref<!tpu.dma_semaphore, #tpu.memory_space<semaphore_mem>>)
        %dma_wait3A = arith.constant 0 : i32
        %dma_wait3A_33 = tpu.memref_slice %arg7[%scan3A_27, %dma_wait3A] : memref<40x128xi32, #tpu.memory_space<vmem>> -> memref<1x128xi32, #tpu.memory_space<vmem>>
        %dma_wait3A_34 = tpu.memref_squeeze %dma_wait3A_33 : memref<1x128xi32, #tpu.memory_space<vmem>> -> memref<128xi32, #tpu.memory_space<vmem>>
        %dma_wait3A_35 = arith.constant 0 : i32
        %dma_wait3A_36 = arith.constant 0 : i32
        %dma_wait3A_37 = tpu.memref_slice %arg2[%dma_wait3A_35, %dma_wait3A_36] : memref<50000x32xf32, #tpu.memory_space<hbm>> -> memref<50000x32xf32, #tpu.memory_space<hbm>>
        tpu.wait_indirect_dma semaphore(%arg11 : memref<!tpu.dma_semaphore, #tpu.memory_space<semaphore_mem>>) src(%dma_wait3A_37 : memref<50000x32xf32, #tpu.memory_space<hbm>>) dst(%arg9 : memref<128x32xf32, #tpu.memory_space<vmem>>)
        "tpu.region"() ({
          %run_scoped3A = tpu.sem_alloc : memref<!tpu.dma_semaphore, #tpu.memory_space<semaphore_mem>>
          %dma_start3A_38 = arith.constant 0 : i32
          %dma_start3A_39 = tpu.memref_slice %arg8[%scan3A_27, %dma_start3A_38] : memref<40x128xi32, #tpu.memory_space<vmem>> -> memref<1x128xi32, #tpu.memory_space<vmem>>
          %dma_start3A_40 = tpu.memref_squeeze %dma_start3A_39 : memref<1x128xi32, #tpu.memory_space<vmem>> -> memref<128xi32, #tpu.memory_space<vmem>>
          %dma_start3A_41 = arith.constant 0 : i32
          %dma_start3A_42 = arith.constant 0 : i32
          %dma_start3A_43 = tpu.memref_slice %arg10[%dma_start3A_41, %dma_start3A_42] : memref<50048x32xf32, #tpu.memory_space<vmem_shared>> -> memref<50048x32xf32, #tpu.memory_space<vmem_shared>>
          tpu.enqueue_indirect_dma source(%arg9 : memref<128x32xf32, #tpu.memory_space<vmem>>) target(%dma_start3A_43 : memref<50048x32xf32, #tpu.memory_space<vmem_shared>>) offsets(%dma_start3A_40 : memref<128xi32, #tpu.memory_space<vmem>>) semaphore(%run_scoped3A : memref<!tpu.dma_semaphore, #tpu.memory_space<semaphore_mem>>) {add = true}
          %dma_wait3A_44 = arith.constant 0 : i32
          %dma_wait3A_45 = tpu.memref_slice %arg8[%scan3A_27, %dma_wait3A_44] : memref<40x128xi32, #tpu.memory_space<vmem>> -> memref<1x128xi32, #tpu.memory_space<vmem>>
          %dma_wait3A_46 = tpu.memref_squeeze %dma_wait3A_45 : memref<1x128xi32, #tpu.memory_space<vmem>> -> memref<128xi32, #tpu.memory_space<vmem>>
          %dma_wait3A_47 = arith.constant 0 : i32
          %dma_wait3A_48 = arith.constant 0 : i32
          %dma_wait3A_49 = tpu.memref_slice %arg10[%dma_wait3A_47, %dma_wait3A_48] : memref<50048x32xf32, #tpu.memory_space<vmem_shared>> -> memref<50048x32xf32, #tpu.memory_space<vmem_shared>>
          tpu.wait_indirect_dma semaphore(%run_scoped3A : memref<!tpu.dma_semaphore, #tpu.memory_space<semaphore_mem>>) src(%arg9 : memref<128x32xf32, #tpu.memory_space<vmem>>) dst(%dma_wait3A_49 : memref<50048x32xf32, #tpu.memory_space<vmem_shared>>)
          tpu.yield
        }) : () -> ()
      }
      %scan3A_26 = arith.constant 40 : i32
    }
    %scan3A_9 = arith.constant 5 : i32
    %barrier3A_10 = arith.constant 0 : index
    tpu.barrier barrier_id(%barrier3A_10)
    %mul3A_11 = arith.constant 3128 : i32
    %mul3A_12 = arith.muli %arg1, %mul3A_11 : i32
    %mul3A_13 = arith.constant 3128 : i32
    %mul3A_14 = arith.muli %arg1, %mul3A_13 : i32
    "tpu.region"() ({
      %run_scoped3A = tpu.sem_alloc : memref<!tpu.dma_semaphore, #tpu.memory_space<semaphore_mem>>
      %dma_start3A = arith.constant 0 : i32
      %dma_start3A_15 = tpu.memref_slice %arg6[%arg0, %mul3A_14, %dma_start3A] : memref<2x50048x32xf32, #tpu.memory_space<hbm>> -> memref<1x3128x32xf32, #tpu.memory_space<hbm>>
      %dma_start3A_16 = tpu.memref_squeeze %dma_start3A_15 : memref<1x3128x32xf32, #tpu.memory_space<hbm>> -> memref<3128x32xf32, #tpu.memory_space<hbm>>
      %dma_start3A_17 = arith.constant 0 : i32
      %dma_start3A_18 = tpu.memref_slice %arg10[%mul3A_12, %dma_start3A_17] : memref<50048x32xf32, #tpu.memory_space<vmem_shared>> -> memref<3128x32xf32, #tpu.memory_space<vmem_shared>>
      tpu.enqueue_dma source(%dma_start3A_18 : memref<3128x32xf32, #tpu.memory_space<vmem_shared>>) target(%dma_start3A_16 : memref<3128x32xf32, #tpu.memory_space<hbm>>) target_semaphore(%run_scoped3A : memref<!tpu.dma_semaphore, #tpu.memory_space<semaphore_mem>>)
      %dma_wait3A = arith.constant 0 : i32
      %dma_wait3A_19 = tpu.memref_slice %arg6[%arg0, %mul3A_14, %dma_wait3A] : memref<2x50048x32xf32, #tpu.memory_space<hbm>> -> memref<1x3128x32xf32, #tpu.memory_space<hbm>>
      %dma_wait3A_20 = tpu.memref_squeeze %dma_wait3A_19 : memref<1x3128x32xf32, #tpu.memory_space<hbm>> -> memref<3128x32xf32, #tpu.memory_space<hbm>>
      %dma_wait3A_21 = arith.constant 0 : i32
      %dma_wait3A_22 = tpu.memref_slice %arg10[%mul3A_12, %dma_wait3A_21] : memref<50048x32xf32, #tpu.memory_space<vmem_shared>> -> memref<3128x32xf32, #tpu.memory_space<vmem_shared>>
      tpu.wait_dma2 semaphore(%run_scoped3A : memref<!tpu.dma_semaphore, #tpu.memory_space<semaphore_mem>>) src(%dma_wait3A_22 : memref<3128x32xf32, #tpu.memory_space<vmem_shared>>) dst(%dma_wait3A_20 : memref<3128x32xf32, #tpu.memory_space<hbm>>)
      tpu.yield
    }) : () -> ()
    return
  }
}

#map = affine_map<(d0, d1) -> (0, 0)>
#map1 = affine_map<(d0, d1) -> (0, 0, 0)>
module attributes {stable_mosaic.version = 14 : i64} {
  func.func @_sc_agg_body(%arg0: i32, %arg1: i32, %arg2: memref<50000x32xf32, #tpu.memory_space<hbm>>, %arg3: memref<6400x128xi32, #tpu.memory_space<hbm>>, %arg4: memref<6400x128xi32, #tpu.memory_space<hbm>>, %arg5: memref<50048x32xf32, #tpu.memory_space<hbm>>, %arg6: memref<2x50048x32xf32, #tpu.memory_space<hbm>>, %arg7: memref<40x128xi32, #tpu.memory_space<vmem>>, %arg8: memref<40x128xi32, #tpu.memory_space<vmem>>, %arg9: memref<128x32xf32, #tpu.memory_space<vmem>>, %arg10: memref<50048x32xf32, #tpu.memory_space<vmem_shared>>, %arg11: memref<!tpu.dma_semaphore, #tpu.memory_space<semaphore_mem>>) attributes {dimension_semantics = [#tpu.dimension_semantics<core_parallel>, #tpu.dimension_semantics<subcore_parallel>], iteration_bounds = array<i64: 2, 16>, scalar_prefetch = 0 : i64, scratch_operands = 5 : i64, tpu.core_type = #tpu.core_type<sc_vector_subcore>, window_params = [{transform_indices = #map}, {transform_indices = #map}, {transform_indices = #map}, {transform_indices = #map}, {transform_indices = #map1}]} {
    %mul3A = arith.constant 16 : i32
    %mul3A_0 = arith.muli %arg0, %mul3A : i32
    %add3A = arith.addi %mul3A_0, %arg1 : i32
    %mul3A_1 = arith.constant 3128 : i32
    %mul3A_2 = arith.muli %arg1, %mul3A_1 : i32
    %mul3A_3 = arith.constant 3128 : i32
    %mul3A_4 = arith.muli %arg1, %mul3A_3 : i32
    "tpu.region"() ({
      %run_scoped3A = tpu.sem_alloc : memref<!tpu.dma_semaphore, #tpu.memory_space<semaphore_mem>>
      %dma_start3A = arith.constant 0 : i32
      %dma_start3A_15 = tpu.memref_slice %arg10[%mul3A_4, %dma_start3A] : memref<50048x32xf32, #tpu.memory_space<vmem_shared>> -> memref<3128x32xf32, #tpu.memory_space<vmem_shared>>
      %dma_start3A_16 = arith.constant 0 : i32
      %dma_start3A_17 = tpu.memref_slice %arg5[%mul3A_2, %dma_start3A_16] : memref<50048x32xf32, #tpu.memory_space<hbm>> -> memref<3128x32xf32, #tpu.memory_space<hbm>>
      tpu.enqueue_dma source(%dma_start3A_17 : memref<3128x32xf32, #tpu.memory_space<hbm>>) target(%dma_start3A_15 : memref<3128x32xf32, #tpu.memory_space<vmem_shared>>) target_semaphore(%run_scoped3A : memref<!tpu.dma_semaphore, #tpu.memory_space<semaphore_mem>>)
      %dma_wait3A = arith.constant 0 : i32
      %dma_wait3A_18 = tpu.memref_slice %arg10[%mul3A_4, %dma_wait3A] : memref<50048x32xf32, #tpu.memory_space<vmem_shared>> -> memref<3128x32xf32, #tpu.memory_space<vmem_shared>>
      %dma_wait3A_19 = arith.constant 0 : i32
      %dma_wait3A_20 = tpu.memref_slice %arg5[%mul3A_2, %dma_wait3A_19] : memref<50048x32xf32, #tpu.memory_space<hbm>> -> memref<3128x32xf32, #tpu.memory_space<hbm>>
      tpu.wait_dma2 semaphore(%run_scoped3A : memref<!tpu.dma_semaphore, #tpu.memory_space<semaphore_mem>>) src(%dma_wait3A_20 : memref<3128x32xf32, #tpu.memory_space<hbm>>) dst(%dma_wait3A_18 : memref<3128x32xf32, #tpu.memory_space<vmem_shared>>)
      tpu.yield
    }) : () -> ()
    %barrier3A = arith.constant 0 : index
    tpu.barrier barrier_id(%barrier3A)
    %scan3A = arith.constant 0 : i32
    %scan3A_5 = arith.constant 0 : i32
    %scan3A_6 = arith.constant 5 : i32
    %scan3A_7 = arith.addi %scan3A_5, %scan3A_6 : i32
    %scan3A_8 = arith.constant 1 : i32
    scf.for %scan3A_15 = %scan3A_5 to %scan3A_7 step %scan3A_8  : i32 {
      %mul3A_16 = arith.constant 200 : i32
      %mul3A_17 = arith.muli %add3A, %mul3A_16 : i32
      %mul3A_18 = arith.constant 40 : i32
      %mul3A_19 = arith.muli %scan3A_15, %mul3A_18 : i32
      %add3A_20 = arith.addi %mul3A_17, %mul3A_19 : i32
      "tpu.region"() ({
        %run_scoped3A = tpu.sem_alloc : memref<!tpu.dma_semaphore, #tpu.memory_space<semaphore_mem>>
        %dma_start3A = arith.constant 0 : i32
        %dma_start3A_27 = tpu.memref_slice %arg3[%add3A_20, %dma_start3A] : memref<6400x128xi32, #tpu.memory_space<hbm>> -> memref<40x128xi32, #tpu.memory_space<hbm>>
        %dma_start3A_28 = arith.constant 0 : i32
        %dma_start3A_29 = tpu.memref_slice %arg3[%add3A_20, %dma_start3A_28] : memref<6400x128xi32, #tpu.memory_space<hbm>> -> memref<40x128xi32, #tpu.memory_space<hbm>>
        tpu.enqueue_dma source(%dma_start3A_29 : memref<40x128xi32, #tpu.memory_space<hbm>>) target(%arg7 : memref<40x128xi32, #tpu.memory_space<vmem>>) target_semaphore(%run_scoped3A : memref<!tpu.dma_semaphore, #tpu.memory_space<semaphore_mem>>)
        %dma_wait3A = arith.constant 0 : i32
        %dma_wait3A_30 = tpu.memref_slice %arg3[%add3A_20, %dma_wait3A] : memref<6400x128xi32, #tpu.memory_space<hbm>> -> memref<40x128xi32, #tpu.memory_space<hbm>>
        %dma_wait3A_31 = arith.constant 0 : i32
        %dma_wait3A_32 = tpu.memref_slice %arg3[%add3A_20, %dma_wait3A_31] : memref<6400x128xi32, #tpu.memory_space<hbm>> -> memref<40x128xi32, #tpu.memory_space<hbm>>
        tpu.wait_dma2 semaphore(%run_scoped3A : memref<!tpu.dma_semaphore, #tpu.memory_space<semaphore_mem>>) src(%dma_wait3A_32 : memref<40x128xi32, #tpu.memory_space<hbm>>) dst(%arg7 : memref<40x128xi32, #tpu.memory_space<vmem>>)
        tpu.yield
      }) : () -> ()
      "tpu.region"() ({
        %run_scoped3A = tpu.sem_alloc : memref<!tpu.dma_semaphore, #tpu.memory_space<semaphore_mem>>
        %dma_start3A = arith.constant 0 : i32
        %dma_start3A_27 = tpu.memref_slice %arg4[%add3A_20, %dma_start3A] : memref<6400x128xi32, #tpu.memory_space<hbm>> -> memref<40x128xi32, #tpu.memory_space<hbm>>
        %dma_start3A_28 = arith.constant 0 : i32
        %dma_start3A_29 = tpu.memref_slice %arg4[%add3A_20, %dma_start3A_28] : memref<6400x128xi32, #tpu.memory_space<hbm>> -> memref<40x128xi32, #tpu.memory_space<hbm>>
        tpu.enqueue_dma source(%dma_start3A_29 : memref<40x128xi32, #tpu.memory_space<hbm>>) target(%arg8 : memref<40x128xi32, #tpu.memory_space<vmem>>) target_semaphore(%run_scoped3A : memref<!tpu.dma_semaphore, #tpu.memory_space<semaphore_mem>>)
        %dma_wait3A = arith.constant 0 : i32
        %dma_wait3A_30 = tpu.memref_slice %arg4[%add3A_20, %dma_wait3A] : memref<6400x128xi32, #tpu.memory_space<hbm>> -> memref<40x128xi32, #tpu.memory_space<hbm>>
        %dma_wait3A_31 = arith.constant 0 : i32
        %dma_wait3A_32 = tpu.memref_slice %arg4[%add3A_20, %dma_wait3A_31] : memref<6400x128xi32, #tpu.memory_space<hbm>> -> memref<40x128xi32, #tpu.memory_space<hbm>>
        tpu.wait_dma2 semaphore(%run_scoped3A : memref<!tpu.dma_semaphore, #tpu.memory_space<semaphore_mem>>) src(%dma_wait3A_32 : memref<40x128xi32, #tpu.memory_space<hbm>>) dst(%arg8 : memref<40x128xi32, #tpu.memory_space<vmem>>)
        tpu.yield
      }) : () -> ()
      %scan3A_21 = arith.constant 0 : i32
      %scan3A_22 = arith.constant 0 : i32
      %scan3A_23 = arith.constant 40 : i32
      %scan3A_24 = arith.addi %scan3A_22, %scan3A_23 : i32
      %scan3A_25 = arith.constant 1 : i32
      scf.for %scan3A_27 = %scan3A_22 to %scan3A_24 step %scan3A_25  : i32 {
        %dma_start3A = arith.constant 0 : i32
        %dma_start3A_28 = tpu.memref_slice %arg7[%scan3A_27, %dma_start3A] : memref<40x128xi32, #tpu.memory_space<vmem>> -> memref<1x128xi32, #tpu.memory_space<vmem>>
        %dma_start3A_29 = tpu.memref_squeeze %dma_start3A_28 : memref<1x128xi32, #tpu.memory_space<vmem>> -> memref<128xi32, #tpu.memory_space<vmem>>
        %dma_start3A_30 = arith.constant 0 : i32
        %dma_start3A_31 = arith.constant 0 : i32
        %dma_start3A_32 = tpu.memref_slice %arg2[%dma_start3A_30, %dma_start3A_31] : memref<50000x32xf32, #tpu.memory_space<hbm>> -> memref<50000x32xf32, #tpu.memory_space<hbm>>
        tpu.enqueue_indirect_dma source(%dma_start3A_32 : memref<50000x32xf32, #tpu.memory_space<hbm>>) target(%arg9 : memref<128x32xf32, #tpu.memory_space<vmem>>) offsets(%dma_start3A_29 : memref<128xi32, #tpu.memory_space<vmem>>) semaphore(%arg11 : memref<!tpu.dma_semaphore, #tpu.memory_space<semaphore_mem>>)
        %dma_wait3A = arith.constant 0 : i32
        %dma_wait3A_33 = tpu.memref_slice %arg7[%scan3A_27, %dma_wait3A] : memref<40x128xi32, #tpu.memory_space<vmem>> -> memref<1x128xi32, #tpu.memory_space<vmem>>
        %dma_wait3A_34 = tpu.memref_squeeze %dma_wait3A_33 : memref<1x128xi32, #tpu.memory_space<vmem>> -> memref<128xi32, #tpu.memory_space<vmem>>
        %dma_wait3A_35 = arith.constant 0 : i32
        %dma_wait3A_36 = arith.constant 0 : i32
        %dma_wait3A_37 = tpu.memref_slice %arg2[%dma_wait3A_35, %dma_wait3A_36] : memref<50000x32xf32, #tpu.memory_space<hbm>> -> memref<50000x32xf32, #tpu.memory_space<hbm>>
        tpu.wait_indirect_dma semaphore(%arg11 : memref<!tpu.dma_semaphore, #tpu.memory_space<semaphore_mem>>) src(%dma_wait3A_37 : memref<50000x32xf32, #tpu.memory_space<hbm>>) dst(%arg9 : memref<128x32xf32, #tpu.memory_space<vmem>>)
        "tpu.region"() ({
          %run_scoped3A = tpu.sem_alloc : memref<!tpu.dma_semaphore, #tpu.memory_space<semaphore_mem>>
          %dma_start3A_38 = arith.constant 0 : i32
          %dma_start3A_39 = tpu.memref_slice %arg8[%scan3A_27, %dma_start3A_38] : memref<40x128xi32, #tpu.memory_space<vmem>> -> memref<1x128xi32, #tpu.memory_space<vmem>>
          %dma_start3A_40 = tpu.memref_squeeze %dma_start3A_39 : memref<1x128xi32, #tpu.memory_space<vmem>> -> memref<128xi32, #tpu.memory_space<vmem>>
          %dma_start3A_41 = arith.constant 0 : i32
          %dma_start3A_42 = arith.constant 0 : i32
          %dma_start3A_43 = tpu.memref_slice %arg10[%dma_start3A_41, %dma_start3A_42] : memref<50048x32xf32, #tpu.memory_space<vmem_shared>> -> memref<50048x32xf32, #tpu.memory_space<vmem_shared>>
          tpu.enqueue_indirect_dma source(%arg9 : memref<128x32xf32, #tpu.memory_space<vmem>>) target(%dma_start3A_43 : memref<50048x32xf32, #tpu.memory_space<vmem_shared>>) offsets(%dma_start3A_40 : memref<128xi32, #tpu.memory_space<vmem>>) semaphore(%run_scoped3A : memref<!tpu.dma_semaphore, #tpu.memory_space<semaphore_mem>>) {add = true}
          %dma_wait3A_44 = arith.constant 0 : i32
          %dma_wait3A_45 = tpu.memref_slice %arg8[%scan3A_27, %dma_wait3A_44] : memref<40x128xi32, #tpu.memory_space<vmem>> -> memref<1x128xi32, #tpu.memory_space<vmem>>
          %dma_wait3A_46 = tpu.memref_squeeze %dma_wait3A_45 : memref<1x128xi32, #tpu.memory_space<vmem>> -> memref<128xi32, #tpu.memory_space<vmem>>
          %dma_wait3A_47 = arith.constant 0 : i32
          %dma_wait3A_48 = arith.constant 0 : i32
          %dma_wait3A_49 = tpu.memref_slice %arg10[%dma_wait3A_47, %dma_wait3A_48] : memref<50048x32xf32, #tpu.memory_space<vmem_shared>> -> memref<50048x32xf32, #tpu.memory_space<vmem_shared>>
          tpu.wait_indirect_dma semaphore(%run_scoped3A : memref<!tpu.dma_semaphore, #tpu.memory_space<semaphore_mem>>) src(%arg9 : memref<128x32xf32, #tpu.memory_space<vmem>>) dst(%dma_wait3A_49 : memref<50048x32xf32, #tpu.memory_space<vmem_shared>>)
          tpu.yield
        }) : () -> ()
      }
      %scan3A_26 = arith.constant 40 : i32
    }
    %scan3A_9 = arith.constant 5 : i32
    %barrier3A_10 = arith.constant 0 : index
    tpu.barrier barrier_id(%barrier3A_10)
    %mul3A_11 = arith.constant 3128 : i32
    %mul3A_12 = arith.muli %arg1, %mul3A_11 : i32
    %mul3A_13 = arith.constant 3128 : i32
    %mul3A_14 = arith.muli %arg1, %mul3A_13 : i32
    "tpu.region"() ({
      %run_scoped3A = tpu.sem_alloc : memref<!tpu.dma_semaphore, #tpu.memory_space<semaphore_mem>>
      %dma_start3A = arith.constant 0 : i32
      %dma_start3A_15 = tpu.memref_slice %arg6[%arg0, %mul3A_14, %dma_start3A] : memref<2x50048x32xf32, #tpu.memory_space<hbm>> -> memref<1x3128x32xf32, #tpu.memory_space<hbm>>
      %dma_start3A_16 = tpu.memref_squeeze %dma_start3A_15 : memref<1x3128x32xf32, #tpu.memory_space<hbm>> -> memref<3128x32xf32, #tpu.memory_space<hbm>>
      %dma_start3A_17 = arith.constant 0 : i32
      %dma_start3A_18 = tpu.memref_slice %arg10[%mul3A_12, %dma_start3A_17] : memref<50048x32xf32, #tpu.memory_space<vmem_shared>> -> memref<3128x32xf32, #tpu.memory_space<vmem_shared>>
      tpu.enqueue_dma source(%dma_start3A_18 : memref<3128x32xf32, #tpu.memory_space<vmem_shared>>) target(%dma_start3A_16 : memref<3128x32xf32, #tpu.memory_space<hbm>>) target_semaphore(%run_scoped3A : memref<!tpu.dma_semaphore, #tpu.memory_space<semaphore_mem>>)
      %dma_wait3A = arith.constant 0 : i32
      %dma_wait3A_19 = tpu.memref_slice %arg6[%arg0, %mul3A_14, %dma_wait3A] : memref<2x50048x32xf32, #tpu.memory_space<hbm>> -> memref<1x3128x32xf32, #tpu.memory_space<hbm>>
      %dma_wait3A_20 = tpu.memref_squeeze %dma_wait3A_19 : memref<1x3128x32xf32, #tpu.memory_space<hbm>> -> memref<3128x32xf32, #tpu.memory_space<hbm>>
      %dma_wait3A_21 = arith.constant 0 : i32
      %dma_wait3A_22 = tpu.memref_slice %arg10[%mul3A_12, %dma_wait3A_21] : memref<50048x32xf32, #tpu.memory_space<vmem_shared>> -> memref<3128x32xf32, #tpu.memory_space<vmem_shared>>
      tpu.wait_dma2 semaphore(%run_scoped3A : memref<!tpu.dma_semaphore, #tpu.memory_space<semaphore_mem>>) src(%dma_wait3A_22 : memref<3128x32xf32, #tpu.memory_space<vmem_shared>>) dst(%dma_wait3A_20 : memref<3128x32xf32, #tpu.memory_space<hbm>>)
      tpu.yield
    }) : () -> ()
    return
  }
}

module attributes {stable_mosaic.version = 14 : i64} {
  func.func @_gin0_body(%arg0: i32, %arg1: memref<2000x80xf32, #tpu.memory_space<vmem>>, %arg2: memref<2000x40xf32, #tpu.memory_space<vmem>>, %arg3: memref<2000x40xf32, #tpu.memory_space<vmem>>, %arg4: memref<80x32xf32, #tpu.memory_space<vmem>>, %arg5: memref<1x32xf32, #tpu.memory_space<vmem>>, %arg6: memref<32x32xf32, #tpu.memory_space<vmem>>, %arg7: memref<1x32xf32, #tpu.memory_space<vmem>>, %arg8: memref<2000x32xf32, #tpu.memory_space<vmem>>, %arg9: memref<8x32xf32, #tpu.memory_space<vmem>>) attributes {dimension_semantics = [#tpu.dimension_semantics<arbitrary>], iteration_bounds = array<i64: 25>, scalar_prefetch = 0 : i64, scratch_operands = 0 : i64, tpu.core_type = #tpu.core_type<tc>, window_params = [{transform_indices = @transform_0, window_bounds = array<i64: 2000, 80>}, {transform_indices = @transform_1, window_bounds = array<i64: 2000, 40>}, {transform_indices = @transform_2, window_bounds = array<i64: 2000, 40>}, {pipeline_mode = #tpu.pipeline_mode<synchronous>, transform_indices = @transform_3, window_bounds = array<i64: 80, 32>}, {pipeline_mode = #tpu.pipeline_mode<synchronous>, transform_indices = @transform_4, window_bounds = array<i64: 1, 32>}, {pipeline_mode = #tpu.pipeline_mode<synchronous>, transform_indices = @transform_5, window_bounds = array<i64: 32, 32>}, {pipeline_mode = #tpu.pipeline_mode<synchronous>, transform_indices = @transform_6, window_bounds = array<i64: 1, 32>}, {transform_indices = @transform_7, window_bounds = array<i64: 2000, 32>}, {pipeline_mode = #tpu.pipeline_mode<synchronous>, transform_indices = @transform_8, window_bounds = array<i64: 8, 32>}]} {
    %get3A = arith.constant 0 : index
    %get3A_0 = arith.constant 0 : index
    %get3A_1 = vector.load %arg1[%get3A, %get3A_0] : memref<2000x80xf32, #tpu.memory_space<vmem>>, vector<2000x80xf32>
    %get3A_2 = arith.constant 0 : index
    %get3A_3 = arith.constant 0 : index
    %get3A_4 = vector.load %arg2[%get3A_2, %get3A_3] : memref<2000x40xf32, #tpu.memory_space<vmem>>, vector<2000x40xf32>
    %get3A_5 = arith.constant 0 : index
    %get3A_6 = arith.constant 0 : index
    %get3A_7 = vector.load %arg3[%get3A_5, %get3A_6] : memref<2000x40xf32, #tpu.memory_space<vmem>>, vector<2000x40xf32>
    %concatenate3A = tpu.concatenate %get3A_4, %get3A_7 in 1 : vector<2000x40xf32>, vector<2000x40xf32> -> vector<2000x80xf32>
    %add3A = arith.addf %get3A_1, %concatenate3A : vector<2000x80xf32>
    %get3A_8 = arith.constant 0 : index
    %get3A_9 = arith.constant 0 : index
    %get3A_10 = vector.load %arg4[%get3A_8, %get3A_9] : memref<80x32xf32, #tpu.memory_space<vmem>>, vector<80x32xf32>
    %dot_general3A = arith.constant dense<0.000000e+00> : vector<2000x32xf32>
    %dot_general3A_11 = tpu.matmul %add3A, %get3A_10, %dot_general3A {dimension_numbers = #tpu.dot_dimension_numbers<[1], [0], [0], [1], [0, 0, 1, 1], [], []>, transpose_lhs_hint = false} : vector<2000x80xf32>, vector<80x32xf32>, vector<2000x32xf32> -> vector<2000x32xf32>
    %get3A_12 = arith.constant 0 : index
    %get3A_13 = arith.constant 0 : index
    %get3A_14 = vector.load %arg5[%get3A_12, %get3A_13] : memref<1x32xf32, #tpu.memory_space<vmem>>, vector<1x32xf32>
    %add3A_15 = vector.broadcast %get3A_14 : vector<1x32xf32> to vector<2000x32xf32>
    %add3A_16 = arith.addf %dot_general3A_11, %add3A_15 : vector<2000x32xf32>
    %max3A = arith.constant 0.000000e+00 : f32
    %max3A_17 = vector.broadcast %max3A : f32 to vector<2000x32xf32>
    %max3A_18 = arith.maximumf %add3A_16, %max3A_17 : vector<2000x32xf32>
    %get3A_19 = arith.constant 0 : index
    %get3A_20 = arith.constant 0 : index
    %get3A_21 = vector.load %arg6[%get3A_19, %get3A_20] : memref<32x32xf32, #tpu.memory_space<vmem>>, vector<32x32xf32>
    %dot_general3A_22 = arith.constant dense<0.000000e+00> : vector<2000x32xf32>
    %dot_general3A_23 = tpu.matmul %max3A_18, %get3A_21, %dot_general3A_22 {dimension_numbers = #tpu.dot_dimension_numbers<[1], [0], [0], [1], [0, 0, 1, 1], [], []>, transpose_lhs_hint = false} : vector<2000x32xf32>, vector<32x32xf32>, vector<2000x32xf32> -> vector<2000x32xf32>
    %get3A_24 = arith.constant 0 : index
    %get3A_25 = arith.constant 0 : index
    %get3A_26 = vector.load %arg7[%get3A_24, %get3A_25] : memref<1x32xf32, #tpu.memory_space<vmem>>, vector<1x32xf32>
    %add3A_27 = vector.broadcast %get3A_26 : vector<1x32xf32> to vector<2000x32xf32>
    %add3A_28 = arith.addf %dot_general3A_23, %add3A_27 : vector<2000x32xf32>
    %max3A_29 = arith.constant 0.000000e+00 : f32
    %max3A_30 = vector.broadcast %max3A_29 : f32 to vector<2000x32xf32>
    %max3A_31 = arith.maximumf %add3A_28, %max3A_30 : vector<2000x32xf32>
    %swap3A = arith.constant 0 : index
    %swap3A_32 = arith.constant 0 : index
    %swap3A_33 = vector.load %arg8[%swap3A, %swap3A_32] : memref<2000x32xf32, #tpu.memory_space<vmem>>, vector<2000x32xf32>
    tpu.vector_store %arg8[%swap3A, %swap3A_32], %max3A_31 {strides = array<i32>} : memref<2000x32xf32, #tpu.memory_space<vmem>>, vector<2000x32xf32>,
    %reduce_sum3A = arith.constant dense<0.000000e+00> : vector<32xf32>
    %reduce_sum3A_34 = vector.multi_reduction <add>, %max3A_31, %reduce_sum3A [0] : vector<2000x32xf32> to vector<32xf32>
    %broadcast_in_dim3A = vector.shape_cast %reduce_sum3A_34 : vector<32xf32> to vector<1x32xf32>
    %broadcast_in_dim3A_35 = arith.constant 0.000000e+00 : f32
    %broadcast_in_dim3A_36 = vector.broadcast %broadcast_in_dim3A_35 : f32 to vector<7x32xf32>
    %concatenate3A_37 = tpu.concatenate %broadcast_in_dim3A, %broadcast_in_dim3A_36 in 0 : vector<1x32xf32>, vector<7x32xf32> -> vector<8x32xf32>
    %eq3A = arith.constant 0 : i32
    %eq3A_38 = arith.cmpi eq, %arg0, %eq3A : i32
    %convert_element_type3A = arith.extui %eq3A_38 : i1 to i32
    %cond3A = arith.constant 0 : i32
    %cond3A_39 = arith.cmpi ne, %convert_element_type3A, %cond3A : i32
    scf.if %cond3A_39 {
      %swap3A_44 = arith.constant 0 : index
      %swap3A_45 = arith.constant 0 : index
      %swap3A_46 = vector.load %arg9[%swap3A_44, %swap3A_45] : memref<8x32xf32, #tpu.memory_space<vmem>>, vector<8x32xf32>
      tpu.vector_store %arg9[%swap3A_44, %swap3A_45], %concatenate3A_37 {strides = array<i32>} : memref<8x32xf32, #tpu.memory_space<vmem>>, vector<8x32xf32>,
    } else {
    }
    %gt3A = arith.constant 0 : i32
    %gt3A_40 = arith.cmpi sgt, %arg0, %gt3A : i32
    %convert_element_type3A_41 = arith.extui %gt3A_40 : i1 to i32
    %cond3A_42 = arith.constant 0 : i32
    %cond3A_43 = arith.cmpi ne, %convert_element_type3A_41, %cond3A_42 : i32
    scf.if %cond3A_43 {
      %get3A_44 = arith.constant 0 : index
      %get3A_45 = arith.constant 0 : index
      %get3A_46 = vector.load %arg9[%get3A_44, %get3A_45] : memref<8x32xf32, #tpu.memory_space<vmem>>, vector<8x32xf32>
      %add3A_47 = arith.addf %get3A_46, %concatenate3A_37 : vector<8x32xf32>
      %swap3A_48 = arith.constant 0 : index
      %swap3A_49 = arith.constant 0 : index
      %swap3A_50 = vector.load %arg9[%swap3A_48, %swap3A_49] : memref<8x32xf32, #tpu.memory_space<vmem>>, vector<8x32xf32>
      tpu.vector_store %arg9[%swap3A_48, %swap3A_49], %add3A_47 {strides = array<i32>} : memref<8x32xf32, #tpu.memory_space<vmem>>, vector<8x32xf32>,
    } else {
    }
    return
  }
  func.func @transform_0(%arg0: i32) -> (i32, i32) {
    %c0_i32 = arith.constant 0 : i32
    %c0_i32_0 = arith.constant 0 : i32
    return %arg0, %c0_i32 : i32, i32
  }
  func.func @transform_1(%arg0: i32) -> (i32, i32) {
    %c0_i32 = arith.constant 0 : i32
    %c0_i32_0 = arith.constant 0 : i32
    return %arg0, %c0_i32 : i32, i32
  }
  func.func @transform_2(%arg0: i32) -> (i32, i32) {
    %c0_i32 = arith.constant 0 : i32
    %c0_i32_0 = arith.constant 0 : i32
    return %arg0, %c0_i32 : i32, i32
  }
  func.func @transform_3(%arg0: i32) -> (i32, i32) {
    %c0_i32 = arith.constant 0 : i32
    %c0_i32_0 = arith.constant 0 : i32
    %c0_i32_1 = arith.constant 0 : i32
    return %c0_i32, %c0_i32_0 : i32, i32
  }
  func.func @transform_4(%arg0: i32) -> (i32, i32) {
    %c0_i32 = arith.constant 0 : i32
    %c0_i32_0 = arith.constant 0 : i32
    %c0_i32_1 = arith.constant 0 : i32
    return %c0_i32, %c0_i32_0 : i32, i32
  }
  func.func @transform_5(%arg0: i32) -> (i32, i32) {
    %c0_i32 = arith.constant 0 : i32
    %c0_i32_0 = arith.constant 0 : i32
    %c0_i32_1 = arith.constant 0 : i32
    return %c0_i32, %c0_i32_0 : i32, i32
  }
  func.func @transform_6(%arg0: i32) -> (i32, i32) {
    %c0_i32 = arith.constant 0 : i32
    %c0_i32_0 = arith.constant 0 : i32
    %c0_i32_1 = arith.constant 0 : i32
    return %c0_i32, %c0_i32_0 : i32, i32
  }
  func.func @transform_7(%arg0: i32) -> (i32, i32) {
    %c0_i32 = arith.constant 0 : i32
    %c0_i32_0 = arith.constant 0 : i32
    return %arg0, %c0_i32 : i32, i32
  }
  func.func @transform_8(%arg0: i32) -> (i32, i32) {
    %c0_i32 = arith.constant 0 : i32
    %c0_i32_0 = arith.constant 0 : i32
    %c0_i32_1 = arith.constant 0 : i32
    return %c0_i32, %c0_i32_0 : i32, i32
  }
}

module attributes {stable_mosaic.version = 14 : i64} {
  func.func @_var_body(%arg0: i32, %arg1: memref<2000x32xf32, #tpu.memory_space<vmem>>, %arg2: memref<1x32xf32, #tpu.memory_space<vmem>>, %arg3: memref<8x32xf32, #tpu.memory_space<vmem>>) attributes {dimension_semantics = [#tpu.dimension_semantics<arbitrary>], iteration_bounds = array<i64: 25>, scalar_prefetch = 0 : i64, scratch_operands = 0 : i64, tpu.core_type = #tpu.core_type<tc>, window_params = [{transform_indices = @transform_0, window_bounds = array<i64: 2000, 32>}, {pipeline_mode = #tpu.pipeline_mode<synchronous>, transform_indices = @transform_1, window_bounds = array<i64: 1, 32>}, {pipeline_mode = #tpu.pipeline_mode<synchronous>, transform_indices = @transform_2, window_bounds = array<i64: 8, 32>}]} {
    %get3A = arith.constant 0 : index
    %get3A_0 = arith.constant 0 : index
    %get3A_1 = vector.load %arg1[%get3A, %get3A_0] : memref<2000x32xf32, #tpu.memory_space<vmem>>, vector<2000x32xf32>
    %get3A_2 = arith.constant 0 : index
    %get3A_3 = arith.constant 0 : index
    %get3A_4 = vector.load %arg2[%get3A_2, %get3A_3] : memref<1x32xf32, #tpu.memory_space<vmem>>, vector<1x32xf32>
    %sub3A = vector.broadcast %get3A_4 : vector<1x32xf32> to vector<2000x32xf32>
    %sub3A_5 = arith.subf %get3A_1, %sub3A : vector<2000x32xf32>
    %mul3A = arith.mulf %sub3A_5, %sub3A_5 : vector<2000x32xf32>
    %reduce_sum3A = arith.constant dense<0.000000e+00> : vector<32xf32>
    %reduce_sum3A_6 = vector.multi_reduction <add>, %mul3A, %reduce_sum3A [0] : vector<2000x32xf32> to vector<32xf32>
    %broadcast_in_dim3A = vector.shape_cast %reduce_sum3A_6 : vector<32xf32> to vector<1x32xf32>
    %broadcast_in_dim3A_7 = arith.constant 0.000000e+00 : f32
    %broadcast_in_dim3A_8 = vector.broadcast %broadcast_in_dim3A_7 : f32 to vector<7x32xf32>
    %concatenate3A = tpu.concatenate %broadcast_in_dim3A, %broadcast_in_dim3A_8 in 0 : vector<1x32xf32>, vector<7x32xf32> -> vector<8x32xf32>
    %eq3A = arith.constant 0 : i32
    %eq3A_9 = arith.cmpi eq, %arg0, %eq3A : i32
    %convert_element_type3A = arith.extui %eq3A_9 : i1 to i32
    %cond3A = arith.constant 0 : i32
    %cond3A_10 = arith.cmpi ne, %convert_element_type3A, %cond3A : i32
    scf.if %cond3A_10 {
      %swap3A = arith.constant 0 : index
      %swap3A_15 = arith.constant 0 : index
      %swap3A_16 = vector.load %arg3[%swap3A, %swap3A_15] : memref<8x32xf32, #tpu.memory_space<vmem>>, vector<8x32xf32>
      tpu.vector_store %arg3[%swap3A, %swap3A_15], %concatenate3A {strides = array<i32>} : memref<8x32xf32, #tpu.memory_space<vmem>>, vector<8x32xf32>,
    } else {
    }
    %gt3A = arith.constant 0 : i32
    %gt3A_11 = arith.cmpi sgt, %arg0, %gt3A : i32
    %convert_element_type3A_12 = arith.extui %gt3A_11 : i1 to i32
    %cond3A_13 = arith.constant 0 : i32
    %cond3A_14 = arith.cmpi ne, %convert_element_type3A_12, %cond3A_13 : i32
    scf.if %cond3A_14 {
      %get3A_15 = arith.constant 0 : index
      %get3A_16 = arith.constant 0 : index
      %get3A_17 = vector.load %arg3[%get3A_15, %get3A_16] : memref<8x32xf32, #tpu.memory_space<vmem>>, vector<8x32xf32>
      %add3A = arith.addf %get3A_17, %concatenate3A : vector<8x32xf32>
      %swap3A = arith.constant 0 : index
      %swap3A_18 = arith.constant 0 : index
      %swap3A_19 = vector.load %arg3[%swap3A, %swap3A_18] : memref<8x32xf32, #tpu.memory_space<vmem>>, vector<8x32xf32>
      tpu.vector_store %arg3[%swap3A, %swap3A_18], %add3A {strides = array<i32>} : memref<8x32xf32, #tpu.memory_space<vmem>>, vector<8x32xf32>,
    } else {
    }
    return
  }
  func.func @transform_0(%arg0: i32) -> (i32, i32) {
    %c0_i32 = arith.constant 0 : i32
    %c0_i32_0 = arith.constant 0 : i32
    return %arg0, %c0_i32 : i32, i32
  }
  func.func @transform_1(%arg0: i32) -> (i32, i32) {
    %c0_i32 = arith.constant 0 : i32
    %c0_i32_0 = arith.constant 0 : i32
    %c0_i32_1 = arith.constant 0 : i32
    return %c0_i32, %c0_i32_0 : i32, i32
  }
  func.func @transform_2(%arg0: i32) -> (i32, i32) {
    %c0_i32 = arith.constant 0 : i32
    %c0_i32_0 = arith.constant 0 : i32
    %c0_i32_1 = arith.constant 0 : i32
    return %c0_i32, %c0_i32_0 : i32, i32
  }
}

module attributes {stable_mosaic.version = 14 : i64} {
  func.func @_bn_body(%arg0: i32, %arg1: memref<2000x32xf32, #tpu.memory_space<vmem>>, %arg2: memref<1x32xf32, #tpu.memory_space<vmem>>, %arg3: memref<1x32xf32, #tpu.memory_space<vmem>>, %arg4: memref<1x32xf32, #tpu.memory_space<vmem>>, %arg5: memref<1x32xf32, #tpu.memory_space<vmem>>, %arg6: memref<2000x32xf32, #tpu.memory_space<vmem>>) attributes {dimension_semantics = [#tpu.dimension_semantics<arbitrary>], iteration_bounds = array<i64: 25>, scalar_prefetch = 0 : i64, scratch_operands = 0 : i64, tpu.core_type = #tpu.core_type<tc>, window_params = [{transform_indices = @transform_0, window_bounds = array<i64: 2000, 32>}, {pipeline_mode = #tpu.pipeline_mode<synchronous>, transform_indices = @transform_1, window_bounds = array<i64: 1, 32>}, {pipeline_mode = #tpu.pipeline_mode<synchronous>, transform_indices = @transform_2, window_bounds = array<i64: 1, 32>}, {pipeline_mode = #tpu.pipeline_mode<synchronous>, transform_indices = @transform_3, window_bounds = array<i64: 1, 32>}, {pipeline_mode = #tpu.pipeline_mode<synchronous>, transform_indices = @transform_4, window_bounds = array<i64: 1, 32>}, {transform_indices = @transform_5, window_bounds = array<i64: 2000, 32>}]} {
    %get3A = arith.constant 0 : index
    %get3A_0 = arith.constant 0 : index
    %get3A_1 = vector.load %arg1[%get3A, %get3A_0] : memref<2000x32xf32, #tpu.memory_space<vmem>>, vector<2000x32xf32>
    %get3A_2 = arith.constant 0 : index
    %get3A_3 = arith.constant 0 : index
    %get3A_4 = vector.load %arg2[%get3A_2, %get3A_3] : memref<1x32xf32, #tpu.memory_space<vmem>>, vector<1x32xf32>
    %sub3A = vector.broadcast %get3A_4 : vector<1x32xf32> to vector<2000x32xf32>
    %sub3A_5 = arith.subf %get3A_1, %sub3A : vector<2000x32xf32>
    %get3A_6 = arith.constant 0 : index
    %get3A_7 = arith.constant 0 : index
    %get3A_8 = vector.load %arg3[%get3A_6, %get3A_7] : memref<1x32xf32, #tpu.memory_space<vmem>>, vector<1x32xf32>
    %div3A = vector.broadcast %get3A_8 : vector<1x32xf32> to vector<2000x32xf32>
    %div3A_9 = arith.divf %sub3A_5, %div3A : vector<2000x32xf32>
    %get3A_10 = arith.constant 0 : index
    %get3A_11 = arith.constant 0 : index
    %get3A_12 = vector.load %arg4[%get3A_10, %get3A_11] : memref<1x32xf32, #tpu.memory_space<vmem>>, vector<1x32xf32>
    %mul3A = vector.broadcast %get3A_12 : vector<1x32xf32> to vector<2000x32xf32>
    %mul3A_13 = arith.mulf %div3A_9, %mul3A : vector<2000x32xf32>
    %get3A_14 = arith.constant 0 : index
    %get3A_15 = arith.constant 0 : index
    %get3A_16 = vector.load %arg5[%get3A_14, %get3A_15] : memref<1x32xf32, #tpu.memory_space<vmem>>, vector<1x32xf32>
    %add3A = vector.broadcast %get3A_16 : vector<1x32xf32> to vector<2000x32xf32>
    %add3A_17 = arith.addf %mul3A_13, %add3A : vector<2000x32xf32>
    %swap3A = arith.constant 0 : index
    %swap3A_18 = arith.constant 0 : index
    %swap3A_19 = vector.load %arg6[%swap3A, %swap3A_18] : memref<2000x32xf32, #tpu.memory_space<vmem>>, vector<2000x32xf32>
    tpu.vector_store %arg6[%swap3A, %swap3A_18], %add3A_17 {strides = array<i32>} : memref<2000x32xf32, #tpu.memory_space<vmem>>, vector<2000x32xf32>,
    return
  }
  func.func @transform_0(%arg0: i32) -> (i32, i32) {
    %c0_i32 = arith.constant 0 : i32
    %c0_i32_0 = arith.constant 0 : i32
    return %arg0, %c0_i32 : i32, i32
  }
  func.func @transform_1(%arg0: i32) -> (i32, i32) {
    %c0_i32 = arith.constant 0 : i32
    %c0_i32_0 = arith.constant 0 : i32
    %c0_i32_1 = arith.constant 0 : i32
    return %c0_i32, %c0_i32_0 : i32, i32
  }
  func.func @transform_2(%arg0: i32) -> (i32, i32) {
    %c0_i32 = arith.constant 0 : i32
    %c0_i32_0 = arith.constant 0 : i32
    %c0_i32_1 = arith.constant 0 : i32
    return %c0_i32, %c0_i32_0 : i32, i32
  }
  func.func @transform_3(%arg0: i32) -> (i32, i32) {
    %c0_i32 = arith.constant 0 : i32
    %c0_i32_0 = arith.constant 0 : i32
    %c0_i32_1 = arith.constant 0 : i32
    return %c0_i32, %c0_i32_0 : i32, i32
  }
  func.func @transform_4(%arg0: i32) -> (i32, i32) {
    %c0_i32 = arith.constant 0 : i32
    %c0_i32_0 = arith.constant 0 : i32
    %c0_i32_1 = arith.constant 0 : i32
    return %c0_i32, %c0_i32_0 : i32, i32
  }
  func.func @transform_5(%arg0: i32) -> (i32, i32) {
    %c0_i32 = arith.constant 0 : i32
    %c0_i32_0 = arith.constant 0 : i32
    return %arg0, %c0_i32 : i32, i32
  }
}

module attributes {stable_mosaic.version = 14 : i64} {
  func.func @_gin_body(%arg0: i32, %arg1: memref<2000x32xf32, #tpu.memory_space<vmem>>, %arg2: memref<2000x32xf32, #tpu.memory_space<vmem>>, %arg3: memref<2000x32xf32, #tpu.memory_space<vmem>>, %arg4: memref<32x32xf32, #tpu.memory_space<vmem>>, %arg5: memref<1x32xf32, #tpu.memory_space<vmem>>, %arg6: memref<32x32xf32, #tpu.memory_space<vmem>>, %arg7: memref<1x32xf32, #tpu.memory_space<vmem>>, %arg8: memref<2000x32xf32, #tpu.memory_space<vmem>>, %arg9: memref<8x32xf32, #tpu.memory_space<vmem>>) attributes {dimension_semantics = [#tpu.dimension_semantics<arbitrary>], iteration_bounds = array<i64: 25>, scalar_prefetch = 0 : i64, scratch_operands = 0 : i64, tpu.core_type = #tpu.core_type<tc>, window_params = [{transform_indices = @transform_0, window_bounds = array<i64: 2000, 32>}, {transform_indices = @transform_1, window_bounds = array<i64: 2000, 32>}, {transform_indices = @transform_2, window_bounds = array<i64: 2000, 32>}, {pipeline_mode = #tpu.pipeline_mode<synchronous>, transform_indices = @transform_3, window_bounds = array<i64: 32, 32>}, {pipeline_mode = #tpu.pipeline_mode<synchronous>, transform_indices = @transform_4, window_bounds = array<i64: 1, 32>}, {pipeline_mode = #tpu.pipeline_mode<synchronous>, transform_indices = @transform_5, window_bounds = array<i64: 32, 32>}, {pipeline_mode = #tpu.pipeline_mode<synchronous>, transform_indices = @transform_6, window_bounds = array<i64: 1, 32>}, {transform_indices = @transform_7, window_bounds = array<i64: 2000, 32>}, {pipeline_mode = #tpu.pipeline_mode<synchronous>, transform_indices = @transform_8, window_bounds = array<i64: 8, 32>}]} {
    %get3A = arith.constant 0 : index
    %get3A_0 = arith.constant 0 : index
    %get3A_1 = vector.load %arg1[%get3A, %get3A_0] : memref<2000x32xf32, #tpu.memory_space<vmem>>, vector<2000x32xf32>
    %get3A_2 = arith.constant 0 : index
    %get3A_3 = arith.constant 0 : index
    %get3A_4 = vector.load %arg2[%get3A_2, %get3A_3] : memref<2000x32xf32, #tpu.memory_space<vmem>>, vector<2000x32xf32>
    %add3A = arith.addf %get3A_1, %get3A_4 : vector<2000x32xf32>
    %get3A_5 = arith.constant 0 : index
    %get3A_6 = arith.constant 0 : index
    %get3A_7 = vector.load %arg3[%get3A_5, %get3A_6] : memref<2000x32xf32, #tpu.memory_space<vmem>>, vector<2000x32xf32>
    %add3A_8 = arith.addf %add3A, %get3A_7 : vector<2000x32xf32>
    %get3A_9 = arith.constant 0 : index
    %get3A_10 = arith.constant 0 : index
    %get3A_11 = vector.load %arg4[%get3A_9, %get3A_10] : memref<32x32xf32, #tpu.memory_space<vmem>>, vector<32x32xf32>
    %dot_general3A = arith.constant dense<0.000000e+00> : vector<2000x32xf32>
    %dot_general3A_12 = tpu.matmul %add3A_8, %get3A_11, %dot_general3A {dimension_numbers = #tpu.dot_dimension_numbers<[1], [0], [0], [1], [0, 0, 1, 1], [], []>, transpose_lhs_hint = false} : vector<2000x32xf32>, vector<32x32xf32>, vector<2000x32xf32> -> vector<2000x32xf32>
    %get3A_13 = arith.constant 0 : index
    %get3A_14 = arith.constant 0 : index
    %get3A_15 = vector.load %arg5[%get3A_13, %get3A_14] : memref<1x32xf32, #tpu.memory_space<vmem>>, vector<1x32xf32>
    %add3A_16 = vector.broadcast %get3A_15 : vector<1x32xf32> to vector<2000x32xf32>
    %add3A_17 = arith.addf %dot_general3A_12, %add3A_16 : vector<2000x32xf32>
    %max3A = arith.constant 0.000000e+00 : f32
    %max3A_18 = vector.broadcast %max3A : f32 to vector<2000x32xf32>
    %max3A_19 = arith.maximumf %add3A_17, %max3A_18 : vector<2000x32xf32>
    %get3A_20 = arith.constant 0 : index
    %get3A_21 = arith.constant 0 : index
    %get3A_22 = vector.load %arg6[%get3A_20, %get3A_21] : memref<32x32xf32, #tpu.memory_space<vmem>>, vector<32x32xf32>
    %dot_general3A_23 = arith.constant dense<0.000000e+00> : vector<2000x32xf32>
    %dot_general3A_24 = tpu.matmul %max3A_19, %get3A_22, %dot_general3A_23 {dimension_numbers = #tpu.dot_dimension_numbers<[1], [0], [0], [1], [0, 0, 1, 1], [], []>, transpose_lhs_hint = false} : vector<2000x32xf32>, vector<32x32xf32>, vector<2000x32xf32> -> vector<2000x32xf32>
    %get3A_25 = arith.constant 0 : index
    %get3A_26 = arith.constant 0 : index
    %get3A_27 = vector.load %arg7[%get3A_25, %get3A_26] : memref<1x32xf32, #tpu.memory_space<vmem>>, vector<1x32xf32>
    %add3A_28 = vector.broadcast %get3A_27 : vector<1x32xf32> to vector<2000x32xf32>
    %add3A_29 = arith.addf %dot_general3A_24, %add3A_28 : vector<2000x32xf32>
    %max3A_30 = arith.constant 0.000000e+00 : f32
    %max3A_31 = vector.broadcast %max3A_30 : f32 to vector<2000x32xf32>
    %max3A_32 = arith.maximumf %add3A_29, %max3A_31 : vector<2000x32xf32>
    %swap3A = arith.constant 0 : index
    %swap3A_33 = arith.constant 0 : index
    %swap3A_34 = vector.load %arg8[%swap3A, %swap3A_33] : memref<2000x32xf32, #tpu.memory_space<vmem>>, vector<2000x32xf32>
    tpu.vector_store %arg8[%swap3A, %swap3A_33], %max3A_32 {strides = array<i32>} : memref<2000x32xf32, #tpu.memory_space<vmem>>, vector<2000x32xf32>,
    %reduce_sum3A = arith.constant dense<0.000000e+00> : vector<32xf32>
    %reduce_sum3A_35 = vector.multi_reduction <add>, %max3A_32, %reduce_sum3A [0] : vector<2000x32xf32> to vector<32xf32>
    %broadcast_in_dim3A = vector.shape_cast %reduce_sum3A_35 : vector<32xf32> to vector<1x32xf32>
    %broadcast_in_dim3A_36 = arith.constant 0.000000e+00 : f32
    %broadcast_in_dim3A_37 = vector.broadcast %broadcast_in_dim3A_36 : f32 to vector<7x32xf32>
    %concatenate3A = tpu.concatenate %broadcast_in_dim3A, %broadcast_in_dim3A_37 in 0 : vector<1x32xf32>, vector<7x32xf32> -> vector<8x32xf32>
    %eq3A = arith.constant 0 : i32
    %eq3A_38 = arith.cmpi eq, %arg0, %eq3A : i32
    %convert_element_type3A = arith.extui %eq3A_38 : i1 to i32
    %cond3A = arith.constant 0 : i32
    %cond3A_39 = arith.cmpi ne, %convert_element_type3A, %cond3A : i32
    scf.if %cond3A_39 {
      %swap3A_44 = arith.constant 0 : index
      %swap3A_45 = arith.constant 0 : index
      %swap3A_46 = vector.load %arg9[%swap3A_44, %swap3A_45] : memref<8x32xf32, #tpu.memory_space<vmem>>, vector<8x32xf32>
      tpu.vector_store %arg9[%swap3A_44, %swap3A_45], %concatenate3A {strides = array<i32>} : memref<8x32xf32, #tpu.memory_space<vmem>>, vector<8x32xf32>,
    } else {
    }
    %gt3A = arith.constant 0 : i32
    %gt3A_40 = arith.cmpi sgt, %arg0, %gt3A : i32
    %convert_element_type3A_41 = arith.extui %gt3A_40 : i1 to i32
    %cond3A_42 = arith.constant 0 : i32
    %cond3A_43 = arith.cmpi ne, %convert_element_type3A_41, %cond3A_42 : i32
    scf.if %cond3A_43 {
      %get3A_44 = arith.constant 0 : index
      %get3A_45 = arith.constant 0 : index
      %get3A_46 = vector.load %arg9[%get3A_44, %get3A_45] : memref<8x32xf32, #tpu.memory_space<vmem>>, vector<8x32xf32>
      %add3A_47 = arith.addf %get3A_46, %concatenate3A : vector<8x32xf32>
      %swap3A_48 = arith.constant 0 : index
      %swap3A_49 = arith.constant 0 : index
      %swap3A_50 = vector.load %arg9[%swap3A_48, %swap3A_49] : memref<8x32xf32, #tpu.memory_space<vmem>>, vector<8x32xf32>
      tpu.vector_store %arg9[%swap3A_48, %swap3A_49], %add3A_47 {strides = array<i32>} : memref<8x32xf32, #tpu.memory_space<vmem>>, vector<8x32xf32>,
    } else {
    }
    return
  }
  func.func @transform_0(%arg0: i32) -> (i32, i32) {
    %c0_i32 = arith.constant 0 : i32
    %c0_i32_0 = arith.constant 0 : i32
    return %arg0, %c0_i32 : i32, i32
  }
  func.func @transform_1(%arg0: i32) -> (i32, i32) {
    %c0_i32 = arith.constant 0 : i32
    %c0_i32_0 = arith.constant 0 : i32
    return %arg0, %c0_i32 : i32, i32
  }
  func.func @transform_2(%arg0: i32) -> (i32, i32) {
    %c0_i32 = arith.constant 0 : i32
    %c0_i32_0 = arith.constant 0 : i32
    return %arg0, %c0_i32 : i32, i32
  }
  func.func @transform_3(%arg0: i32) -> (i32, i32) {
    %c0_i32 = arith.constant 0 : i32
    %c0_i32_0 = arith.constant 0 : i32
    %c0_i32_1 = arith.constant 0 : i32
    return %c0_i32, %c0_i32_0 : i32, i32
  }
  func.func @transform_4(%arg0: i32) -> (i32, i32) {
    %c0_i32 = arith.constant 0 : i32
    %c0_i32_0 = arith.constant 0 : i32
    %c0_i32_1 = arith.constant 0 : i32
    return %c0_i32, %c0_i32_0 : i32, i32
  }
  func.func @transform_5(%arg0: i32) -> (i32, i32) {
    %c0_i32 = arith.constant 0 : i32
    %c0_i32_0 = arith.constant 0 : i32
    %c0_i32_1 = arith.constant 0 : i32
    return %c0_i32, %c0_i32_0 : i32, i32
  }
  func.func @transform_6(%arg0: i32) -> (i32, i32) {
    %c0_i32 = arith.constant 0 : i32
    %c0_i32_0 = arith.constant 0 : i32
    %c0_i32_1 = arith.constant 0 : i32
    return %c0_i32, %c0_i32_0 : i32, i32
  }
  func.func @transform_7(%arg0: i32) -> (i32, i32) {
    %c0_i32 = arith.constant 0 : i32
    %c0_i32_0 = arith.constant 0 : i32
    return %arg0, %c0_i32 : i32, i32
  }
  func.func @transform_8(%arg0: i32) -> (i32, i32) {
    %c0_i32 = arith.constant 0 : i32
    %c0_i32_0 = arith.constant 0 : i32
    %c0_i32_1 = arith.constant 0 : i32
    return %c0_i32, %c0_i32_0 : i32, i32
  }
}

module attributes {stable_mosaic.version = 14 : i64} {
  func.func @_pool_body(%arg0: i32, %arg1: memref<2000x32xf32, #tpu.memory_space<vmem>>, %arg2: memref<1x1x2000xi32, #tpu.memory_space<vmem>>, %arg3: memref<256x64xf32, #tpu.memory_space<vmem>>) attributes {dimension_semantics = [#tpu.dimension_semantics<arbitrary>], iteration_bounds = array<i64: 25>, scalar_prefetch = 0 : i64, scratch_operands = 0 : i64, tpu.core_type = #tpu.core_type<tc>, window_params = [{transform_indices = @transform_0, window_bounds = array<i64: 2000, 32>}, {transform_indices = @transform_1, window_bounds = array<i64: 1, 1, 2000>}, {pipeline_mode = #tpu.pipeline_mode<synchronous>, transform_indices = @transform_2, window_bounds = array<i64: 256, 64>}]} {
    %get3A = arith.constant 0 : index
    %get3A_0 = arith.constant 0 : index
    %get3A_1 = vector.load %arg1[%get3A, %get3A_0] : memref<2000x32xf32, #tpu.memory_space<vmem>>, vector<2000x32xf32>
    %get3A_2 = arith.constant 0 : index
    %get3A_3 = arith.constant 0 : index
    %get3A_4 = arith.constant 0 : index
    %get3A_5 = vector.load %arg2[%get3A_2, %get3A_3, %get3A_4] : memref<1x1x2000xi32, #tpu.memory_space<vmem>>, vector<1x1x2000xi32>
    %reshape3A = vector.shape_cast %get3A_5 : vector<1x1x2000xi32> to vector<1x2000xi32>
    %iota3A = tpu.iota {dimensions = array<i32: 0>} : vector<256x2000xi32>
    %eq3A = vector.broadcast %reshape3A : vector<1x2000xi32> to vector<256x2000xi32>
    %eq3A_6 = arith.cmpi eq, %iota3A, %eq3A : vector<256x2000xi32>
    %convert_element_type3A = arith.extui %eq3A_6 : vector<256x2000xi1> to vector<256x2000xi32>
    %convert_element_type3A_7 = arith.sitofp %convert_element_type3A : vector<256x2000xi32> to vector<256x2000xf32>
    %broadcast_in_dim3A = arith.constant 1.000000e+00 : f32
    %broadcast_in_dim3A_8 = vector.broadcast %broadcast_in_dim3A : f32 to vector<2000x32xf32>
    %concatenate3A = tpu.concatenate %get3A_1, %broadcast_in_dim3A_8 in 1 : vector<2000x32xf32>, vector<2000x32xf32> -> vector<2000x64xf32>
    %dot_general3A = arith.constant dense<0.000000e+00> : vector<256x64xf32>
    %dot_general3A_9 = tpu.matmul %convert_element_type3A_7, %concatenate3A, %dot_general3A {dimension_numbers = #tpu.dot_dimension_numbers<[1], [0], [0], [1], [0, 0, 1, 1], [], []>, precision = #tpu.contract_precision<fp32>, transpose_lhs_hint = false} : vector<256x2000xf32>, vector<2000x64xf32>, vector<256x64xf32> -> vector<256x64xf32>
    %eq3A_10 = arith.constant 0 : i32
    %eq3A_11 = arith.cmpi eq, %arg0, %eq3A_10 : i32
    %convert_element_type3A_12 = arith.extui %eq3A_11 : i1 to i32
    %cond3A = arith.constant 0 : i32
    %cond3A_13 = arith.cmpi ne, %convert_element_type3A_12, %cond3A : i32
    scf.if %cond3A_13 {
      %swap3A = arith.constant 0 : index
      %swap3A_18 = arith.constant 0 : index
      %swap3A_19 = vector.load %arg3[%swap3A, %swap3A_18] : memref<256x64xf32, #tpu.memory_space<vmem>>, vector<256x64xf32>
      tpu.vector_store %arg3[%swap3A, %swap3A_18], %dot_general3A_9 {strides = array<i32>} : memref<256x64xf32, #tpu.memory_space<vmem>>, vector<256x64xf32>,
    } else {
    }
    %gt3A = arith.constant 0 : i32
    %gt3A_14 = arith.cmpi sgt, %arg0, %gt3A : i32
    %convert_element_type3A_15 = arith.extui %gt3A_14 : i1 to i32
    %cond3A_16 = arith.constant 0 : i32
    %cond3A_17 = arith.cmpi ne, %convert_element_type3A_15, %cond3A_16 : i32
    scf.if %cond3A_17 {
      %get3A_18 = arith.constant 0 : index
      %get3A_19 = arith.constant 0 : index
      %get3A_20 = vector.load %arg3[%get3A_18, %get3A_19] : memref<256x64xf32, #tpu.memory_space<vmem>>, vector<256x64xf32>
      %add3A = arith.addf %get3A_20, %dot_general3A_9 : vector<256x64xf32>
      %swap3A = arith.constant 0 : index
      %swap3A_21 = arith.constant 0 : index
      %swap3A_22 = vector.load %arg3[%swap3A, %swap3A_21] : memref<256x64xf32, #tpu.memory_space<vmem>>, vector<256x64xf32>
      tpu.vector_store %arg3[%swap3A, %swap3A_21], %add3A {strides = array<i32>} : memref<256x64xf32, #tpu.memory_space<vmem>>, vector<256x64xf32>,
    } else {
    }
    return
  }
  func.func @transform_0(%arg0: i32) -> (i32, i32) {
    %c0_i32 = arith.constant 0 : i32
    %c0_i32_0 = arith.constant 0 : i32
    return %arg0, %c0_i32 : i32, i32
  }
  func.func @transform_1(%arg0: i32) -> (i32, i32, i32) {
    %c0_i32 = arith.constant 0 : i32
    %c0_i32_0 = arith.constant 0 : i32
    %c0_i32_1 = arith.constant 0 : i32
    return %arg0, %c0_i32, %c0_i32_0 : i32, i32, i32
  }
  func.func @transform_2(%arg0: i32) -> (i32, i32) {
    %c0_i32 = arith.constant 0 : i32
    %c0_i32_0 = arith.constant 0 : i32
    %c0_i32_1 = arith.constant 0 : i32
    return %c0_i32, %c0_i32_0 : i32, i32
  }
}

module attributes {stable_mosaic.version = 14 : i64} {
  func.func @_head_body(%arg0: i32, %arg1: memref<16x64xf32, #tpu.memory_space<vmem>>, %arg2: memref<32x128xf32, #tpu.memory_space<vmem>>, %arg3: memref<1x128xf32, #tpu.memory_space<vmem>>, %arg4: memref<16x1000xi32, #tpu.memory_space<vmem>>, %arg5: memref<32x128xf32, #tpu.memory_space<vmem>>, %arg6: memref<1000x256xf32, #tpu.memory_space<vmem>>, %arg7: memref<32768x128xf32, #tpu.memory_space<vmem>>, %arg8: memref<1x128xf32, #tpu.memory_space<vmem>>, %arg9: memref<256x1024xf32, #tpu.memory_space<vmem>>, %arg10: memref<1x1024xf32, #tpu.memory_space<vmem>>, %arg11: memref<1024x256xf32, #tpu.memory_space<vmem>>, %arg12: memref<1x256xf32, #tpu.memory_space<vmem>>, %arg13: memref<256x128xf32, #tpu.memory_space<vmem>>, %arg14: memref<1x128xf32, #tpu.memory_space<vmem>>, %arg15: memref<16x128xf32, #tpu.memory_space<vmem>>) attributes {dimension_semantics = [#tpu.dimension_semantics<arbitrary>], iteration_bounds = array<i64: 16>, scalar_prefetch = 0 : i64, scratch_operands = 0 : i64, tpu.core_type = #tpu.core_type<tc>, window_params = [{transform_indices = @transform_0, window_bounds = array<i64: 16, 64>}, {pipeline_mode = #tpu.pipeline_mode<synchronous>, transform_indices = @transform_1, window_bounds = array<i64: 32, 128>}, {pipeline_mode = #tpu.pipeline_mode<synchronous>, transform_indices = @transform_2, window_bounds = array<i64: 1, 128>}, {transform_indices = @transform_3, window_bounds = array<i64: 16, 1000>}, {pipeline_mode = #tpu.pipeline_mode<synchronous>, transform_indices = @transform_4, window_bounds = array<i64: 32, 128>}, {pipeline_mode = #tpu.pipeline_mode<synchronous>, transform_indices = @transform_5, window_bounds = array<i64: 1000, 256>}, {pipeline_mode = #tpu.pipeline_mode<synchronous>, transform_indices = @transform_6, window_bounds = array<i64: 32768, 128>}, {pipeline_mode = #tpu.pipeline_mode<synchronous>, transform_indices = @transform_7, window_bounds = array<i64: 1, 128>}, {pipeline_mode = #tpu.pipeline_mode<synchronous>, transform_indices = @transform_8, window_bounds = array<i64: 256, 1024>}, {pipeline_mode = #tpu.pipeline_mode<synchronous>, transform_indices = @transform_9, window_bounds = array<i64: 1, 1024>}, {pipeline_mode = #tpu.pipeline_mode<synchronous>, transform_indices = @transform_10, window_bounds = array<i64: 1024, 256>}, {pipeline_mode = #tpu.pipeline_mode<synchronous>, transform_indices = @transform_11, window_bounds = array<i64: 1, 256>}, {pipeline_mode = #tpu.pipeline_mode<synchronous>, transform_indices = @transform_12, window_bounds = array<i64: 256, 128>}, {pipeline_mode = #tpu.pipeline_mode<synchronous>, transform_indices = @transform_13, window_bounds = array<i64: 1, 128>}, {transform_indices = @transform_14, window_bounds = array<i64: 16, 128>}]} {
    %get3A = arith.constant 0 : index
    %get3A_0 = arith.constant 0 : index
    %get3A_1 = vector.load %arg1[%get3A, %get3A_0] : memref<16x64xf32, #tpu.memory_space<vmem>>, vector<16x64xf32>
    %slice3A = vector.extract_strided_slice %get3A_1 {offsets = [0, 0], sizes = [16, 32], strides = [1, 1]} : vector<16x64xf32> to vector<16x32xf32>
    %slice3A_2 = vector.extract_strided_slice %get3A_1 {offsets = [0, 32], sizes = [16, 32], strides = [1, 1]} : vector<16x64xf32> to vector<16x32xf32>
    %max3A = arith.constant 1.000000e+00 : f32
    %max3A_3 = vector.broadcast %max3A : f32 to vector<16x32xf32>
    %max3A_4 = arith.maximumf %slice3A_2, %max3A_3 : vector<16x32xf32>
    %div3A = arith.divf %slice3A, %max3A_4 : vector<16x32xf32>
    %get3A_5 = arith.constant 0 : index
    %get3A_6 = arith.constant 0 : index
    %get3A_7 = vector.load %arg2[%get3A_5, %get3A_6] : memref<32x128xf32, #tpu.memory_space<vmem>>, vector<32x128xf32>
    %dot_general3A = arith.constant dense<0.000000e+00> : vector<16x128xf32>
    %dot_general3A_8 = tpu.matmul %div3A, %get3A_7, %dot_general3A {dimension_numbers = #tpu.dot_dimension_numbers<[1], [0], [0], [1], [0, 0, 1, 1], [], []>, transpose_lhs_hint = false} : vector<16x32xf32>, vector<32x128xf32>, vector<16x128xf32> -> vector<16x128xf32>
    %get3A_9 = arith.constant 0 : index
    %get3A_10 = arith.constant 0 : index
    %get3A_11 = vector.load %arg3[%get3A_9, %get3A_10] : memref<1x128xf32, #tpu.memory_space<vmem>>, vector<1x128xf32>
    %add3A = vector.broadcast %get3A_11 : vector<1x128xf32> to vector<16x128xf32>
    %add3A_12 = arith.addf %dot_general3A_8, %add3A : vector<16x128xf32>
    %max3A_13 = arith.constant 0.000000e+00 : f32
    %max3A_14 = vector.broadcast %max3A_13 : f32 to vector<16x128xf32>
    %max3A_15 = arith.maximumf %add3A_12, %max3A_14 : vector<16x128xf32>
    %get3A_16 = arith.constant 0 : index
    %get3A_17 = arith.constant 0 : index
    %get3A_18 = vector.load %arg4[%get3A_16, %get3A_17] : memref<16x1000xi32, #tpu.memory_space<vmem>>, vector<16x1000xi32>
    %get3A_19 = arith.constant 0 : index
    %get3A_20 = arith.constant 0 : index
    %get3A_21 = vector.load %arg5[%get3A_19, %get3A_20] : memref<32x128xf32, #tpu.memory_space<vmem>>, vector<32x128xf32>
    %get3A_22 = arith.constant 0 : index
    %get3A_23 = arith.constant 0 : index
    %get3A_24 = vector.load %arg6[%get3A_22, %get3A_23] : memref<1000x256xf32, #tpu.memory_space<vmem>>, vector<1000x256xf32>
    %slice3A_25 = vector.extract_strided_slice %get3A_18 {offsets = [0, 0], sizes = [1, 1000], strides = [1, 1]} : vector<16x1000xi32> to vector<1x1000xi32>
    %iota3A = tpu.iota {dimensions = array<i32: 0>} : vector<32x1000xi32>
    %eq3A = vector.broadcast %slice3A_25 : vector<1x1000xi32> to vector<32x1000xi32>
    %eq3A_26 = arith.cmpi eq, %iota3A, %eq3A : vector<32x1000xi32>
    %convert_element_type3A = arith.extui %eq3A_26 : vector<32x1000xi1> to vector<32x1000xi32>
    %convert_element_type3A_27 = arith.sitofp %convert_element_type3A : vector<32x1000xi32> to vector<32x1000xf32>
    %dot_general3A_28 = arith.constant dense<0.000000e+00> : vector<32x256xf32>
    %dot_general3A_29 = tpu.matmul %convert_element_type3A_27, %get3A_24, %dot_general3A_28 {dimension_numbers = #tpu.dot_dimension_numbers<[1], [0], [0], [1], [0, 0, 1, 1], [], []>, precision = #tpu.contract_precision<fp32>, transpose_lhs_hint = false} : vector<32x1000xf32>, vector<1000x256xf32>, vector<32x256xf32> -> vector<32x256xf32>
    %dot_general3A_30 = arith.constant dense<0.000000e+00> : vector<128x256xf32>
    %dot_general3A_31 = tpu.matmul %get3A_21, %dot_general3A_29, %dot_general3A_30 {dimension_numbers = #tpu.dot_dimension_numbers<[0], [0], [1], [1], [0, 1, 1, 1], [], []>, precision = #tpu.contract_precision<fp32>, transpose_lhs_hint = false} : vector<32x128xf32>, vector<32x256xf32>, vector<128x256xf32> -> vector<128x256xf32>
    %reshape3A = vector.shape_cast %dot_general3A_31 : vector<128x256xf32> to vector<1x32768xf32>
    %slice3A_32 = vector.extract_strided_slice %get3A_18 {offsets = [1, 0], sizes = [1, 1000], strides = [1, 1]} : vector<16x1000xi32> to vector<1x1000xi32>
    %iota3A_33 = tpu.iota {dimensions = array<i32: 0>} : vector<32x1000xi32>
    %eq3A_34 = vector.broadcast %slice3A_32 : vector<1x1000xi32> to vector<32x1000xi32>
    %eq3A_35 = arith.cmpi eq, %iota3A_33, %eq3A_34 : vector<32x1000xi32>
    %convert_element_type3A_36 = arith.extui %eq3A_35 : vector<32x1000xi1> to vector<32x1000xi32>
    %convert_element_type3A_37 = arith.sitofp %convert_element_type3A_36 : vector<32x1000xi32> to vector<32x1000xf32>
    %dot_general3A_38 = arith.constant dense<0.000000e+00> : vector<32x256xf32>
    %dot_general3A_39 = tpu.matmul %convert_element_type3A_37, %get3A_24, %dot_general3A_38 {dimension_numbers = #tpu.dot_dimension_numbers<[1], [0], [0], [1], [0, 0, 1, 1], [], []>, precision = #tpu.contract_precision<fp32>, transpose_lhs_hint = false} : vector<32x1000xf32>, vector<1000x256xf32>, vector<32x256xf32> -> vector<32x256xf32>
    %dot_general3A_40 = arith.constant dense<0.000000e+00> : vector<128x256xf32>
    %dot_general3A_41 = tpu.matmul %get3A_21, %dot_general3A_39, %dot_general3A_40 {dimension_numbers = #tpu.dot_dimension_numbers<[0], [0], [1], [1], [0, 1, 1, 1], [], []>, precision = #tpu.contract_precision<fp32>, transpose_lhs_hint = false} : vector<32x128xf32>, vector<32x256xf32>, vector<128x256xf32> -> vector<128x256xf32>
    %reshape3A_42 = vector.shape_cast %dot_general3A_41 : vector<128x256xf32> to vector<1x32768xf32>
    %slice3A_43 = vector.extract_strided_slice %get3A_18 {offsets = [2, 0], sizes = [1, 1000], strides = [1, 1]} : vector<16x1000xi32> to vector<1x1000xi32>
    %iota3A_44 = tpu.iota {dimensions = array<i32: 0>} : vector<32x1000xi32>
    %eq3A_45 = vector.broadcast %slice3A_43 : vector<1x1000xi32> to vector<32x1000xi32>
    %eq3A_46 = arith.cmpi eq, %iota3A_44, %eq3A_45 : vector<32x1000xi32>
    %convert_element_type3A_47 = arith.extui %eq3A_46 : vector<32x1000xi1> to vector<32x1000xi32>
    %convert_element_type3A_48 = arith.sitofp %convert_element_type3A_47 : vector<32x1000xi32> to vector<32x1000xf32>
    %dot_general3A_49 = arith.constant dense<0.000000e+00> : vector<32x256xf32>
    %dot_general3A_50 = tpu.matmul %convert_element_type3A_48, %get3A_24, %dot_general3A_49 {dimension_numbers = #tpu.dot_dimension_numbers<[1], [0], [0], [1], [0, 0, 1, 1], [], []>, precision = #tpu.contract_precision<fp32>, transpose_lhs_hint = false} : vector<32x1000xf32>, vector<1000x256xf32>, vector<32x256xf32> -> vector<32x256xf32>
    %dot_general3A_51 = arith.constant dense<0.000000e+00> : vector<128x256xf32>
    %dot_general3A_52 = tpu.matmul %get3A_21, %dot_general3A_50, %dot_general3A_51 {dimension_numbers = #tpu.dot_dimension_numbers<[0], [0], [1], [1], [0, 1, 1, 1], [], []>, precision = #tpu.contract_precision<fp32>, transpose_lhs_hint = false} : vector<32x128xf32>, vector<32x256xf32>, vector<128x256xf32> -> vector<128x256xf32>
    %reshape3A_53 = vector.shape_cast %dot_general3A_52 : vector<128x256xf32> to vector<1x32768xf32>
    %slice3A_54 = vector.extract_strided_slice %get3A_18 {offsets = [3, 0], sizes = [1, 1000], strides = [1, 1]} : vector<16x1000xi32> to vector<1x1000xi32>
    %iota3A_55 = tpu.iota {dimensions = array<i32: 0>} : vector<32x1000xi32>
    %eq3A_56 = vector.broadcast %slice3A_54 : vector<1x1000xi32> to vector<32x1000xi32>
    %eq3A_57 = arith.cmpi eq, %iota3A_55, %eq3A_56 : vector<32x1000xi32>
    %convert_element_type3A_58 = arith.extui %eq3A_57 : vector<32x1000xi1> to vector<32x1000xi32>
    %convert_element_type3A_59 = arith.sitofp %convert_element_type3A_58 : vector<32x1000xi32> to vector<32x1000xf32>
    %dot_general3A_60 = arith.constant dense<0.000000e+00> : vector<32x256xf32>
    %dot_general3A_61 = tpu.matmul %convert_element_type3A_59, %get3A_24, %dot_general3A_60 {dimension_numbers = #tpu.dot_dimension_numbers<[1], [0], [0], [1], [0, 0, 1, 1], [], []>, precision = #tpu.contract_precision<fp32>, transpose_lhs_hint = false} : vector<32x1000xf32>, vector<1000x256xf32>, vector<32x256xf32> -> vector<32x256xf32>
    %dot_general3A_62 = arith.constant dense<0.000000e+00> : vector<128x256xf32>
    %dot_general3A_63 = tpu.matmul %get3A_21, %dot_general3A_61, %dot_general3A_62 {dimension_numbers = #tpu.dot_dimension_numbers<[0], [0], [1], [1], [0, 1, 1, 1], [], []>, precision = #tpu.contract_precision<fp32>, transpose_lhs_hint = false} : vector<32x128xf32>, vector<32x256xf32>, vector<128x256xf32> -> vector<128x256xf32>
    %reshape3A_64 = vector.shape_cast %dot_general3A_63 : vector<128x256xf32> to vector<1x32768xf32>
    %slice3A_65 = vector.extract_strided_slice %get3A_18 {offsets = [4, 0], sizes = [1, 1000], strides = [1, 1]} : vector<16x1000xi32> to vector<1x1000xi32>
    %iota3A_66 = tpu.iota {dimensions = array<i32: 0>} : vector<32x1000xi32>
    %eq3A_67 = vector.broadcast %slice3A_65 : vector<1x1000xi32> to vector<32x1000xi32>
    %eq3A_68 = arith.cmpi eq, %iota3A_66, %eq3A_67 : vector<32x1000xi32>
    %convert_element_type3A_69 = arith.extui %eq3A_68 : vector<32x1000xi1> to vector<32x1000xi32>
    %convert_element_type3A_70 = arith.sitofp %convert_element_type3A_69 : vector<32x1000xi32> to vector<32x1000xf32>
    %dot_general3A_71 = arith.constant dense<0.000000e+00> : vector<32x256xf32>
    %dot_general3A_72 = tpu.matmul %convert_element_type3A_70, %get3A_24, %dot_general3A_71 {dimension_numbers = #tpu.dot_dimension_numbers<[1], [0], [0], [1], [0, 0, 1, 1], [], []>, precision = #tpu.contract_precision<fp32>, transpose_lhs_hint = false} : vector<32x1000xf32>, vector<1000x256xf32>, vector<32x256xf32> -> vector<32x256xf32>
    %dot_general3A_73 = arith.constant dense<0.000000e+00> : vector<128x256xf32>
    %dot_general3A_74 = tpu.matmul %get3A_21, %dot_general3A_72, %dot_general3A_73 {dimension_numbers = #tpu.dot_dimension_numbers<[0], [0], [1], [1], [0, 1, 1, 1], [], []>, precision = #tpu.contract_precision<fp32>, transpose_lhs_hint = false} : vector<32x128xf32>, vector<32x256xf32>, vector<128x256xf32> -> vector<128x256xf32>
    %reshape3A_75 = vector.shape_cast %dot_general3A_74 : vector<128x256xf32> to vector<1x32768xf32>
    %slice3A_76 = vector.extract_strided_slice %get3A_18 {offsets = [5, 0], sizes = [1, 1000], strides = [1, 1]} : vector<16x1000xi32> to vector<1x1000xi32>
    %iota3A_77 = tpu.iota {dimensions = array<i32: 0>} : vector<32x1000xi32>
    %eq3A_78 = vector.broadcast %slice3A_76 : vector<1x1000xi32> to vector<32x1000xi32>
    %eq3A_79 = arith.cmpi eq, %iota3A_77, %eq3A_78 : vector<32x1000xi32>
    %convert_element_type3A_80 = arith.extui %eq3A_79 : vector<32x1000xi1> to vector<32x1000xi32>
    %convert_element_type3A_81 = arith.sitofp %convert_element_type3A_80 : vector<32x1000xi32> to vector<32x1000xf32>
    %dot_general3A_82 = arith.constant dense<0.000000e+00> : vector<32x256xf32>
    %dot_general3A_83 = tpu.matmul %convert_element_type3A_81, %get3A_24, %dot_general3A_82 {dimension_numbers = #tpu.dot_dimension_numbers<[1], [0], [0], [1], [0, 0, 1, 1], [], []>, precision = #tpu.contract_precision<fp32>, transpose_lhs_hint = false} : vector<32x1000xf32>, vector<1000x256xf32>, vector<32x256xf32> -> vector<32x256xf32>
    %dot_general3A_84 = arith.constant dense<0.000000e+00> : vector<128x256xf32>
    %dot_general3A_85 = tpu.matmul %get3A_21, %dot_general3A_83, %dot_general3A_84 {dimension_numbers = #tpu.dot_dimension_numbers<[0], [0], [1], [1], [0, 1, 1, 1], [], []>, precision = #tpu.contract_precision<fp32>, transpose_lhs_hint = false} : vector<32x128xf32>, vector<32x256xf32>, vector<128x256xf32> -> vector<128x256xf32>
    %reshape3A_86 = vector.shape_cast %dot_general3A_85 : vector<128x256xf32> to vector<1x32768xf32>
    %slice3A_87 = vector.extract_strided_slice %get3A_18 {offsets = [6, 0], sizes = [1, 1000], strides = [1, 1]} : vector<16x1000xi32> to vector<1x1000xi32>
    %iota3A_88 = tpu.iota {dimensions = array<i32: 0>} : vector<32x1000xi32>
    %eq3A_89 = vector.broadcast %slice3A_87 : vector<1x1000xi32> to vector<32x1000xi32>
    %eq3A_90 = arith.cmpi eq, %iota3A_88, %eq3A_89 : vector<32x1000xi32>
    %convert_element_type3A_91 = arith.extui %eq3A_90 : vector<32x1000xi1> to vector<32x1000xi32>
    %convert_element_type3A_92 = arith.sitofp %convert_element_type3A_91 : vector<32x1000xi32> to vector<32x1000xf32>
    %dot_general3A_93 = arith.constant dense<0.000000e+00> : vector<32x256xf32>
    %dot_general3A_94 = tpu.matmul %convert_element_type3A_92, %get3A_24, %dot_general3A_93 {dimension_numbers = #tpu.dot_dimension_numbers<[1], [0], [0], [1], [0, 0, 1, 1], [], []>, precision = #tpu.contract_precision<fp32>, transpose_lhs_hint = false} : vector<32x1000xf32>, vector<1000x256xf32>, vector<32x256xf32> -> vector<32x256xf32>
    %dot_general3A_95 = arith.constant dense<0.000000e+00> : vector<128x256xf32>
    %dot_general3A_96 = tpu.matmul %get3A_21, %dot_general3A_94, %dot_general3A_95 {dimension_numbers = #tpu.dot_dimension_numbers<[0], [0], [1], [1], [0, 1, 1, 1], [], []>, precision = #tpu.contract_precision<fp32>, transpose_lhs_hint = false} : vector<32x128xf32>, vector<32x256xf32>, vector<128x256xf32> -> vector<128x256xf32>
    %reshape3A_97 = vector.shape_cast %dot_general3A_96 : vector<128x256xf32> to vector<1x32768xf32>
    %slice3A_98 = vector.extract_strided_slice %get3A_18 {offsets = [7, 0], sizes = [1, 1000], strides = [1, 1]} : vector<16x1000xi32> to vector<1x1000xi32>
    %iota3A_99 = tpu.iota {dimensions = array<i32: 0>} : vector<32x1000xi32>
    %eq3A_100 = vector.broadcast %slice3A_98 : vector<1x1000xi32> to vector<32x1000xi32>
    %eq3A_101 = arith.cmpi eq, %iota3A_99, %eq3A_100 : vector<32x1000xi32>
    %convert_element_type3A_102 = arith.extui %eq3A_101 : vector<32x1000xi1> to vector<32x1000xi32>
    %convert_element_type3A_103 = arith.sitofp %convert_element_type3A_102 : vector<32x1000xi32> to vector<32x1000xf32>
    %dot_general3A_104 = arith.constant dense<0.000000e+00> : vector<32x256xf32>
    %dot_general3A_105 = tpu.matmul %convert_element_type3A_103, %get3A_24, %dot_general3A_104 {dimension_numbers = #tpu.dot_dimension_numbers<[1], [0], [0], [1], [0, 0, 1, 1], [], []>, precision = #tpu.contract_precision<fp32>, transpose_lhs_hint = false} : vector<32x1000xf32>, vector<1000x256xf32>, vector<32x256xf32> -> vector<32x256xf32>
    %dot_general3A_106 = arith.constant dense<0.000000e+00> : vector<128x256xf32>
    %dot_general3A_107 = tpu.matmul %get3A_21, %dot_general3A_105, %dot_general3A_106 {dimension_numbers = #tpu.dot_dimension_numbers<[0], [0], [1], [1], [0, 1, 1, 1], [], []>, precision = #tpu.contract_precision<fp32>, transpose_lhs_hint = false} : vector<32x128xf32>, vector<32x256xf32>, vector<128x256xf32> -> vector<128x256xf32>
    %reshape3A_108 = vector.shape_cast %dot_general3A_107 : vector<128x256xf32> to vector<1x32768xf32>
    %slice3A_109 = vector.extract_strided_slice %get3A_18 {offsets = [8, 0], sizes = [1, 1000], strides = [1, 1]} : vector<16x1000xi32> to vector<1x1000xi32>
    %iota3A_110 = tpu.iota {dimensions = array<i32: 0>} : vector<32x1000xi32>
    %eq3A_111 = vector.broadcast %slice3A_109 : vector<1x1000xi32> to vector<32x1000xi32>
    %eq3A_112 = arith.cmpi eq, %iota3A_110, %eq3A_111 : vector<32x1000xi32>
    %convert_element_type3A_113 = arith.extui %eq3A_112 : vector<32x1000xi1> to vector<32x1000xi32>
    %convert_element_type3A_114 = arith.sitofp %convert_element_type3A_113 : vector<32x1000xi32> to vector<32x1000xf32>
    %dot_general3A_115 = arith.constant dense<0.000000e+00> : vector<32x256xf32>
    %dot_general3A_116 = tpu.matmul %convert_element_type3A_114, %get3A_24, %dot_general3A_115 {dimension_numbers = #tpu.dot_dimension_numbers<[1], [0], [0], [1], [0, 0, 1, 1], [], []>, precision = #tpu.contract_precision<fp32>, transpose_lhs_hint = false} : vector<32x1000xf32>, vector<1000x256xf32>, vector<32x256xf32> -> vector<32x256xf32>
    %dot_general3A_117 = arith.constant dense<0.000000e+00> : vector<128x256xf32>
    %dot_general3A_118 = tpu.matmul %get3A_21, %dot_general3A_116, %dot_general3A_117 {dimension_numbers = #tpu.dot_dimension_numbers<[0], [0], [1], [1], [0, 1, 1, 1], [], []>, precision = #tpu.contract_precision<fp32>, transpose_lhs_hint = false} : vector<32x128xf32>, vector<32x256xf32>, vector<128x256xf32> -> vector<128x256xf32>
    %reshape3A_119 = vector.shape_cast %dot_general3A_118 : vector<128x256xf32> to vector<1x32768xf32>
    %slice3A_120 = vector.extract_strided_slice %get3A_18 {offsets = [9, 0], sizes = [1, 1000], strides = [1, 1]} : vector<16x1000xi32> to vector<1x1000xi32>
    %iota3A_121 = tpu.iota {dimensions = array<i32: 0>} : vector<32x1000xi32>
    %eq3A_122 = vector.broadcast %slice3A_120 : vector<1x1000xi32> to vector<32x1000xi32>
    %eq3A_123 = arith.cmpi eq, %iota3A_121, %eq3A_122 : vector<32x1000xi32>
    %convert_element_type3A_124 = arith.extui %eq3A_123 : vector<32x1000xi1> to vector<32x1000xi32>
    %convert_element_type3A_125 = arith.sitofp %convert_element_type3A_124 : vector<32x1000xi32> to vector<32x1000xf32>
    %dot_general3A_126 = arith.constant dense<0.000000e+00> : vector<32x256xf32>
    %dot_general3A_127 = tpu.matmul %convert_element_type3A_125, %get3A_24, %dot_general3A_126 {dimension_numbers = #tpu.dot_dimension_numbers<[1], [0], [0], [1], [0, 0, 1, 1], [], []>, precision = #tpu.contract_precision<fp32>, transpose_lhs_hint = false} : vector<32x1000xf32>, vector<1000x256xf32>, vector<32x256xf32> -> vector<32x256xf32>
    %dot_general3A_128 = arith.constant dense<0.000000e+00> : vector<128x256xf32>
    %dot_general3A_129 = tpu.matmul %get3A_21, %dot_general3A_127, %dot_general3A_128 {dimension_numbers = #tpu.dot_dimension_numbers<[0], [0], [1], [1], [0, 1, 1, 1], [], []>, precision = #tpu.contract_precision<fp32>, transpose_lhs_hint = false} : vector<32x128xf32>, vector<32x256xf32>, vector<128x256xf32> -> vector<128x256xf32>
    %reshape3A_130 = vector.shape_cast %dot_general3A_129 : vector<128x256xf32> to vector<1x32768xf32>
    %slice3A_131 = vector.extract_strided_slice %get3A_18 {offsets = [10, 0], sizes = [1, 1000], strides = [1, 1]} : vector<16x1000xi32> to vector<1x1000xi32>
    %iota3A_132 = tpu.iota {dimensions = array<i32: 0>} : vector<32x1000xi32>
    %eq3A_133 = vector.broadcast %slice3A_131 : vector<1x1000xi32> to vector<32x1000xi32>
    %eq3A_134 = arith.cmpi eq, %iota3A_132, %eq3A_133 : vector<32x1000xi32>
    %convert_element_type3A_135 = arith.extui %eq3A_134 : vector<32x1000xi1> to vector<32x1000xi32>
    %convert_element_type3A_136 = arith.sitofp %convert_element_type3A_135 : vector<32x1000xi32> to vector<32x1000xf32>
    %dot_general3A_137 = arith.constant dense<0.000000e+00> : vector<32x256xf32>
    %dot_general3A_138 = tpu.matmul %convert_element_type3A_136, %get3A_24, %dot_general3A_137 {dimension_numbers = #tpu.dot_dimension_numbers<[1], [0], [0], [1], [0, 0, 1, 1], [], []>, precision = #tpu.contract_precision<fp32>, transpose_lhs_hint = false} : vector<32x1000xf32>, vector<1000x256xf32>, vector<32x256xf32> -> vector<32x256xf32>
    %dot_general3A_139 = arith.constant dense<0.000000e+00> : vector<128x256xf32>
    %dot_general3A_140 = tpu.matmul %get3A_21, %dot_general3A_138, %dot_general3A_139 {dimension_numbers = #tpu.dot_dimension_numbers<[0], [0], [1], [1], [0, 1, 1, 1], [], []>, precision = #tpu.contract_precision<fp32>, transpose_lhs_hint = false} : vector<32x128xf32>, vector<32x256xf32>, vector<128x256xf32> -> vector<128x256xf32>
    %reshape3A_141 = vector.shape_cast %dot_general3A_140 : vector<128x256xf32> to vector<1x32768xf32>
    %slice3A_142 = vector.extract_strided_slice %get3A_18 {offsets = [11, 0], sizes = [1, 1000], strides = [1, 1]} : vector<16x1000xi32> to vector<1x1000xi32>
    %iota3A_143 = tpu.iota {dimensions = array<i32: 0>} : vector<32x1000xi32>
    %eq3A_144 = vector.broadcast %slice3A_142 : vector<1x1000xi32> to vector<32x1000xi32>
    %eq3A_145 = arith.cmpi eq, %iota3A_143, %eq3A_144 : vector<32x1000xi32>
    %convert_element_type3A_146 = arith.extui %eq3A_145 : vector<32x1000xi1> to vector<32x1000xi32>
    %convert_element_type3A_147 = arith.sitofp %convert_element_type3A_146 : vector<32x1000xi32> to vector<32x1000xf32>
    %dot_general3A_148 = arith.constant dense<0.000000e+00> : vector<32x256xf32>
    %dot_general3A_149 = tpu.matmul %convert_element_type3A_147, %get3A_24, %dot_general3A_148 {dimension_numbers = #tpu.dot_dimension_numbers<[1], [0], [0], [1], [0, 0, 1, 1], [], []>, precision = #tpu.contract_precision<fp32>, transpose_lhs_hint = false} : vector<32x1000xf32>, vector<1000x256xf32>, vector<32x256xf32> -> vector<32x256xf32>
    %dot_general3A_150 = arith.constant dense<0.000000e+00> : vector<128x256xf32>
    %dot_general3A_151 = tpu.matmul %get3A_21, %dot_general3A_149, %dot_general3A_150 {dimension_numbers = #tpu.dot_dimension_numbers<[0], [0], [1], [1], [0, 1, 1, 1], [], []>, precision = #tpu.contract_precision<fp32>, transpose_lhs_hint = false} : vector<32x128xf32>, vector<32x256xf32>, vector<128x256xf32> -> vector<128x256xf32>
    %reshape3A_152 = vector.shape_cast %dot_general3A_151 : vector<128x256xf32> to vector<1x32768xf32>
    %slice3A_153 = vector.extract_strided_slice %get3A_18 {offsets = [12, 0], sizes = [1, 1000], strides = [1, 1]} : vector<16x1000xi32> to vector<1x1000xi32>
    %iota3A_154 = tpu.iota {dimensions = array<i32: 0>} : vector<32x1000xi32>
    %eq3A_155 = vector.broadcast %slice3A_153 : vector<1x1000xi32> to vector<32x1000xi32>
    %eq3A_156 = arith.cmpi eq, %iota3A_154, %eq3A_155 : vector<32x1000xi32>
    %convert_element_type3A_157 = arith.extui %eq3A_156 : vector<32x1000xi1> to vector<32x1000xi32>
    %convert_element_type3A_158 = arith.sitofp %convert_element_type3A_157 : vector<32x1000xi32> to vector<32x1000xf32>
    %dot_general3A_159 = arith.constant dense<0.000000e+00> : vector<32x256xf32>
    %dot_general3A_160 = tpu.matmul %convert_element_type3A_158, %get3A_24, %dot_general3A_159 {dimension_numbers = #tpu.dot_dimension_numbers<[1], [0], [0], [1], [0, 0, 1, 1], [], []>, precision = #tpu.contract_precision<fp32>, transpose_lhs_hint = false} : vector<32x1000xf32>, vector<1000x256xf32>, vector<32x256xf32> -> vector<32x256xf32>
    %dot_general3A_161 = arith.constant dense<0.000000e+00> : vector<128x256xf32>
    %dot_general3A_162 = tpu.matmul %get3A_21, %dot_general3A_160, %dot_general3A_161 {dimension_numbers = #tpu.dot_dimension_numbers<[0], [0], [1], [1], [0, 1, 1, 1], [], []>, precision = #tpu.contract_precision<fp32>, transpose_lhs_hint = false} : vector<32x128xf32>, vector<32x256xf32>, vector<128x256xf32> -> vector<128x256xf32>
    %reshape3A_163 = vector.shape_cast %dot_general3A_162 : vector<128x256xf32> to vector<1x32768xf32>
    %slice3A_164 = vector.extract_strided_slice %get3A_18 {offsets = [13, 0], sizes = [1, 1000], strides = [1, 1]} : vector<16x1000xi32> to vector<1x1000xi32>
    %iota3A_165 = tpu.iota {dimensions = array<i32: 0>} : vector<32x1000xi32>
    %eq3A_166 = vector.broadcast %slice3A_164 : vector<1x1000xi32> to vector<32x1000xi32>
    %eq3A_167 = arith.cmpi eq, %iota3A_165, %eq3A_166 : vector<32x1000xi32>
    %convert_element_type3A_168 = arith.extui %eq3A_167 : vector<32x1000xi1> to vector<32x1000xi32>
    %convert_element_type3A_169 = arith.sitofp %convert_element_type3A_168 : vector<32x1000xi32> to vector<32x1000xf32>
    %dot_general3A_170 = arith.constant dense<0.000000e+00> : vector<32x256xf32>
    %dot_general3A_171 = tpu.matmul %convert_element_type3A_169, %get3A_24, %dot_general3A_170 {dimension_numbers = #tpu.dot_dimension_numbers<[1], [0], [0], [1], [0, 0, 1, 1], [], []>, precision = #tpu.contract_precision<fp32>, transpose_lhs_hint = false} : vector<32x1000xf32>, vector<1000x256xf32>, vector<32x256xf32> -> vector<32x256xf32>
    %dot_general3A_172 = arith.constant dense<0.000000e+00> : vector<128x256xf32>
    %dot_general3A_173 = tpu.matmul %get3A_21, %dot_general3A_171, %dot_general3A_172 {dimension_numbers = #tpu.dot_dimension_numbers<[0], [0], [1], [1], [0, 1, 1, 1], [], []>, precision = #tpu.contract_precision<fp32>, transpose_lhs_hint = false} : vector<32x128xf32>, vector<32x256xf32>, vector<128x256xf32> -> vector<128x256xf32>
    %reshape3A_174 = vector.shape_cast %dot_general3A_173 : vector<128x256xf32> to vector<1x32768xf32>
    %slice3A_175 = vector.extract_strided_slice %get3A_18 {offsets = [14, 0], sizes = [1, 1000], strides = [1, 1]} : vector<16x1000xi32> to vector<1x1000xi32>
    %iota3A_176 = tpu.iota {dimensions = array<i32: 0>} : vector<32x1000xi32>
    %eq3A_177 = vector.broadcast %slice3A_175 : vector<1x1000xi32> to vector<32x1000xi32>
    %eq3A_178 = arith.cmpi eq, %iota3A_176, %eq3A_177 : vector<32x1000xi32>
    %convert_element_type3A_179 = arith.extui %eq3A_178 : vector<32x1000xi1> to vector<32x1000xi32>
    %convert_element_type3A_180 = arith.sitofp %convert_element_type3A_179 : vector<32x1000xi32> to vector<32x1000xf32>
    %dot_general3A_181 = arith.constant dense<0.000000e+00> : vector<32x256xf32>
    %dot_general3A_182 = tpu.matmul %convert_element_type3A_180, %get3A_24, %dot_general3A_181 {dimension_numbers = #tpu.dot_dimension_numbers<[1], [0], [0], [1], [0, 0, 1, 1], [], []>, precision = #tpu.contract_precision<fp32>, transpose_lhs_hint = false} : vector<32x1000xf32>, vector<1000x256xf32>, vector<32x256xf32> -> vector<32x256xf32>
    %dot_general3A_183 = arith.constant dense<0.000000e+00> : vector<128x256xf32>
    %dot_general3A_184 = tpu.matmul %get3A_21, %dot_general3A_182, %dot_general3A_183 {dimension_numbers = #tpu.dot_dimension_numbers<[0], [0], [1], [1], [0, 1, 1, 1], [], []>, precision = #tpu.contract_precision<fp32>, transpose_lhs_hint = false} : vector<32x128xf32>, vector<32x256xf32>, vector<128x256xf32> -> vector<128x256xf32>
    %reshape3A_185 = vector.shape_cast %dot_general3A_184 : vector<128x256xf32> to vector<1x32768xf32>
    %slice3A_186 = vector.extract_strided_slice %get3A_18 {offsets = [15, 0], sizes = [1, 1000], strides = [1, 1]} : vector<16x1000xi32> to vector<1x1000xi32>
    %iota3A_187 = tpu.iota {dimensions = array<i32: 0>} : vector<32x1000xi32>
    %eq3A_188 = vector.broadcast %slice3A_186 : vector<1x1000xi32> to vector<32x1000xi32>
    %eq3A_189 = arith.cmpi eq, %iota3A_187, %eq3A_188 : vector<32x1000xi32>
    %convert_element_type3A_190 = arith.extui %eq3A_189 : vector<32x1000xi1> to vector<32x1000xi32>
    %convert_element_type3A_191 = arith.sitofp %convert_element_type3A_190 : vector<32x1000xi32> to vector<32x1000xf32>
    %dot_general3A_192 = arith.constant dense<0.000000e+00> : vector<32x256xf32>
    %dot_general3A_193 = tpu.matmul %convert_element_type3A_191, %get3A_24, %dot_general3A_192 {dimension_numbers = #tpu.dot_dimension_numbers<[1], [0], [0], [1], [0, 0, 1, 1], [], []>, precision = #tpu.contract_precision<fp32>, transpose_lhs_hint = false} : vector<32x1000xf32>, vector<1000x256xf32>, vector<32x256xf32> -> vector<32x256xf32>
    %dot_general3A_194 = arith.constant dense<0.000000e+00> : vector<128x256xf32>
    %dot_general3A_195 = tpu.matmul %get3A_21, %dot_general3A_193, %dot_general3A_194 {dimension_numbers = #tpu.dot_dimension_numbers<[0], [0], [1], [1], [0, 1, 1, 1], [], []>, precision = #tpu.contract_precision<fp32>, transpose_lhs_hint = false} : vector<32x128xf32>, vector<32x256xf32>, vector<128x256xf32> -> vector<128x256xf32>
    %reshape3A_196 = vector.shape_cast %dot_general3A_195 : vector<128x256xf32> to vector<1x32768xf32>
    %concatenate3A = tpu.concatenate %reshape3A, %reshape3A_42, %reshape3A_53, %reshape3A_64, %reshape3A_75, %reshape3A_86, %reshape3A_97, %reshape3A_108, %reshape3A_119, %reshape3A_130, %reshape3A_141, %reshape3A_152, %reshape3A_163, %reshape3A_174, %reshape3A_185, %reshape3A_196 in 0 : vector<1x32768xf32>, vector<1x32768xf32>, vector<1x32768xf32>, vector<1x32768xf32>, vector<1x32768xf32>, vector<1x32768xf32>, vector<1x32768xf32>, vector<1x32768xf32>, vector<1x32768xf32>, vector<1x32768xf32>, vector<1x32768xf32>, vector<1x32768xf32>, vector<1x32768xf32>, vector<1x32768xf32>, vector<1x32768xf32>, vector<1x32768xf32> -> vector<16x32768xf32>
    %get3A_197 = arith.constant 0 : index
    %get3A_198 = arith.constant 0 : index
    %get3A_199 = vector.load %arg7[%get3A_197, %get3A_198] : memref<32768x128xf32, #tpu.memory_space<vmem>>, vector<32768x128xf32>
    %dot_general3A_200 = arith.constant dense<0.000000e+00> : vector<16x128xf32>
    %dot_general3A_201 = tpu.matmul %concatenate3A, %get3A_199, %dot_general3A_200 {dimension_numbers = #tpu.dot_dimension_numbers<[1], [0], [0], [1], [0, 0, 1, 1], [], []>, precision = #tpu.contract_precision<fp32>, transpose_lhs_hint = false} : vector<16x32768xf32>, vector<32768x128xf32>, vector<16x128xf32> -> vector<16x128xf32>
    %get3A_202 = arith.constant 0 : index
    %get3A_203 = arith.constant 0 : index
    %get3A_204 = vector.load %arg8[%get3A_202, %get3A_203] : memref<1x128xf32, #tpu.memory_space<vmem>>, vector<1x128xf32>
    %add3A_205 = vector.broadcast %get3A_204 : vector<1x128xf32> to vector<16x128xf32>
    %add3A_206 = arith.addf %dot_general3A_201, %add3A_205 : vector<16x128xf32>
    %concatenate3A_207 = tpu.concatenate %max3A_15, %add3A_206 in 1 : vector<16x128xf32>, vector<16x128xf32> -> vector<16x256xf32>
    %get3A_208 = arith.constant 0 : index
    %get3A_209 = arith.constant 0 : index
    %get3A_210 = vector.load %arg9[%get3A_208, %get3A_209] : memref<256x1024xf32, #tpu.memory_space<vmem>>, vector<256x1024xf32>
    %dot_general3A_211 = arith.constant dense<0.000000e+00> : vector<16x1024xf32>
    %dot_general3A_212 = tpu.matmul %concatenate3A_207, %get3A_210, %dot_general3A_211 {dimension_numbers = #tpu.dot_dimension_numbers<[1], [0], [0], [1], [0, 0, 1, 1], [], []>, transpose_lhs_hint = false} : vector<16x256xf32>, vector<256x1024xf32>, vector<16x1024xf32> -> vector<16x1024xf32>
    %get3A_213 = arith.constant 0 : index
    %get3A_214 = arith.constant 0 : index
    %get3A_215 = vector.load %arg10[%get3A_213, %get3A_214] : memref<1x1024xf32, #tpu.memory_space<vmem>>, vector<1x1024xf32>
    %add3A_216 = vector.broadcast %get3A_215 : vector<1x1024xf32> to vector<16x1024xf32>
    %add3A_217 = arith.addf %dot_general3A_212, %add3A_216 : vector<16x1024xf32>
    %max3A_218 = arith.constant 0.000000e+00 : f32
    %max3A_219 = vector.broadcast %max3A_218 : f32 to vector<16x1024xf32>
    %max3A_220 = arith.maximumf %add3A_217, %max3A_219 : vector<16x1024xf32>
    %get3A_221 = arith.constant 0 : index
    %get3A_222 = arith.constant 0 : index
    %get3A_223 = vector.load %arg11[%get3A_221, %get3A_222] : memref<1024x256xf32, #tpu.memory_space<vmem>>, vector<1024x256xf32>
    %dot_general3A_224 = arith.constant dense<0.000000e+00> : vector<16x256xf32>
    %dot_general3A_225 = tpu.matmul %max3A_220, %get3A_223, %dot_general3A_224 {dimension_numbers = #tpu.dot_dimension_numbers<[1], [0], [0], [1], [0, 0, 1, 1], [], []>, transpose_lhs_hint = false} : vector<16x1024xf32>, vector<1024x256xf32>, vector<16x256xf32> -> vector<16x256xf32>
    %get3A_226 = arith.constant 0 : index
    %get3A_227 = arith.constant 0 : index
    %get3A_228 = vector.load %arg12[%get3A_226, %get3A_227] : memref<1x256xf32, #tpu.memory_space<vmem>>, vector<1x256xf32>
    %add3A_229 = vector.broadcast %get3A_228 : vector<1x256xf32> to vector<16x256xf32>
    %add3A_230 = arith.addf %dot_general3A_225, %add3A_229 : vector<16x256xf32>
    %max3A_231 = arith.constant 0.000000e+00 : f32
    %max3A_232 = vector.broadcast %max3A_231 : f32 to vector<16x256xf32>
    %max3A_233 = arith.maximumf %add3A_230, %max3A_232 : vector<16x256xf32>
    %get3A_234 = arith.constant 0 : index
    %get3A_235 = arith.constant 0 : index
    %get3A_236 = vector.load %arg13[%get3A_234, %get3A_235] : memref<256x128xf32, #tpu.memory_space<vmem>>, vector<256x128xf32>
    %dot_general3A_237 = arith.constant dense<0.000000e+00> : vector<16x128xf32>
    %dot_general3A_238 = tpu.matmul %max3A_233, %get3A_236, %dot_general3A_237 {dimension_numbers = #tpu.dot_dimension_numbers<[1], [0], [0], [1], [0, 0, 1, 1], [], []>, transpose_lhs_hint = false} : vector<16x256xf32>, vector<256x128xf32>, vector<16x128xf32> -> vector<16x128xf32>
    %get3A_239 = arith.constant 0 : index
    %get3A_240 = arith.constant 0 : index
    %get3A_241 = vector.load %arg14[%get3A_239, %get3A_240] : memref<1x128xf32, #tpu.memory_space<vmem>>, vector<1x128xf32>
    %add3A_242 = vector.broadcast %get3A_241 : vector<1x128xf32> to vector<16x128xf32>
    %add3A_243 = arith.addf %dot_general3A_238, %add3A_242 : vector<16x128xf32>
    %swap3A = arith.constant 0 : index
    %swap3A_244 = arith.constant 0 : index
    %swap3A_245 = vector.load %arg15[%swap3A, %swap3A_244] : memref<16x128xf32, #tpu.memory_space<vmem>>, vector<16x128xf32>
    tpu.vector_store %arg15[%swap3A, %swap3A_244], %add3A_243 {strides = array<i32>} : memref<16x128xf32, #tpu.memory_space<vmem>>, vector<16x128xf32>,
    return
  }
  func.func @transform_0(%arg0: i32) -> (i32, i32) {
    %c0_i32 = arith.constant 0 : i32
    %c0_i32_0 = arith.constant 0 : i32
    return %arg0, %c0_i32 : i32, i32
  }
  func.func @transform_1(%arg0: i32) -> (i32, i32) {
    %c0_i32 = arith.constant 0 : i32
    %c0_i32_0 = arith.constant 0 : i32
    %c0_i32_1 = arith.constant 0 : i32
    return %c0_i32, %c0_i32_0 : i32, i32
  }
  func.func @transform_2(%arg0: i32) -> (i32, i32) {
    %c0_i32 = arith.constant 0 : i32
    %c0_i32_0 = arith.constant 0 : i32
    %c0_i32_1 = arith.constant 0 : i32
    return %c0_i32, %c0_i32_0 : i32, i32
  }
  func.func @transform_3(%arg0: i32) -> (i32, i32) {
    %c0_i32 = arith.constant 0 : i32
    %c0_i32_0 = arith.constant 0 : i32
    return %arg0, %c0_i32 : i32, i32
  }
  func.func @transform_4(%arg0: i32) -> (i32, i32) {
    %c0_i32 = arith.constant 0 : i32
    %c0_i32_0 = arith.constant 0 : i32
    %c0_i32_1 = arith.constant 0 : i32
    return %c0_i32, %c0_i32_0 : i32, i32
  }
  func.func @transform_5(%arg0: i32) -> (i32, i32) {
    %c0_i32 = arith.constant 0 : i32
    %c0_i32_0 = arith.constant 0 : i32
    %c0_i32_1 = arith.constant 0 : i32
    return %c0_i32, %c0_i32_0 : i32, i32
  }
  func.func @transform_6(%arg0: i32) -> (i32, i32) {
    %c0_i32 = arith.constant 0 : i32
    %c0_i32_0 = arith.constant 0 : i32
    %c0_i32_1 = arith.constant 0 : i32
    return %c0_i32, %c0_i32_0 : i32, i32
  }
  func.func @transform_7(%arg0: i32) -> (i32, i32) {
    %c0_i32 = arith.constant 0 : i32
    %c0_i32_0 = arith.constant 0 : i32
    %c0_i32_1 = arith.constant 0 : i32
    return %c0_i32, %c0_i32_0 : i32, i32
  }
  func.func @transform_8(%arg0: i32) -> (i32, i32) {
    %c0_i32 = arith.constant 0 : i32
    %c0_i32_0 = arith.constant 0 : i32
    %c0_i32_1 = arith.constant 0 : i32
    return %c0_i32, %c0_i32_0 : i32, i32
  }
  func.func @transform_9(%arg0: i32) -> (i32, i32) {
    %c0_i32 = arith.constant 0 : i32
    %c0_i32_0 = arith.constant 0 : i32
    %c0_i32_1 = arith.constant 0 : i32
    return %c0_i32, %c0_i32_0 : i32, i32
  }
  func.func @transform_10(%arg0: i32) -> (i32, i32) {
    %c0_i32 = arith.constant 0 : i32
    %c0_i32_0 = arith.constant 0 : i32
    %c0_i32_1 = arith.constant 0 : i32
    return %c0_i32, %c0_i32_0 : i32, i32
  }
  func.func @transform_11(%arg0: i32) -> (i32, i32) {
    %c0_i32 = arith.constant 0 : i32
    %c0_i32_0 = arith.constant 0 : i32
    %c0_i32_1 = arith.constant 0 : i32
    return %c0_i32, %c0_i32_0 : i32, i32
  }
  func.func @transform_12(%arg0: i32) -> (i32, i32) {
    %c0_i32 = arith.constant 0 : i32
    %c0_i32_0 = arith.constant 0 : i32
    %c0_i32_1 = arith.constant 0 : i32
    return %c0_i32, %c0_i32_0 : i32, i32
  }
  func.func @transform_13(%arg0: i32) -> (i32, i32) {
    %c0_i32 = arith.constant 0 : i32
    %c0_i32_0 = arith.constant 0 : i32
    %c0_i32_1 = arith.constant 0 : i32
    return %c0_i32, %c0_i32_0 : i32, i32
  }
  func.func @transform_14(%arg0: i32) -> (i32, i32) {
    %c0_i32 = arith.constant 0 : i32
    %c0_i32_0 = arith.constant 0 : i32
    return %arg0, %c0_i32 : i32, i32
  }
}

</mosaic_0001>

<sc_bundles>
// kernel: kernel.24.cloned.1.call-start
scs
__scs_entry_jumppad:
0x0: {  	(pc) =	sbr.rel $0x88, $3  }
0x1: {  	(tag) =	ssettag $0x0;
	lr =	simm.s32 $0x1  }
0x2: {  	[smem:$0x3F72] =	sst lr;
	_ =	strace $0xD0000000  }
0x3: {  	_ = 	snop  }
0x4: {  	_ = 	snop  }
0x5: {  	_ = 	snop  }
0x6: {  	_ = 	snop  }
0x7: {  	_ = 	snop  }
__scs_overlays_trampoline_lowered:
0x8: {  	[smem:$0x3F81] =	sst s0  }
0x9: {  	[smem:$0x3F82] =	sst s1  }
0xa: {  	[smem:$0x3F83] =	sst s2  }
0xb: {  	[smem:$0x3F84] =	sst s3  }
0xc: {  	[smem:$0x3F85] =	sst s4  }
0xd: {  	[smem:$0x3F86] =	sst s5  }
0xe: {  	[smem:$0x3F87] =	sst s6  }
0xf: {  	[smem:$0x3F88] =	sst s7  }
0x10: {  	[smem:$0x3F89] =	sst s8  }
0x11: {  	[smem:$0x3F8A] =	sst s9;
	s0 =	simm.s32 @!p0 $0x0  }
0x12: {  	s1 =	sld [smem:$0x3F70];
	s0 =	simm.s32 @p0 $0x1  }
0x13: {  	[smem:$0x3F8B] =	sst s0;
	s0 =	simm.s32 @!p1 $0x0  }
0x14: {  	s2 =	sld [smem:$0x3F6F];
	s0 =	simm.s32 @p1 $0x1  }
0x15: {  	[smem:$0x3F8C] =	sst s0;
	s0 =	simm.s32 @!p2 $0x0  }
0x16: {  	s3 =	sld [smem:$0x3FDB];
	s0 =	simm.s32 @p2 $0x1  }
0x17: {  	s4 =	simm.s32 $0x1BF5;
	[smem:$0x3F8E] =	sst s0  }
0x18: {  	s0 =	sld [smem:$0x3F71];
	_ =	swait.ge [sflag:s4], $0x0  }
0x19: {  	s7 =	sld [smem:$0x3F72]  }
0x1a: {  	s8 =	sadd.s32 $0xFFFFE003, lr  }
0x1b: {  	s9 =	sadd.s32 $0xFFFFFEF7, lr;
	s5 =	simm.s32 $0xFFFFFFFF;
	p2 =	slt.u32 s8, $0xFFFFF086  }
0x1c: {  	p1 =	slt.u32 s9, $0xF7A;
	s5 =	simm.s32 @!p2 $0x0  }
0x1d: {  	s5 =	simm.s32 @p1 $0x1;
	p0 =	seq.s32 s7, s2  }
0x1e: {  	s7 =	smul.u32 @!p0 $0xF7A, s2;
	p2 =	seq.s32 @!p0 s5, $0x0  }
0x1f: {  	s9 =	smul.u32 $0xF7A, s1;
	s8 =	simm.s32 @!p0 $0x1BF5;
	p2 =	por !p2, p0  }
0x20: {  	[sflag:s8] =	ssyncset.s32 @!p0 $0xFFFFF086;
	s6 =	sadd.s32 @!p0 s3, s7;
	s7 =	simm.s32 @!p0 $0x108  }
0x21: {  	s3 =	sadd.s32 s3, s9;
	s6 =	sadd.s32 @!p0 $0x88, s6;
	s7 =	simm.s32 @p2 $0x1082  }
0x22: {  	[simem:s7], [sflag:s8] =	dma.local @!p0 [hbm:s6], $0xF7A  }
0x23: {  	s9 =	sor.u32 $0xD0000000, s2;
	s6 =	simm.s32 $0x108;
	_ =	swait.ge @!p0 [sflag:s8], $0x0  }
0x24: {  	s3 =	sadd.s32 $0x88, s3;
	s6 =	simm.s32 @!p1 $0x1082;
	[sflag:s4] =	ssyncset.s32 $0xFFFFF086  }
0x25: {  	[simem:s6], [sflag:s4] =	dma.local [hbm:s3], $0xF7A  }
0x26: {  	[smem:$0x3F72] =	sst s1;
	(tag) =	ssettag s2;
	_ =	strace s9  }
0x27: {  	s1 =	sld [smem:$0x3F82]  }
0x28: {  	s2 =	sld [smem:$0x3F83]  }
0x29: {  	s4 =	sld [smem:$0x3F85]  }
0x2a: {  	p0 =	seq.s32 s5, $0x0;
	s5 =	sld [smem:$0x3F86]  }
0x2b: {  	s6 =	sld [smem:$0x3F87]  }
0x2c: {  	s7 =	sld [smem:$0x3F88]  }
0x2d: {  	s3 =	simm.s32 $0x108;
	s8 =	sld [smem:$0x3F89]  }
0x2e: {  	s3 =	simm.s32 @!p0 $0x1082;
	s9 =	sld [smem:$0x3F8A]  }
0x2f: {  	lr =	sadd.s32 s0, s3;
	s0 =	sld [smem:$0x3F81]  }
0x30: {  	s3 =	sld [smem:$0x3F84]  }
0x31: {  	[smem:$0x3F8D] =	sst s10  }
0x32: {  	s10 =	sld [smem:$0x3F8B];
	_ =	sdelay $0x3  }
0x33: {  	p0 =	seq.s32 s10, $0x1;
	s10 =	sld [smem:$0x3F8D];
	_ =	sdelay $0x3  }
0x34: {  	[smem:$0x3F8D] =	sst s10  }
0x35: {  	s10 =	sld [smem:$0x3F8C];
	_ =	sdelay $0x3  }
0x36: {  	p1 =	seq.s32 s10, $0x1;
	s10 =	sld [smem:$0x3F8D];
	_ =	sdelay $0x3  }
0x37: {  	[smem:$0x3F8D] =	sst s10  }
0x38: {  	s10 =	sld [smem:$0x3F8E]  }
0x39: {  	_ = 	snop;
	(pc) =	sbr.ind lr, $3  }
0x3a: {  	_ = 	snop  }
0x3b: {  	_ = 	snop  }
0x3c: {  	p2 =	seq.s32 s10, $0x1;
	s10 =	sld [smem:$0x3F8D]  }
0x3d: {  	_ =	shalt  }
0x3e: {  	_ =	shalt  }
0x3f: {  	_ =	shalt  }
0x40: {  	_ =	shalt  }
0x41: {  	_ =	shalt  }
0x42: {  	_ =	shalt  }
0x43: {  	_ =	shalt  }
0x44: {  	_ =	shalt  }
0x45: {  	_ =	shalt  }
0x46: {  	_ =	shalt  }
0x47: {  	_ =	shalt  }
0x48: {  	_ =	shalt  }
0x49: {  	_ =	shalt  }
0x4a: {  	_ =	shalt  }
0x4b: {  	_ =	shalt  }
0x4c: {  	_ =	shalt  }
0x4d: {  	_ =	shalt  }
0x4e: {  	_ =	shalt  }
0x4f: {  	_ =	shalt  }
0x50: {  	_ =	shalt  }
0x51: {  	_ =	shalt  }
0x52: {  	_ =	shalt  }
0x53: {  	_ =	shalt  }
0x54: {  	_ =	shalt  }
0x55: {  	_ =	shalt  }
0x56: {  	_ =	shalt  }
0x57: {  	_ =	shalt  }
0x58: {  	_ =	shalt  }
0x59: {  	_ =	shalt  }
0x5a: {  	_ =	shalt  }
0x5b: {  	_ =	shalt  }
0x5c: {  	_ =	shalt  }
0x5d: {  	_ =	shalt  }
0x5e: {  	_ =	shalt  }
0x5f: {  	_ =	shalt  }
0x60: {  	_ =	shalt  }
0x61: {  	_ =	shalt  }
0x62: {  	_ =	shalt  }
0x63: {  	_ =	shalt  }
0x64: {  	_ =	shalt  }
0x65: {  	_ =	shalt  }
0x66: {  	_ =	shalt  }
0x67: {  	_ =	shalt  }
0x68: {  	_ =	shalt  }
0x69: {  	_ =	shalt  }
0x6a: {  	_ =	shalt  }
0x6b: {  	_ =	shalt  }
0x6c: {  	_ =	shalt  }
0x6d: {  	_ =	shalt  }
0x6e: {  	_ =	shalt  }
0x6f: {  	_ =	shalt  }
0x70: {  	_ =	shalt  }
0x71: {  	_ =	shalt  }
0x72: {  	_ =	shalt  }
0x73: {  	_ =	shalt  }
0x74: {  	_ =	shalt  }
0x75: {  	_ =	shalt  }
0x76: {  	_ =	shalt  }
0x77: {  	_ =	shalt  }
0x78: {  	_ =	shalt  }
0x79: {  	_ =	shalt  }
0x7a: {  	_ =	shalt  }
0x7b: {  	_ =	shalt  }
0x7c: {  	_ =	shalt  }
0x7d: {  	_ =	shalt  }
0x7e: {  	_ =	shalt  }
0x7f: {  	_ =	shalt  }
0x80: {  	_ =	shalt  }
0x81: {  	_ =	shalt  }
0x82: {  	_ =	shalt  }
0x83: {  	_ =	shalt  }
0x84: {  	_ =	shalt  }
0x85: {  	_ =	shalt  }
0x86: {  	_ =	shalt  }
0x87: {  	_ =	shalt  }
.Lfunc_end0:
.L_simem_size_0:
called_computation_lowered:
.L_overlay_start_0:
0x88: {  	s2 =	sld [smem:$0x3FD9]  }
0x89: {  	s3 =	sld [smem:$0x3FFE];
	_ =	sdelay $0x1  }
0x8a: {  	s1 =	srdreg.scid  }
0x8b: {  	s0 =	sand.u32 $0x1, s1  }
0x8c: {  	s16 =	sshll.u32 s0, $0xA;
	s2 =	sadd.s32 s3, s2  }
0x8d: {  	s2 =	sadd.s32 s2, s16  }
0x8e: {  	[smem:$0x3F99] =	sst s2  }
0x8f: {  	_ = 	snop  }
0x90: {  	(tm) =	ssettm $0x1  }
0x91: {  	s17 =	sld [smem:$0x3FFB];
	_ =	sdelay $0x3  }
0x92: {  	_ =	strace s17  }
0x93: {  	s2 =	sld [smem:$0x3FFC];
	_ =	sdelay $0x3  }
0x94: {  	_ =	strace s2  }
0x95: {  	s2 =	sld [smem:$0x3FFD];
	_ =	sdelay $0x3  }
0x96: {  	_ =	strace s2  }
0x97: {  	_ =	strace $0x8FFFFFFF  }
0x98: {  	s18 =	sld [smem:$0x3FDB];
	_ =	sdelay $0x1  }
0x99: {  	s19 =	simm.s32 $_scs_section_size  }
0x9a: {  	s4 =	simm.s32 $_size__tile_overlayer_lowered;
	s5 =	simm.s32 $_tile_overlayer_lowered  }
0x9b: {  	s22 =	simm.s32 $0x1BFF;
	s21 =	sshll.u32 s5, $0x1;
	s2 =	sadd.s32 s19, s18  }
0x9c: {  	s6 =	simm.s32 $0x0;
	s20 =	sshll.u32 s4, $0x1;
	s4 =	sadd.s32 s21, s2  }
0x9d: {  	[timem:s6], [sflag:s22] =	dma.local [hbm:s4], s20  }
0x9e: {  	_ =	swait.ge [sflag:s22], s20  }
0x9f: {  	s3 =	ssub.s32 $0x0, s20;
	[sflag:s22] =	ssyncset.done $0x0  }
0xa0: {  	[sflag:s22] =	ssyncadd.s32 s3;
	_ =	sdelay $0x1  }
0xa1: {  	s23 =	simm.s32 $0x1B8B  }
0xa2: {  	_ =	swait.ge [sflag:s23], $0x1  }
0xa3: {  	[sflag:s23] =	ssyncset.done $0x0  }
0xa4: {  	s25 =	simm.s32 $0x1B8E;
	s24 =	sld [smem:$0x3FFE];
	[sflag:s23] =	ssyncadd.s32 $0xFFFFFFFF  }
0xa5: {  	s26 =	simm.s32 $execute0_lowered;
	[smem:$0x3FD2] =	sst s25  }
0xa6: {  	s4 =	sshll.u32 s26, $0x1;
	_ =	strace $0x80000046;
	[dreg:$0x1] =	wrdreg $0xFFFFFFFF  }
0xa7: {  	s28 =	simm.s32 $_size_execute0_lowered;
	s2 =	sadd.s32 s2, s4;
	[dreg:$0x0] =	wrdreg $0x0  }
0xa8: {  	s4 =	sshll.u32 s28, $0x1;
	[dreg:$0x2] =	wrdreg s2  }
0xa9: {  	[dreg:$0x3] =	wrdreg s4  }
0xaa: {  	[dreg:$0x4] =	wrdreg $0xC0  }
0xab: {  	_ =	task [dreg:s6], $0x5FFFF  }
0xac: {  	[dreg:$0x1] =	wrdreg $0xFFFFFFFF  }
0xad: {  	[dreg:$0x0] =	wrdreg $0x60  }
0xae: {  	[dreg:$0x2] =	wrdreg s24  }
0xaf: {  	[dreg:$0x3] =	wrdreg $0xE000  }
0xb0: {  	[dreg:$0x4] =	wrdreg $0x9  }
0xb1: {  	_ =	task.clear_ibuf [dreg:s6], $0x5FFFF;
	_ =	strace $0x90000046  }
0xb2: {  	s29 =	simm.s32 $0x9;
	_ =	strace $0x80000048  }
0xb3: {  	_ =	swait.ge [sflag:s29], $0x1  }
0xb4: {  	[sflag:s29] =	ssyncadd.s32 $0xFFFFFFFF  }
0xb5: {  	_ =	strace $0x90000048  }
0xb6: {  	_ =	sfence  }
0xb7: {  	s30 =	sld [smem:$0x0];
	_ =	sdelay $0x2  }
0xb8: {  	s31 =	sshll.u32 s1, $0xD;
	s1 =	sshrl.u32 s1, $0x2  }
0xb9: {  	s3 =	sand.u32 $0x4000, s31;
	s1 =	sadd.s32 s1, s30  }
0xba: {  	s0 =	sor.u32 s3, s0;
	s1 =	sshll.u32 s1, $0x11  }
0xbb: {  	s0 =	sor.u32 s1, s0  }
0xbc: {  	s0 =	sadd.s32 $0x8F2B, s0  }
0xbd: {  	[sflag:s0] =	ssyncadd.remote.s32 $0x1  }
0xbe: {  	_ =	sfence.sel $0xFFFF  }
0xbf: {  	[dreg:$0x0] =	wrdreg $0xFFFFFFFF;
	(pc) =	sbr.abs _section_cstart, $3  }
0xc0: {  	[dreg:$0x1] =	wrdreg $0xFFFFFFFF  }
0xc1: {  	_ =	task.clear_ibuf [dreg:s6], $0x2FFFF;
	_ =	strace $0x9FFFFFFF  }
0xc2: {  	(tm) =	ssettm $0x7FFFFFFF  }
0xc3: {  	_ =	shalt  }
tec
execute0_lowered:
.L_overlay_start_1:
0x0: {  	(tag) =	ssettag $0x1  }
0x1: {  	s0 =	srdreg.scid  }
0x2: {  	s1 =	rddreg [dreg:$0x0];
	s8 =	stileid.u32  }
0x3: {  	s2 =	rddreg [dreg:$0x1];
	s3 =	simm.s32 $0x0;
	s12 =	simm.s32 $0x2  }
0x4: {  	s13 =	simm.s32 $0x200;
	s14 =	simm.s32 $0x40;
	s15 =	simm.s32 $0x400  }
0x5: {  	s16 =	simm.s32 $0x1;
	s17 =	simm.s32 $0x240;
	s18 =	simm.s32 $0x80  }
0x6: {  	s19 =	simm.s32 $0x280;
	s20 =	simm.s32 $0xC0;
	s21 =	simm.s32 $0x2C0  }
0x7: {  	s28 =	simm.s32 $0x380;
	s29 =	simm.s32 $0x1C0;
	s5 =	smul.u32 $0x1880, s8  }
0x8: {  	s30 =	simm.s32 $0x3C0;
	s0 =	sand.u32 $0x1, s0;
	s6 =	smul.u32 $0x1E8C0, s8  }
0x9: {  	s31 =	simm.s32 $0x0;
	[smem:$0x7FF] =	sst s3;
	s4 =	smul.u32 $0x3D180, s0  }
0xa: {  	s25 =	sshll.u32 s8, $0x6;
	s7 =	smul.u32 $0x1E8C00, s0;
	_ =	strace $0x80000047  }
0xb: {  	s0 =	ssub.s32 $0x2, s0;
	s10 =	sadd.s32 s5, s1;
	s23 =	sshrl.u32 s6, $0x3  }
0xc: {  	s24 =	sshrl.u32 s0, $0x1;
	s11 =	sadd.s32 s6, s2;
	s4 =	sadd.s32 s4, s1  }
0xd: {  	s22 =	sadd.s32 s6, s7;
	s7 =	sadd.s32 s23, s1;
	s0 =	ssub.s32 s0, s24  }
0xe: {  	s9 =	sadd.s32 $0x145E00, s10;
	s10 =	sadd.s32 $0x15E600, s10;
	s11 =	sshrl.u32 s11, $0x3  }
0xf: {  	s23 =	simm.s32 $0x300;
	s24 =	simm.s32 $0x140;
	s5 =	sshrl.u32 s22, $0x3  }
0x10: {  	s26 =	sadd.s32 $0x176E00, s7;
	s6 =	sadd.s32 $0xCBA00, s4;
	s0 =	smax.u32 s0, $0x1  }
0x11: {  	s22 =	simm.s32 $0x100;
	s1 =	sadd.s32 s5, s1;
	[dreg:$0x3] =	wrdreg s26  }
0x12: {  	s5 =	sor.u32 $0x1C02, s25;
	[dreg:$0x5] =	wrdreg s0;
	s1 =	sadd.s32 $0x1B4000, s1  }
0x13: {  	s25 =	simm.s32 $0x340;
	s26 =	simm.s32 $0x180;
	[dreg:$0x4] =	wrdreg s1  }
.LBB2_1:
0x14: {  	s0 =	rddreg [dreg:$0x3]  }
0x15: {  	[spmem:s11], [sflag:s5] =	dma.local [hbm:s0], $0x3D18  }
0x16: {  	_ =	swait.ge [sflag:s12], $0x3D18  }
0x17: {  	[sflag:s12] =	ssyncset.done $0x0  }
0x18: {  	[sflag:s12] =	ssyncadd.s32 $0xFFFFC2E8  }
0x19: {  	s7 =	sadd.s32 $0x0, s10;
	[bflag:$0x0] =	sbarrier.arrive $0xFFFF  }
0x1a: {  	[tilespmem:s3], [sflag:$0x2] =	stream.linear.gather [hbm4b:s7+s3], $0x200, $0x38;
	[tilespmem:$0x1F6C0] =	vst v63  }
0x1b: {  	_ =	swait.ge [sflag:s12], $0x200  }
0x1c: {  	[sflag:s12] =	ssyncset.done $0x0  }
0x1d: {  	s8 =	sadd.s32 $0x0, s9;
	[sflag:s12] =	ssyncadd.s32 $0xFFFFFE00  }
0x1e: {  	[tilespmem:s13], [sflag:$0x2] =	stream.linear.gather [hbm4b:s8+s3], $0x200, $0x38;
	[tilespmem:$0x1F6C0] =	vst v63  }
0x1f: {  	_ =	swait.ge [sflag:s12], $0x200  }
0x20: {  	[sflag:s12] =	ssyncset.done $0x0  }
0x21: {  	[sflag:s12] =	ssyncadd.s32 $0xFFFFFE00  }
0x22: {  	[tilespmem:s15], [sflag:$0x1] =	stream.indirect.gather [hbm4b:s6+s14], $0x28, s3, s14, $0xb8;
	[tilespmem:$0x1F6C0] =	vst v63  }
0x23: {  	_ =	swait.ge [sflag:s16], $0xA00  }
0x24: {  	[sflag:s16] =	ssyncset.done $0x0  }
0x25: {  	[sflag:s16] =	ssyncadd.s32 $0xFFFFF600  }
0x26: {  	[spmem:s2] =	stream.indirect.scatter.add.f32 [tilespmem:s15], [sflag:$0x2], $0x28, s13, s14, $0xb8;
	[tilespmem:$0x1F6C0] =	vst v63  }
0x27: {  	_ =	swait.ge [sflag:s12], $0xA00  }
0x28: {  	[sflag:s12] =	ssyncset.done $0x0  }
0x29: {  	[sflag:s12] =	ssyncadd.s32 $0xFFFFF600  }
0x2a: {  	[tilespmem:s15], [sflag:$0x1] =	stream.indirect.gather [hbm4b:s6+s14], $0x28, s14, s14, $0xb8;
	[tilespmem:$0x1F6C0] =	vst v63  }
0x2b: {  	_ =	swait.ge [sflag:s16], $0xA00  }
0x2c: {  	[sflag:s16] =	ssyncset.done $0x0  }
0x2d: {  	[sflag:s16] =	ssyncadd.s32 $0xFFFFF600  }
0x2e: {  	[spmem:s2] =	stream.indirect.scatter.add.f32 [tilespmem:s15], [sflag:$0x2], $0x28, s17, s14, $0xb8;
	[tilespmem:$0x1F6C0] =	vst v63  }
0x2f: {  	_ =	swait.ge [sflag:s12], $0xA00  }
0x30: {  	[sflag:s12] =	ssyncset.done $0x0  }
0x31: {  	[sflag:s12] =	ssyncadd.s32 $0xFFFFF600  }
0x32: {  	[tilespmem:s15], [sflag:$0x1] =	stream.indirect.gather [hbm4b:s6+s14], $0x28, s18, s14, $0xb8;
	[tilespmem:$0x1F6C0] =	vst v63  }
0x33: {  	_ =	swait.ge [sflag:s16], $0xA00  }
0x34: {  	[sflag:s16] =	ssyncset.done $0x0  }
0x35: {  	[sflag:s16] =	ssyncadd.s32 $0xFFFFF600  }
0x36: {  	[spmem:s2] =	stream.indirect.scatter.add.f32 [tilespmem:s15], [sflag:$0x2], $0x28, s19, s14, $0xb8;
	[tilespmem:$0x1F6C0] =	vst v63  }
0x37: {  	_ =	swait.ge [sflag:s12], $0xA00  }
0x38: {  	[sflag:s12] =	ssyncset.done $0x0  }
0x39: {  	[sflag:s12] =	ssyncadd.s32 $0xFFFFF600  }
0x3a: {  	[tilespmem:s15], [sflag:$0x1] =	stream.indirect.gather [hbm4b:s6+s14], $0x28, s20, s14, $0xb8;
	[tilespmem:$0x1F6C0] =	vst v63  }
0x3b: {  	_ =	swait.ge [sflag:s16], $0xA00  }
0x3c: {  	[sflag:s16] =	ssyncset.done $0x0  }
0x3d: {  	[sflag:s16] =	ssyncadd.s32 $0xFFFFF600  }
0x3e: {  	[spmem:s2] =	stream.indirect.scatter.add.f32 [tilespmem:s15], [sflag:$0x2], $0x28, s21, s14, $0xb8;
	[tilespmem:$0x1F6C0] =	vst v63  }
0x3f: {  	_ =	swait.ge [sflag:s12], $0xA00  }
0x40: {  	[sflag:s12] =	ssyncset.done $0x0  }
0x41: {  	[sflag:s12] =	ssyncadd.s32 $0xFFFFF600  }
0x42: {  	[tilespmem:s15], [sflag:$0x1] =	stream.indirect.gather [hbm4b:s6+s14], $0x28, s22, s14, $0xb8;
	[tilespmem:$0x1F6C0] =	vst v63  }
0x43: {  	_ =	swait.ge [sflag:s16], $0xA00  }
0x44: {  	[sflag:s16] =	ssyncset.done $0x0  }
0x45: {  	[sflag:s16] =	ssyncadd.s32 $0xFFFFF600  }
0x46: {  	[spmem:s2] =	stream.indirect.scatter.add.f32 [tilespmem:s15], [sflag:$0x2], $0x28, s23, s14, $0xb8;
	[tilespmem:$0x1F6C0] =	vst v63  }
0x47: {  	_ =	swait.ge [sflag:s12], $0xA00  }
0x48: {  	[sflag:s12] =	ssyncset.done $0x0  }
0x49: {  	[sflag:s12] =	ssyncadd.s32 $0xFFFFF600  }
0x4a: {  	[tilespmem:s15], [sflag:$0x1] =	stream.indirect.gather [hbm4b:s6+s14], $0x28, s24, s14, $0xb8;
	[tilespmem:$0x1F6C0] =	vst v63  }
0x4b: {  	_ =	swait.ge [sflag:s16], $0xA00  }
0x4c: {  	[sflag:s16] =	ssyncset.done $0x0  }
0x4d: {  	[sflag:s16] =	ssyncadd.s32 $0xFFFFF600  }
0x4e: {  	[spmem:s2] =	stream.indirect.scatter.add.f32 [tilespmem:s15], [sflag:$0x2], $0x28, s25, s14, $0xb8;
	[tilespmem:$0x1F6C0] =	vst v63  }
0x4f: {  	_ =	swait.ge [sflag:s12], $0xA00  }
0x50: {  	[sflag:s12] =	ssyncset.done $0x0  }
0x51: {  	[sflag:s12] =	ssyncadd.s32 $0xFFFFF600  }
0x52: {  	[tilespmem:s15], [sflag:$0x1] =	stream.indirect.gather [hbm4b:s6+s14], $0x28, s26, s14, $0xb8;
	[tilespmem:$0x1F6C0] =	vst v63  }
0x53: {  	_ =	swait.ge [sflag:s16], $0xA00  }
0x54: {  	[sflag:s16] =	ssyncset.done $0x0  }
0x55: {  	[sflag:s16] =	ssyncadd.s32 $0xFFFFF600  }
0x56: {  	[spmem:s2] =	stream.indirect.scatter.add.f32 [tilespmem:s15], [sflag:$0x2], $0x28, s28, s14, $0xb8;
	[tilespmem:$0x1F6C0] =	vst v63  }
0x57: {  	_ =	swait.ge [sflag:s12], $0xA00  }
0x58: {  	[sflag:s12] =	ssyncset.done $0x0  }
0x59: {  	[sflag:s12] =	ssyncadd.s32 $0xFFFFF600  }
0x5a: {  	[tilespmem:s15], [sflag:$0x1] =	stream.indirect.gather [hbm4b:s6+s14], $0x28, s29, s14, $0xb8;
	[tilespmem:$0x1F6C0] =	vst v63  }
0x5b: {  	_ =	swait.ge [sflag:s16], $0xA00  }
0x5c: {  	[sflag:s16] =	ssyncset.done $0x0  }
0x5d: {  	[sflag:s16] =	ssyncadd.s32 $0xFFFFF600  }
0x5e: {  	[spmem:s2] =	stream.indirect.scatter.add.f32 [tilespmem:s15], [sflag:$0x2], $0x28, s30, s14, $0xb8;
	[tilespmem:$0x1F6C0] =	vst v63  }
0x5f: {  	_ =	swait.ge [sflag:s12], $0xA00  }
0x60: {  	s1 =	simm.s32 $0x40;
	s0 =	simm.s32 $0x80;
	[sflag:s12] =	ssyncset.done $0x0  }
.LBB2_2:
0x61: {  	s7 =	sadd.s32 s1, s10  }
0x62: {  	[sflag:s12] =	ssyncadd.s32 $0xFFFFF600;
	s8 =	smov.u32 s0;
	s4 =	sadd.s32 $0x40, s0  }
0x63: {  	[tilespmem:s3], [sflag:$0x2] =	stream.linear.gather [hbm4b:s7+s3], $0x200, $0x38;
	[tilespmem:$0x1F6C0] =	vst v63  }
0x64: {  	p0 =	sne.s32 s0, $0x1840;
	_ =	swait.ge [sflag:s12], $0x200  }
0x65: {  	[sflag:s12] =	ssyncset.done $0x0  }
0x66: {  	s0 =	sadd.s32 s1, s9;
	s1 =	smov.u32 s8;
	[sflag:s12] =	ssyncadd.s32 $0xFFFFFE00  }
0x67: {  	[tilespmem:s13], [sflag:$0x2] =	stream.linear.gather [hbm4b:s0+s3], $0x200, $0x38;
	[tilespmem:$0x1F6C0] =	vst v63  }
0x68: {  	_ =	swait.ge [sflag:s12], $0x200  }
0x69: {  	[sflag:s12] =	ssyncset.done $0x0  }
0x6a: {  	[sflag:s12] =	ssyncadd.s32 $0xFFFFFE00  }
0x6b: {  	[tilespmem:s15], [sflag:$0x1] =	stream.indirect.gather [hbm4b:s6+s14], $0x28, s3, s14, $0xb8;
	[tilespmem:$0x1F6C0] =	vst v63  }
0x6c: {  	_ =	swait.ge [sflag:s16], $0xA00  }
0x6d: {  	[sflag:s16] =	ssyncset.done $0x0  }
0x6e: {  	[sflag:s16] =	ssyncadd.s32 $0xFFFFF600  }
0x6f: {  	[spmem:s2] =	stream.indirect.scatter.add.f32 [tilespmem:s15], [sflag:$0x2], $0x28, s13, s14, $0xb8;
	[tilespmem:$0x1F6C0] =	vst v63  }
0x70: {  	_ =	swait.ge [sflag:s12], $0xA00  }
0x71: {  	[sflag:s12] =	ssyncset.done $0x0  }
0x72: {  	[sflag:s12] =	ssyncadd.s32 $0xFFFFF600  }
0x73: {  	[tilespmem:s15], [sflag:$0x1] =	stream.indirect.gather [hbm4b:s6+s14], $0x28, s14, s14, $0xb8;
	[tilespmem:$0x1F6C0] =	vst v63  }
0x74: {  	_ =	swait.ge [sflag:s16], $0xA00  }
0x75: {  	[sflag:s16] =	ssyncset.done $0x0  }
0x76: {  	[sflag:s16] =	ssyncadd.s32 $0xFFFFF600  }
0x77: {  	[spmem:s2] =	stream.indirect.scatter.add.f32 [tilespmem:s15], [sflag:$0x2], $0x28, s17, s14, $0xb8;
	[tilespmem:$0x1F6C0] =	vst v63  }
0x78: {  	_ =	swait.ge [sflag:s12], $0xA00  }
0x79: {  	[sflag:s12] =	ssyncset.done $0x0  }
0x7a: {  	[sflag:s12] =	ssyncadd.s32 $0xFFFFF600  }
0x7b: {  	[tilespmem:s15], [sflag:$0x1] =	stream.indirect.gather [hbm4b:s6+s14], $0x28, s18, s14, $0xb8;
	[tilespmem:$0x1F6C0] =	vst v63  }
0x7c: {  	_ =	swait.ge [sflag:s16], $0xA00  }
0x7d: {  	[sflag:s16] =	ssyncset.done $0x0  }
0x7e: {  	[sflag:s16] =	ssyncadd.s32 $0xFFFFF600  }
0x7f: {  	[spmem:s2] =	stream.indirect.scatter.add.f32 [tilespmem:s15], [sflag:$0x2], $0x28, s19, s14, $0xb8;
	[tilespmem:$0x1F6C0] =	vst v63  }
0x80: {  	_ =	swait.ge [sflag:s12], $0xA00  }
0x81: {  	[sflag:s12] =	ssyncset.done $0x0  }
0x82: {  	[sflag:s12] =	ssyncadd.s32 $0xFFFFF600  }
0x83: {  	[tilespmem:s15], [sflag:$0x1] =	stream.indirect.gather [hbm4b:s6+s14], $0x28, s20, s14, $0xb8;
	[tilespmem:$0x1F6C0] =	vst v63  }
0x84: {  	_ =	swait.ge [sflag:s16], $0xA00  }
0x85: {  	[sflag:s16] =	ssyncset.done $0x0  }
0x86: {  	[sflag:s16] =	ssyncadd.s32 $0xFFFFF600  }
0x87: {  	[spmem:s2] =	stream.indirect.scatter.add.f32 [tilespmem:s15], [sflag:$0x2], $0x28, s21, s14, $0xb8;
	[tilespmem:$0x1F6C0] =	vst v63  }
0x88: {  	_ =	swait.ge [sflag:s12], $0xA00  }
0x89: {  	[sflag:s12] =	ssyncset.done $0x0  }
0x8a: {  	[sflag:s12] =	ssyncadd.s32 $0xFFFFF600  }
0x8b: {  	[tilespmem:s15], [sflag:$0x1] =	stream.indirect.gather [hbm4b:s6+s14], $0x28, s22, s14, $0xb8;
	[tilespmem:$0x1F6C0] =	vst v63  }
0x8c: {  	_ =	swait.ge [sflag:s16], $0xA00  }
0x8d: {  	[sflag:s16] =	ssyncset.done $0x0  }
0x8e: {  	[sflag:s16] =	ssyncadd.s32 $0xFFFFF600  }
0x8f: {  	[spmem:s2] =	stream.indirect.scatter.add.f32 [tilespmem:s15], [sflag:$0x2], $0x28, s23, s14, $0xb8;
	[tilespmem:$0x1F6C0] =	vst v63  }
0x90: {  	_ =	swait.ge [sflag:s12], $0xA00  }
0x91: {  	[sflag:s12] =	ssyncset.done $0x0  }
0x92: {  	[sflag:s12] =	ssyncadd.s32 $0xFFFFF600  }
0x93: {  	[tilespmem:s15], [sflag:$0x1] =	stream.indirect.gather [hbm4b:s6+s14], $0x28, s24, s14, $0xb8;
	[tilespmem:$0x1F6C0] =	vst v63  }
0x94: {  	_ =	swait.ge [sflag:s16], $0xA00  }
0x95: {  	[sflag:s16] =	ssyncset.done $0x0  }
0x96: {  	[sflag:s16] =	ssyncadd.s32 $0xFFFFF600  }
0x97: {  	[spmem:s2] =	stream.indirect.scatter.add.f32 [tilespmem:s15], [sflag:$0x2], $0x28, s25, s14, $0xb8;
	[tilespmem:$0x1F6C0] =	vst v63  }
0x98: {  	_ =	swait.ge [sflag:s12], $0xA00  }
0x99: {  	[sflag:s12] =	ssyncset.done $0x0  }
0x9a: {  	[sflag:s12] =	ssyncadd.s32 $0xFFFFF600  }
0x9b: {  	[tilespmem:s15], [sflag:$0x1] =	stream.indirect.gather [hbm4b:s6+s14], $0x28, s26, s14, $0xb8;
	[tilespmem:$0x1F6C0] =	vst v63  }
0x9c: {  	_ =	swait.ge [sflag:s16], $0xA00  }
0x9d: {  	[sflag:s16] =	ssyncset.done $0x0  }
0x9e: {  	[sflag:s16] =	ssyncadd.s32 $0xFFFFF600  }
0x9f: {  	[spmem:s2] =	stream.indirect.scatter.add.f32 [tilespmem:s15], [sflag:$0x2], $0x28, s28, s14, $0xb8;
	[tilespmem:$0x1F6C0] =	vst v63  }
0xa0: {  	_ =	swait.ge [sflag:s12], $0xA00  }
0xa1: {  	[sflag:s12] =	ssyncset.done $0x0  }
0xa2: {  	[sflag:s12] =	ssyncadd.s32 $0xFFFFF600  }
0xa3: {  	[tilespmem:s15], [sflag:$0x1] =	stream.indirect.gather [hbm4b:s6+s14], $0x28, s29, s14, $0xb8;
	[tilespmem:$0x1F6C0] =	vst v63  }
0xa4: {  	_ =	swait.ge [sflag:s16], $0xA00  }
.Ltmp0:
0xa5: {  	[sflag:s16] =	ssyncset.done $0x0;
	(pc) =	sbr.rel @p0 .LBB2_2-.Ltmp0, $4  }
0xa6: {  	[sflag:s16] =	ssyncadd.s32 $0xFFFFF600  }
0xa7: {  	[spmem:s2] =	stream.indirect.scatter.add.f32 [tilespmem:s15], [sflag:$0x2], $0x28, s30, s14, $0xb8;
	[tilespmem:$0x1F6C0] =	vst v63  }
0xa8: {  	_ =	swait.ge [sflag:s12], $0xA00  }
0xa9: {  	s0 =	smov.u32 s4;
	[sflag:s12] =	ssyncset.done $0x0  }
0xaa: {  	s0 =	sadd.s32 s1, s10;
	[sflag:s12] =	ssyncadd.s32 $0xFFFFF600  }
0xab: {  	[tilespmem:s3], [sflag:$0x2] =	stream.linear.gather [hbm4b:s0+s3], $0x200, $0x38;
	[tilespmem:$0x1F6C0] =	vst v63  }
0xac: {  	_ =	swait.ge [sflag:s12], $0x200  }
0xad: {  	[sflag:s12] =	ssyncset.done $0x0  }
0xae: {  	s4 =	sadd.s32 s1, s9;
	[sflag:s12] =	ssyncadd.s32 $0xFFFFFE00  }
0xaf: {  	[tilespmem:s13], [sflag:$0x2] =	stream.linear.gather [hbm4b:s4+s3], $0x200, $0x38;
	[tilespmem:$0x1F6C0] =	vst v63  }
0xb0: {  	_ =	swait.ge [sflag:s12], $0x200  }
0xb1: {  	[sflag:s12] =	ssyncset.done $0x0  }
0xb2: {  	[sflag:s12] =	ssyncadd.s32 $0xFFFFFE00  }
0xb3: {  	[tilespmem:s15], [sflag:$0x1] =	stream.indirect.gather [hbm4b:s6+s14], $0x28, s3, s14, $0xb8;
	[tilespmem:$0x1F6C0] =	vst v63  }
0xb4: {  	_ =	swait.ge [sflag:s16], $0xA00  }
0xb5: {  	[sflag:s16] =	ssyncset.done $0x0  }
0xb6: {  	[sflag:s16] =	ssyncadd.s32 $0xFFFFF600  }
0xb7: {  	[spmem:s2] =	stream.indirect.scatter.add.f32 [tilespmem:s15], [sflag:$0x2], $0x28, s13, s14, $0xb8;
	[tilespmem:$0x1F6C0] =	vst v63  }
0xb8: {  	_ =	swait.ge [sflag:s12], $0xA00  }
0xb9: {  	[sflag:s12] =	ssyncset.done $0x0  }
0xba: {  	[sflag:s12] =	ssyncadd.s32 $0xFFFFF600  }
0xbb: {  	[tilespmem:s15], [sflag:$0x1] =	stream.indirect.gather [hbm4b:s6+s14], $0x28, s14, s14, $0xb8;
	[tilespmem:$0x1F6C0] =	vst v63  }
0xbc: {  	_ =	swait.ge [sflag:s16], $0xA00  }
0xbd: {  	[sflag:s16] =	ssyncset.done $0x0  }
0xbe: {  	[sflag:s16] =	ssyncadd.s32 $0xFFFFF600  }
0xbf: {  	[spmem:s2] =	stream.indirect.scatter.add.f32 [tilespmem:s15], [sflag:$0x2], $0x28, s17, s14, $0xb8;
	[tilespmem:$0x1F6C0] =	vst v63  }
0xc0: {  	_ =	swait.ge [sflag:s12], $0xA00  }
0xc1: {  	[sflag:s12] =	ssyncset.done $0x0  }
0xc2: {  	[sflag:s12] =	ssyncadd.s32 $0xFFFFF600  }
0xc3: {  	[tilespmem:s15], [sflag:$0x1] =	stream.indirect.gather [hbm4b:s6+s14], $0x28, s18, s14, $0xb8;
	[tilespmem:$0x1F6C0] =	vst v63  }
0xc4: {  	_ =	swait.ge [sflag:s16], $0xA00  }
0xc5: {  	[sflag:s16] =	ssyncset.done $0x0  }
0xc6: {  	[sflag:s16] =	ssyncadd.s32 $0xFFFFF600  }
0xc7: {  	[spmem:s2] =	stream.indirect.scatter.add.f32 [tilespmem:s15], [sflag:$0x2], $0x28, s19, s14, $0xb8;
	[tilespmem:$0x1F6C0] =	vst v63  }
0xc8: {  	_ =	swait.ge [sflag:s12], $0xA00  }
0xc9: {  	[sflag:s12] =	ssyncset.done $0x0  }
0xca: {  	[sflag:s12] =	ssyncadd.s32 $0xFFFFF600  }
0xcb: {  	[tilespmem:s15], [sflag:$0x1] =	stream.indirect.gather [hbm4b:s6+s14], $0x28, s20, s14, $0xb8;
	[tilespmem:$0x1F6C0] =	vst v63  }
0xcc: {  	_ =	swait.ge [sflag:s16], $0xA00  }
0xcd: {  	[sflag:s16] =	ssyncset.done $0x0  }
0xce: {  	[sflag:s16] =	ssyncadd.s32 $0xFFFFF600  }
0xcf: {  	[spmem:s2] =	stream.indirect.scatter.add.f32 [tilespmem:s15], [sflag:$0x2], $0x28, s21, s14, $0xb8;
	[tilespmem:$0x1F6C0] =	vst v63  }
0xd0: {  	_ =	swait.ge [sflag:s12], $0xA00  }
0xd1: {  	[sflag:s12] =	ssyncset.done $0x0  }
0xd2: {  	[sflag:s12] =	ssyncadd.s32 $0xFFFFF600  }
0xd3: {  	[tilespmem:s15], [sflag:$0x1] =	stream.indirect.gather [hbm4b:s6+s14], $0x28, s22, s14, $0xb8;
	[tilespmem:$0x1F6C0] =	vst v63  }
0xd4: {  	_ =	swait.ge [sflag:s16], $0xA00  }
0xd5: {  	[sflag:s16] =	ssyncset.done $0x0  }
0xd6: {  	[sflag:s16] =	ssyncadd.s32 $0xFFFFF600  }
0xd7: {  	[spmem:s2] =	stream.indirect.scatter.add.f32 [tilespmem:s15], [sflag:$0x2], $0x28, s23, s14, $0xb8;
	[tilespmem:$0x1F6C0] =	vst v63  }
0xd8: {  	_ =	swait.ge [sflag:s12], $0xA00  }
0xd9: {  	[sflag:s12] =	ssyncset.done $0x0  }
0xda: {  	[sflag:s12] =	ssyncadd.s32 $0xFFFFF600  }
0xdb: {  	[tilespmem:s15], [sflag:$0x1] =	stream.indirect.gather [hbm4b:s6+s14], $0x28, s24, s14, $0xb8;
	[tilespmem:$0x1F6C0] =	vst v63  }
0xdc: {  	_ =	swait.ge [sflag:s16], $0xA00  }
0xdd: {  	[sflag:s16] =	ssyncset.done $0x0  }
0xde: {  	[sflag:s16] =	ssyncadd.s32 $0xFFFFF600  }
0xdf: {  	[spmem:s2] =	stream.indirect.scatter.add.f32 [tilespmem:s15], [sflag:$0x2], $0x28, s25, s14, $0xb8;
	[tilespmem:$0x1F6C0] =	vst v63  }
0xe0: {  	_ =	swait.ge [sflag:s12], $0xA00  }
0xe1: {  	[sflag:s12] =	ssyncset.done $0x0  }
0xe2: {  	[sflag:s12] =	ssyncadd.s32 $0xFFFFF600  }
0xe3: {  	[tilespmem:s15], [sflag:$0x1] =	stream.indirect.gather [hbm4b:s6+s14], $0x28, s26, s14, $0xb8;
	[tilespmem:$0x1F6C0] =	vst v63  }
0xe4: {  	_ =	swait.ge [sflag:s16], $0xA00  }
0xe5: {  	[sflag:s16] =	ssyncset.done $0x0  }
0xe6: {  	[sflag:s16] =	ssyncadd.s32 $0xFFFFF600  }
0xe7: {  	[spmem:s2] =	stream.indirect.scatter.add.f32 [tilespmem:s15], [sflag:$0x2], $0x28, s28, s14, $0xb8;
	[tilespmem:$0x1F6C0] =	vst v63  }
0xe8: {  	_ =	swait.ge [sflag:s12], $0xA00  }
0xe9: {  	[sflag:s12] =	ssyncset.done $0x0  }
0xea: {  	[sflag:s12] =	ssyncadd.s32 $0xFFFFF600  }
0xeb: {  	[tilespmem:s15], [sflag:$0x1] =	stream.indirect.gather [hbm4b:s6+s14], $0x28, s29, s14, $0xb8;
	[tilespmem:$0x1F6C0] =	vst v63  }
0xec: {  	_ =	swait.ge [sflag:s16], $0xA00  }
0xed: {  	[sflag:s16] =	ssyncset.done $0x0  }
0xee: {  	[sflag:s16] =	ssyncadd.s32 $0xFFFFF600  }
0xef: {  	[spmem:s2] =	stream.indirect.scatter.add.f32 [tilespmem:s15], [sflag:$0x2], $0x28, s30, s14, $0xb8;
	[tilespmem:$0x1F6C0] =	vst v63  }
0xf0: {  	_ =	swait.ge [sflag:s12], $0xA00  }
0xf1: {  	[sflag:s12] =	ssyncset.done $0x0  }
0xf2: {  	[sflag:s12] =	ssyncadd.s32 $0xFFFFF600  }
0xf3: {  	[bflag:$0x0] =	sbarrier.arrive $0xFFFF  }
0xf4: {  	s7 =	rddreg [dreg:$0x4]  }
0xf5: {  	[hbm:s7], [sflag:s5] =	dma.local [spmem:s11], $0x3D18  }
0xf6: {  	_ =	swait.ge [sflag:s12], $0x3D18  }
0xf7: {  	s31 =	sadd.s32 $0x1, s31;
	s8 =	rddreg [dreg:$0x5]  }
0xf8: {  	p0 =	sne.s32 s31, s8  }
.Ltmp1:
0xf9: {  	_ = 	snop;
	(pc) =	sbr.rel @p0 .LBB2_1-.Ltmp1, $3  }
0xfa: {  	_ =	sdelay $0x1  }
0xfb: {  	[sflag:s12] =	ssyncset.done $0x0  }
0xfc: {  	[sflag:s12] =	ssyncadd.s32 $0xFFFFC2E8  }
0xfd: {  	_ =	sfence.sel $0x180000  }
0xfe: {  	[bflag:$0x0] =	sbarrier.arrive $0xFFFF  }
0xff: {  	_ =	strace $0x90000047  }
0x100: {  	s0 =	stileid.u32;
	[bflag:$0x2] =	sbarrier.arrive $0xFFFF  }
0x101: {  	p0 =	sne.s32 s0, $0x0;
	s0 =	rddreg [dreg:$0x2]  }
0x102: {  	s0 =	sadd.s32 @!p0 $0x100000, s0  }
0x103: {  	[sflag:s0] =	ssyncadd.tile.s32 @!p0 $0x1;
	_ =	shalt  }
.Lfunc_end2:
_tile_overlayer_lowered:
.L_overlay_start_2:
0x104: {  	(tag) =	ssettag $0x2  }
0x105: {  	s0 =	rddreg [dreg:$0x0];
	s2 =	stileid.u32  }
0x106: {  	s1 =	rddreg [dreg:$0x1];
	p0 =	sne.s32 s2, $0x0  }
0x107: {  	s3 =	rddreg [dreg:$0x2];
	[bflag:$0x3] =	sbarrier.arrive $0xFFFF;
	s2 =	simm.s32 @!p0 $0x1C02  }
0x108: {  	[timem:s3], [sflag:s2] =	dma.local @!p0 [hbm:s0], s1  }
0x109: {  	s0 =	simm.s32 @!p0 $0x2  }
0x10a: {  	_ =	swait.ge @!p0 [sflag:s0], s1  }
0x10b: {  	s1 =	ssub.s32 @!p0 $0x0, s1;
	[sflag:s0] =	ssyncset.done @!p0 $0x0  }
0x10c: {  	[sflag:s0] =	ssyncadd.s32 @!p0 s1  }
0x10d: {  	[bflag:$0x3] =	sbarrier.arrive $0xFFFF  }
0x10e: {  	_ =	shalt  }

// kernel: kernel.27.cloned.1.call-start
scs
__scs_entry_jumppad:
0x0: {  	(pc) =	sbr.rel $0x88, $3  }
0x1: {  	(tag) =	ssettag $0x0;
	lr =	simm.s32 $0x1  }
0x2: {  	[smem:$0x3F72] =	sst lr;
	_ =	strace $0xD0000000  }
0x3: {  	_ = 	snop  }
0x4: {  	_ = 	snop  }
0x5: {  	_ = 	snop  }
0x6: {  	_ = 	snop  }
0x7: {  	_ = 	snop  }
__scs_overlays_trampoline_lowered:
0x8: {  	[smem:$0x3F81] =	sst s0  }
0x9: {  	[smem:$0x3F82] =	sst s1  }
0xa: {  	[smem:$0x3F83] =	sst s2  }
0xb: {  	[smem:$0x3F84] =	sst s3  }
0xc: {  	[smem:$0x3F85] =	sst s4  }
0xd: {  	[smem:$0x3F86] =	sst s5  }
0xe: {  	[smem:$0x3F87] =	sst s6  }
0xf: {  	[smem:$0x3F88] =	sst s7  }
0x10: {  	[smem:$0x3F89] =	sst s8  }
0x11: {  	[smem:$0x3F8A] =	sst s9;
	s0 =	simm.s32 @!p0 $0x0  }
0x12: {  	s1 =	sld [smem:$0x3F70];
	s0 =	simm.s32 @p0 $0x1  }
0x13: {  	[smem:$0x3F8B] =	sst s0;
	s0 =	simm.s32 @!p1 $0x0  }
0x14: {  	s2 =	sld [smem:$0x3F6F];
	s0 =	simm.s32 @p1 $0x1  }
0x15: {  	[smem:$0x3F8C] =	sst s0;
	s0 =	simm.s32 @!p2 $0x0  }
0x16: {  	s3 =	sld [smem:$0x3FDB];
	s0 =	simm.s32 @p2 $0x1  }
0x17: {  	s4 =	simm.s32 $0x1BF5;
	[smem:$0x3F8E] =	sst s0  }
0x18: {  	s0 =	sld [smem:$0x3F71];
	_ =	swait.ge [sflag:s4], $0x0  }
0x19: {  	s7 =	sld [smem:$0x3F72]  }
0x1a: {  	s8 =	sadd.s32 $0xFFFFE003, lr  }
0x1b: {  	s9 =	sadd.s32 $0xFFFFFEF7, lr;
	s5 =	simm.s32 $0xFFFFFFFF;
	p2 =	slt.u32 s8, $0xFFFFF086  }
0x1c: {  	p1 =	slt.u32 s9, $0xF7A;
	s5 =	simm.s32 @!p2 $0x0  }
0x1d: {  	s5 =	simm.s32 @p1 $0x1;
	p0 =	seq.s32 s7, s2  }
0x1e: {  	s7 =	smul.u32 @!p0 $0xF7A, s2;
	p2 =	seq.s32 @!p0 s5, $0x0  }
0x1f: {  	s9 =	smul.u32 $0xF7A, s1;
	s8 =	simm.s32 @!p0 $0x1BF5;
	p2 =	por !p2, p0  }
0x20: {  	[sflag:s8] =	ssyncset.s32 @!p0 $0xFFFFF086;
	s6 =	sadd.s32 @!p0 s3, s7;
	s7 =	simm.s32 @!p0 $0x108  }
0x21: {  	s3 =	sadd.s32 s3, s9;
	s6 =	sadd.s32 @!p0 $0x88, s6;
	s7 =	simm.s32 @p2 $0x1082  }
0x22: {  	[simem:s7], [sflag:s8] =	dma.local @!p0 [hbm:s6], $0xF7A  }
0x23: {  	s9 =	sor.u32 $0xD0000000, s2;
	s6 =	simm.s32 $0x108;
	_ =	swait.ge @!p0 [sflag:s8], $0x0  }
0x24: {  	s3 =	sadd.s32 $0x88, s3;
	s6 =	simm.s32 @!p1 $0x1082;
	[sflag:s4] =	ssyncset.s32 $0xFFFFF086  }
0x25: {  	[simem:s6], [sflag:s4] =	dma.local [hbm:s3], $0xF7A  }
0x26: {  	[smem:$0x3F72] =	sst s1;
	(tag) =	ssettag s2;
	_ =	strace s9  }
0x27: {  	s1 =	sld [smem:$0x3F82]  }
0x28: {  	s2 =	sld [smem:$0x3F83]  }
0x29: {  	s4 =	sld [smem:$0x3F85]  }
0x2a: {  	p0 =	seq.s32 s5, $0x0;
	s5 =	sld [smem:$0x3F86]  }
0x2b: {  	s6 =	sld [smem:$0x3F87]  }
0x2c: {  	s7 =	sld [smem:$0x3F88]  }
0x2d: {  	s3 =	simm.s32 $0x108;
	s8 =	sld [smem:$0x3F89]  }
0x2e: {  	s3 =	simm.s32 @!p0 $0x1082;
	s9 =	sld [smem:$0x3F8A]  }
0x2f: {  	lr =	sadd.s32 s0, s3;
	s0 =	sld [smem:$0x3F81]  }
0x30: {  	s3 =	sld [smem:$0x3F84]  }
0x31: {  	[smem:$0x3F8D] =	sst s10  }
0x32: {  	s10 =	sld [smem:$0x3F8B];
	_ =	sdelay $0x3  }
0x33: {  	p0 =	seq.s32 s10, $0x1;
	s10 =	sld [smem:$0x3F8D];
	_ =	sdelay $0x3  }
0x34: {  	[smem:$0x3F8D] =	sst s10  }
0x35: {  	s10 =	sld [smem:$0x3F8C];
	_ =	sdelay $0x3  }
0x36: {  	p1 =	seq.s32 s10, $0x1;
	s10 =	sld [smem:$0x3F8D];
	_ =	sdelay $0x3  }
0x37: {  	[smem:$0x3F8D] =	sst s10  }
0x38: {  	s10 =	sld [smem:$0x3F8E]  }
0x39: {  	_ = 	snop;
	(pc) =	sbr.ind lr, $3  }
0x3a: {  	_ = 	snop  }
0x3b: {  	_ = 	snop  }
0x3c: {  	p2 =	seq.s32 s10, $0x1;
	s10 =	sld [smem:$0x3F8D]  }
0x3d: {  	_ =	shalt  }
0x3e: {  	_ =	shalt  }
0x3f: {  	_ =	shalt  }
0x40: {  	_ =	shalt  }
0x41: {  	_ =	shalt  }
0x42: {  	_ =	shalt  }
0x43: {  	_ =	shalt  }
0x44: {  	_ =	shalt  }
0x45: {  	_ =	shalt  }
0x46: {  	_ =	shalt  }
0x47: {  	_ =	shalt  }
0x48: {  	_ =	shalt  }
0x49: {  	_ =	shalt  }
0x4a: {  	_ =	shalt  }
0x4b: {  	_ =	shalt  }
0x4c: {  	_ =	shalt  }
0x4d: {  	_ =	shalt  }
0x4e: {  	_ =	shalt  }
0x4f: {  	_ =	shalt  }
0x50: {  	_ =	shalt  }
0x51: {  	_ =	shalt  }
0x52: {  	_ =	shalt  }
0x53: {  	_ =	shalt  }
0x54: {  	_ =	shalt  }
0x55: {  	_ =	shalt  }
0x56: {  	_ =	shalt  }
0x57: {  	_ =	shalt  }
0x58: {  	_ =	shalt  }
0x59: {  	_ =	shalt  }
0x5a: {  	_ =	shalt  }
0x5b: {  	_ =	shalt  }
0x5c: {  	_ =	shalt  }
0x5d: {  	_ =	shalt  }
0x5e: {  	_ =	shalt  }
0x5f: {  	_ =	shalt  }
0x60: {  	_ =	shalt  }
0x61: {  	_ =	shalt  }
0x62: {  	_ =	shalt  }
0x63: {  	_ =	shalt  }
0x64: {  	_ =	shalt  }
0x65: {  	_ =	shalt  }
0x66: {  	_ =	shalt  }
0x67: {  	_ =	shalt  }
0x68: {  	_ =	shalt  }
0x69: {  	_ =	shalt  }
0x6a: {  	_ =	shalt  }
0x6b: {  	_ =	shalt  }
0x6c: {  	_ =	shalt  }
0x6d: {  	_ =	shalt  }
0x6e: {  	_ =	shalt  }
0x6f: {  	_ =	shalt  }
0x70: {  	_ =	shalt  }
0x71: {  	_ =	shalt  }
0x72: {  	_ =	shalt  }
0x73: {  	_ =	shalt  }
0x74: {  	_ =	shalt  }
0x75: {  	_ =	shalt  }
0x76: {  	_ =	shalt  }
0x77: {  	_ =	shalt  }
0x78: {  	_ =	shalt  }
0x79: {  	_ =	shalt  }
0x7a: {  	_ =	shalt  }
0x7b: {  	_ =	shalt  }
0x7c: {  	_ =	shalt  }
0x7d: {  	_ =	shalt  }
0x7e: {  	_ =	shalt  }
0x7f: {  	_ =	shalt  }
0x80: {  	_ =	shalt  }
0x81: {  	_ =	shalt  }
0x82: {  	_ =	shalt  }
0x83: {  	_ =	shalt  }
0x84: {  	_ =	shalt  }
0x85: {  	_ =	shalt  }
0x86: {  	_ =	shalt  }
0x87: {  	_ =	shalt  }
.Lfunc_end0:
.L_simem_size_0:
called_computation.1_lowered:
.L_overlay_start_0:
0x88: {  	s2 =	sld [smem:$0x3FD9]  }
0x89: {  	s3 =	sld [smem:$0x3FFE];
	_ =	sdelay $0x1  }
0x8a: {  	s1 =	srdreg.scid  }
0x8b: {  	s0 =	sand.u32 $0x1, s1  }
0x8c: {  	s16 =	sshll.u32 s0, $0xA;
	s2 =	sadd.s32 s3, s2  }
0x8d: {  	s2 =	sadd.s32 s2, s16  }
0x8e: {  	[smem:$0x3F99] =	sst s2  }
0x8f: {  	_ = 	snop  }
0x90: {  	(tm) =	ssettm $0x1  }
0x91: {  	s17 =	sld [smem:$0x3FFB];
	_ =	sdelay $0x3  }
0x92: {  	_ =	strace s17  }
0x93: {  	s2 =	sld [smem:$0x3FFC];
	_ =	sdelay $0x3  }
0x94: {  	_ =	strace s2  }
0x95: {  	s2 =	sld [smem:$0x3FFD];
	_ =	sdelay $0x3  }
0x96: {  	_ =	strace s2  }
0x97: {  	_ =	strace $0x8FFFFFFF  }
0x98: {  	s18 =	sld [smem:$0x3FDB];
	_ =	sdelay $0x1  }
0x99: {  	s19 =	simm.s32 $_scs_section_size  }
0x9a: {  	s4 =	simm.s32 $_size__tile_overlayer_lowered;
	s5 =	simm.s32 $_tile_overlayer_lowered  }
0x9b: {  	s22 =	simm.s32 $0x1BFF;
	s21 =	sshll.u32 s5, $0x1;
	s2 =	sadd.s32 s19, s18  }
0x9c: {  	s6 =	simm.s32 $0x0;
	s20 =	sshll.u32 s4, $0x1;
	s4 =	sadd.s32 s21, s2  }
0x9d: {  	[timem:s6], [sflag:s22] =	dma.local [hbm:s4], s20  }
0x9e: {  	_ =	swait.ge [sflag:s22], s20  }
0x9f: {  	s3 =	ssub.s32 $0x0, s20;
	[sflag:s22] =	ssyncset.done $0x0  }
0xa0: {  	[sflag:s22] =	ssyncadd.s32 s3;
	_ =	sdelay $0x1  }
0xa1: {  	s23 =	simm.s32 $0x1B8B  }
0xa2: {  	_ =	swait.ge [sflag:s23], $0x1  }
0xa3: {  	[sflag:s23] =	ssyncset.done $0x0  }
0xa4: {  	s25 =	simm.s32 $0x1B8E;
	s24 =	sld [smem:$0x3FFE];
	[sflag:s23] =	ssyncadd.s32 $0xFFFFFFFF  }
0xa5: {  	s26 =	simm.s32 $execute0_lowered;
	[smem:$0x3FD2] =	sst s25  }
0xa6: {  	s4 =	sshll.u32 s26, $0x1;
	_ =	strace $0x80000049;
	[dreg:$0x1] =	wrdreg $0xFFFFFFFF  }
0xa7: {  	s28 =	simm.s32 $_size_execute0_lowered;
	s2 =	sadd.s32 s2, s4;
	[dreg:$0x0] =	wrdreg $0x0  }
0xa8: {  	s4 =	sshll.u32 s28, $0x1;
	[dreg:$0x2] =	wrdreg s2  }
0xa9: {  	[dreg:$0x3] =	wrdreg s4  }
0xaa: {  	[dreg:$0x4] =	wrdreg $0xC0  }
0xab: {  	_ =	task [dreg:s6], $0x5FFFF  }
0xac: {  	[dreg:$0x1] =	wrdreg $0xFFFFFFFF  }
0xad: {  	[dreg:$0x0] =	wrdreg $0x60  }
0xae: {  	[dreg:$0x2] =	wrdreg s24  }
0xaf: {  	[dreg:$0x3] =	wrdreg $0x38000  }
0xb0: {  	[dreg:$0x4] =	wrdreg $0x9  }
0xb1: {  	_ =	task.clear_ibuf [dreg:s6], $0x5FFFF;
	_ =	strace $0x90000049  }
0xb2: {  	s29 =	simm.s32 $0x9;
	_ =	strace $0x8000004B  }
0xb3: {  	_ =	swait.ge [sflag:s29], $0x1  }
0xb4: {  	[sflag:s29] =	ssyncadd.s32 $0xFFFFFFFF  }
0xb5: {  	_ =	strace $0x9000004B  }
0xb6: {  	_ =	sfence  }
0xb7: {  	s30 =	sld [smem:$0x0];
	_ =	sdelay $0x2  }
0xb8: {  	s31 =	sshll.u32 s1, $0xD;
	s1 =	sshrl.u32 s1, $0x2  }
0xb9: {  	s3 =	sand.u32 $0x4000, s31;
	s1 =	sadd.s32 s1, s30  }
0xba: {  	s0 =	sor.u32 s3, s0;
	s1 =	sshll.u32 s1, $0x11  }
0xbb: {  	s0 =	sor.u32 s1, s0  }
0xbc: {  	s0 =	sadd.s32 $0x8F2B, s0  }
0xbd: {  	[sflag:s0] =	ssyncadd.remote.s32 $0x1  }
0xbe: {  	_ =	sfence.sel $0xFFFF  }
0xbf: {  	[dreg:$0x0] =	wrdreg $0xFFFFFFFF;
	(pc) =	sbr.abs _section_cstart, $3  }
0xc0: {  	[dreg:$0x1] =	wrdreg $0xFFFFFFFF  }
0xc1: {  	_ =	task.clear_ibuf [dreg:s6], $0x2FFFF;
	_ =	strace $0x9FFFFFFF  }
0xc2: {  	(tm) =	ssettm $0x7FFFFFFF  }
0xc3: {  	_ =	shalt  }
tec
execute0_lowered:
.L_overlay_start_1:
0x0: {  	(tag) =	ssettag $0x1  }
0x1: {  	s7 =	rddreg [dreg:$0x0]  }
0x2: {  	s2 =	rddreg [dreg:$0x1]  }
0x3: {  	s0 =	rddreg [dreg:$0x2];
	s3 =	simm.s32 $0x0  }
0x4: {  	s1 =	stileid.u32;
	s4 =	srdreg.scid;
	s15 =	simm.s32 $0x80  }
0x5: {  	s16 =	simm.s32 $0x2800;
	s17 =	simm.s32 $0x1;
	[smem:$0x7FF] =	sst s3  }
0x6: {  	s8 =	smul.u32 $0x18700, s1;
	s9 =	sand.u32 $0x1, s4;
	s4 =	sadd.s32 $0xCBA00, s7  }
0x7: {  	s5 =	sadd.s32 $0x247400, s7;
	s6 =	sadd.s32 $0x22E400, s7;
	s13 =	sshll.u32 s1, $0x6  }
0x8: {  	_ =	strace $0x8000004A;
	s10 =	smul.u32 $0x187000, s9;
	s12 =	ssub.s32 $0x2, s9  }
0x9: {  	s9 =	sshll.u32 s9, $0x4;
	s11 =	sshrl.u32 s8, $0x3;
	s31 =	sshrl.u32 s12, $0x1  }
0xa: {  	s9 =	sor.u32 s1, s9;
	s14 =	sadd.s32 s8, s2;
	s10 =	sadd.s32 s8, s10  }
0xb: {  	s11 =	sadd.s32 s11, s7;
	s12 =	ssub.s32 s12, s31;
	s8 =	sor.u32 $0x1C02, s13  }
0xc: {  	s9 =	smul.u32 $0xC8, s9;
	s13 =	simm.s32 $0x2;
	s10 =	sshrl.u32 s10, $0x3  }
0xd: {  	s10 =	sadd.s32 s10, s7;
	s7 =	sadd.s32 $0xFC800, s11;
	s11 =	smax.u32 s12, $0x1  }
0xe: {  	s12 =	sshrl.u32 s14, $0x3;
	s14 =	simm.s32 $0x1400;
	s10 =	sadd.s32 $0x12D600, s10  }
.LBB2_1:
0xf: {  	[spmem:s12], [sflag:s8] =	dma.local [hbm:s7], $0x30E0  }
0x10: {  	_ =	swait.ge [sflag:s13], $0x30E0  }
0x11: {  	[sflag:s13] =	ssyncset.done $0x0  }
0x12: {  	[sflag:s13] =	ssyncadd.s32 $0xFFFFCF20  }
0x13: {  	s18 =	simm.s32 $0x0;
	[bflag:$0x0] =	sbarrier.arrive $0xFFFF  }
.LBB2_2:
0x14: {  	s19 =	smul.u32 $0x28, s18;
	_ =	sdelay $0x1  }
0x15: {  	s19 =	sadd.s32 s9, s19  }
0x16: {  	s19 =	sshll.u32 s19, $0x4  }
0x17: {  	s21 =	simm.s32 $0x0;
	s20 =	sadd.s32 s5, s19  }
0x18: {  	[tilespmem:s21], [sflag:$0x2] =	stream.linear.gather [hbm4b:s20+s21], $0x1400, $0x38;
	[tilespmem:$0x1BF00] =	vst v63  }
0x19: {  	_ =	swait.ge [sflag:s13], $0x1400  }
0x1a: {  	[sflag:s13] =	ssyncset.done $0x0  }
0x1b: {  	s19 =	sadd.s32 s6, s19;
	[sflag:s13] =	ssyncadd.s32 $0xFFFFEC00  }
0x1c: {  	[tilespmem:s14], [sflag:$0x2] =	stream.linear.gather [hbm4b:s19+s21], $0x1400, $0x38;
	[tilespmem:$0x1BF00] =	vst v63  }
0x1d: {  	_ =	swait.ge [sflag:s13], $0x1400  }
0x1e: {  	[sflag:s13] =	ssyncset.done $0x0  }
0x1f: {  	s30 =	simm.s32 $0x0;
	[sflag:s13] =	ssyncadd.s32 $0xFFFFEC00  }
0x20: {  	[tilespmem:s16], [sflag:$0x1] =	stream.indirect.gather [hbm4b:s4+s15], $0x20, s30, s15, $0xb8;
	[tilespmem:$0x1BF00] =	vst v63  }
0x21: {  	_ =	swait.ge [sflag:s17], $0x1000  }
0x22: {  	[sflag:s17] =	ssyncset.done $0x0  }
0x23: {  	s31 =	simm.s32 $0x1400;
	[sflag:s17] =	ssyncadd.s32 $0xFFFFF000  }
0x24: {  	[spmem:s2] =	stream.indirect.scatter.add.f32 [tilespmem:s16], [sflag:$0x2], $0x20, s31, s15, $0xb8;
	[tilespmem:$0x1BF00] =	vst v63  }
0x25: {  	_ =	swait.ge [sflag:s13], $0x1000  }
0x26: {  	s20 =	simm.s32 $0x400;
	s19 =	simm.s32 $0x200;
	[sflag:s13] =	ssyncset.done $0x0  }
.LBB2_3:
0x27: {  	s21 =	sshra.s32 s19, $0x2  }
0x28: {  	[sflag:s13] =	ssyncadd.s32 $0xFFFFF000;
	s19 =	smov.u32 s20;
	s22 =	sadd.s32 $0x200, s20  }
0x29: {  	[tilespmem:s16], [sflag:$0x1] =	stream.indirect.gather [hbm4b:s4+s15], $0x20, s21, s15, $0xb8;
	[tilespmem:$0x1BF00] =	vst v63  }
0x2a: {  	p0 =	sne.s32 s20, $0x4E00;
	_ =	swait.ge [sflag:s17], $0x1000  }
.Ltmp0:
0x2b: {  	[sflag:s17] =	ssyncset.done $0x0;
	(pc) =	sbr.rel @p0 .LBB2_3-.Ltmp0, $4  }
0x2c: {  	s20 =	sadd.s32 $0x1400, s21;
	[sflag:s17] =	ssyncadd.s32 $0xFFFFF000  }
0x2d: {  	[spmem:s2] =	stream.indirect.scatter.add.f32 [tilespmem:s16], [sflag:$0x2], $0x20, s20, s15, $0xb8;
	[tilespmem:$0x1BF00] =	vst v63  }
0x2e: {  	_ =	swait.ge [sflag:s13], $0x1000  }
0x2f: {  	s20 =	smov.u32 s22;
	[sflag:s13] =	ssyncset.done $0x0  }
0x30: {  	s19 =	sshra.s32 s19, $0x2;
	[sflag:s13] =	ssyncadd.s32 $0xFFFFF000  }
0x31: {  	[tilespmem:s16], [sflag:$0x1] =	stream.indirect.gather [hbm4b:s4+s15], $0x20, s19, s15, $0xb8;
	[tilespmem:$0x1BF00] =	vst v63  }
0x32: {  	s18 =	sadd.s32 $0x1, s18;
	_ =	swait.ge [sflag:s17], $0x1000  }
0x33: {  	p0 =	sne.s32 s18, $0x5;
	[sflag:s17] =	ssyncset.done $0x0  }
.Ltmp1:
0x34: {  	s19 =	sadd.s32 $0x1400, s19;
	[sflag:s17] =	ssyncadd.s32 $0xFFFFF000;
	(pc) =	sbr.rel @p0 .LBB2_2-.Ltmp1, $4  }
0x35: {  	[spmem:s2] =	stream.indirect.scatter.add.f32 [tilespmem:s16], [sflag:$0x2], $0x20, s19, s15, $0xb8;
	[tilespmem:$0x1BF00] =	vst v63  }
0x36: {  	_ =	swait.ge [sflag:s13], $0x1000  }
0x37: {  	[sflag:s13] =	ssyncset.done $0x0  }
0x38: {  	[sflag:s13] =	ssyncadd.s32 $0xFFFFF000  }
0x39: {  	s3 =	sadd.s32 $0x1, s3  }
0x3a: {  	p0 =	sne.s32 s3, s11  }
.Ltmp2:
0x3b: {  	[bflag:$0x0] =	sbarrier.arrive $0xFFFF;
	(pc) =	sbr.rel @p0 .LBB2_1-.Ltmp2, $4  }
0x3c: {  	[hbm:s10], [sflag:s8] =	dma.local [spmem:s12], $0x30E0  }
0x3d: {  	_ =	swait.ge [sflag:s13], $0x30E0  }
0x3e: {  	[sflag:s13] =	ssyncset.done $0x0  }
0x3f: {  	[sflag:s13] =	ssyncadd.s32 $0xFFFFCF20  }
0x40: {  	_ =	sfence.sel $0x180000  }
0x41: {  	[bflag:$0x0] =	sbarrier.arrive $0xFFFF  }
0x42: {  	p0 =	sne.s32 s1, $0x0;
	_ =	strace $0x9000004A  }
0x43: {  	s0 =	sadd.s32 @!p0 $0x100000, s0;
	[bflag:$0x2] =	sbarrier.arrive $0xFFFF  }
0x44: {  	[sflag:s0] =	ssyncadd.tile.s32 @!p0 $0x1;
	_ =	shalt  }
.Lfunc_end2:
_tile_overlayer_lowered:
.L_overlay_start_2:
0x45: {  	(tag) =	ssettag $0x2  }
0x46: {  	s0 =	rddreg [dreg:$0x0];
	s2 =	stileid.u32  }
0x47: {  	s1 =	rddreg [dreg:$0x1];
	p0 =	sne.s32 s2, $0x0  }
0x48: {  	s3 =	rddreg [dreg:$0x2];
	[bflag:$0x3] =	sbarrier.arrive $0xFFFF;
	s2 =	simm.s32 @!p0 $0x1C02  }
0x49: {  	[timem:s3], [sflag:s2] =	dma.local @!p0 [hbm:s0], s1  }
0x4a: {  	s0 =	simm.s32 @!p0 $0x2  }
0x4b: {  	_ =	swait.ge @!p0 [sflag:s0], s1  }
0x4c: {  	s1 =	ssub.s32 @!p0 $0x0, s1;
	[sflag:s0] =	ssyncset.done @!p0 $0x0  }
0x4d: {  	[sflag:s0] =	ssyncadd.s32 @!p0 s1  }
0x4e: {  	[bflag:$0x3] =	sbarrier.arrive $0xFFFF  }
0x4f: {  	_ =	shalt  }

// kernel: kernel.30.cloned.1.call-start
scs
__scs_entry_jumppad:
0x0: {  	(pc) =	sbr.rel $0x88, $3  }
0x1: {  	(tag) =	ssettag $0x0;
	lr =	simm.s32 $0x1  }
0x2: {  	[smem:$0x3F72] =	sst lr;
	_ =	strace $0xD0000000  }
0x3: {  	_ = 	snop  }
0x4: {  	_ = 	snop  }
0x5: {  	_ = 	snop  }
0x6: {  	_ = 	snop  }
0x7: {  	_ = 	snop  }
__scs_overlays_trampoline_lowered:
0x8: {  	[smem:$0x3F81] =	sst s0  }
0x9: {  	[smem:$0x3F82] =	sst s1  }
0xa: {  	[smem:$0x3F83] =	sst s2  }
0xb: {  	[smem:$0x3F84] =	sst s3  }
0xc: {  	[smem:$0x3F85] =	sst s4  }
0xd: {  	[smem:$0x3F86] =	sst s5  }
0xe: {  	[smem:$0x3F87] =	sst s6  }
0xf: {  	[smem:$0x3F88] =	sst s7  }
0x10: {  	[smem:$0x3F89] =	sst s8  }
0x11: {  	[smem:$0x3F8A] =	sst s9;
	s0 =	simm.s32 @!p0 $0x0  }
0x12: {  	s1 =	sld [smem:$0x3F70];
	s0 =	simm.s32 @p0 $0x1  }
0x13: {  	[smem:$0x3F8B] =	sst s0;
	s0 =	simm.s32 @!p1 $0x0  }
0x14: {  	s2 =	sld [smem:$0x3F6F];
	s0 =	simm.s32 @p1 $0x1  }
0x15: {  	[smem:$0x3F8C] =	sst s0;
	s0 =	simm.s32 @!p2 $0x0  }
0x16: {  	s3 =	sld [smem:$0x3FDB];
	s0 =	simm.s32 @p2 $0x1  }
0x17: {  	s4 =	simm.s32 $0x1BF5;
	[smem:$0x3F8E] =	sst s0  }
0x18: {  	s0 =	sld [smem:$0x3F71];
	_ =	swait.ge [sflag:s4], $0x0  }
0x19: {  	s7 =	sld [smem:$0x3F72]  }
0x1a: {  	s8 =	sadd.s32 $0xFFFFE003, lr  }
0x1b: {  	s9 =	sadd.s32 $0xFFFFFEF7, lr;
	s5 =	simm.s32 $0xFFFFFFFF;
	p2 =	slt.u32 s8, $0xFFFFF086  }
0x1c: {  	p1 =	slt.u32 s9, $0xF7A;
	s5 =	simm.s32 @!p2 $0x0  }
0x1d: {  	s5 =	simm.s32 @p1 $0x1;
	p0 =	seq.s32 s7, s2  }
0x1e: {  	s7 =	smul.u32 @!p0 $0xF7A, s2;
	p2 =	seq.s32 @!p0 s5, $0x0  }
0x1f: {  	s9 =	smul.u32 $0xF7A, s1;
	s8 =	simm.s32 @!p0 $0x1BF5;
	p2 =	por !p2, p0  }
0x20: {  	[sflag:s8] =	ssyncset.s32 @!p0 $0xFFFFF086;
	s6 =	sadd.s32 @!p0 s3, s7;
	s7 =	simm.s32 @!p0 $0x108  }
0x21: {  	s3 =	sadd.s32 s3, s9;
	s6 =	sadd.s32 @!p0 $0x88, s6;
	s7 =	simm.s32 @p2 $0x1082  }
0x22: {  	[simem:s7], [sflag:s8] =	dma.local @!p0 [hbm:s6], $0xF7A  }
0x23: {  	s9 =	sor.u32 $0xD0000000, s2;
	s6 =	simm.s32 $0x108;
	_ =	swait.ge @!p0 [sflag:s8], $0x0  }
0x24: {  	s3 =	sadd.s32 $0x88, s3;
	s6 =	simm.s32 @!p1 $0x1082;
	[sflag:s4] =	ssyncset.s32 $0xFFFFF086  }
0x25: {  	[simem:s6], [sflag:s4] =	dma.local [hbm:s3], $0xF7A  }
0x26: {  	[smem:$0x3F72] =	sst s1;
	(tag) =	ssettag s2;
	_ =	strace s9  }
0x27: {  	s1 =	sld [smem:$0x3F82]  }
0x28: {  	s2 =	sld [smem:$0x3F83]  }
0x29: {  	s4 =	sld [smem:$0x3F85]  }
0x2a: {  	p0 =	seq.s32 s5, $0x0;
	s5 =	sld [smem:$0x3F86]  }
0x2b: {  	s6 =	sld [smem:$0x3F87]  }
0x2c: {  	s7 =	sld [smem:$0x3F88]  }
0x2d: {  	s3 =	simm.s32 $0x108;
	s8 =	sld [smem:$0x3F89]  }
0x2e: {  	s3 =	simm.s32 @!p0 $0x1082;
	s9 =	sld [smem:$0x3F8A]  }
0x2f: {  	lr =	sadd.s32 s0, s3;
	s0 =	sld [smem:$0x3F81]  }
0x30: {  	s3 =	sld [smem:$0x3F84]  }
0x31: {  	[smem:$0x3F8D] =	sst s10  }
0x32: {  	s10 =	sld [smem:$0x3F8B];
	_ =	sdelay $0x3  }
0x33: {  	p0 =	seq.s32 s10, $0x1;
	s10 =	sld [smem:$0x3F8D];
	_ =	sdelay $0x3  }
0x34: {  	[smem:$0x3F8D] =	sst s10  }
0x35: {  	s10 =	sld [smem:$0x3F8C];
	_ =	sdelay $0x3  }
0x36: {  	p1 =	seq.s32 s10, $0x1;
	s10 =	sld [smem:$0x3F8D];
	_ =	sdelay $0x3  }
0x37: {  	[smem:$0x3F8D] =	sst s10  }
0x38: {  	s10 =	sld [smem:$0x3F8E]  }
0x39: {  	_ = 	snop;
	(pc) =	sbr.ind lr, $3  }
0x3a: {  	_ = 	snop  }
0x3b: {  	_ = 	snop  }
0x3c: {  	p2 =	seq.s32 s10, $0x1;
	s10 =	sld [smem:$0x3F8D]  }
0x3d: {  	_ =	shalt  }
0x3e: {  	_ =	shalt  }
0x3f: {  	_ =	shalt  }
0x40: {  	_ =	shalt  }
0x41: {  	_ =	shalt  }
0x42: {  	_ =	shalt  }
0x43: {  	_ =	shalt  }
0x44: {  	_ =	shalt  }
0x45: {  	_ =	shalt  }
0x46: {  	_ =	shalt  }
0x47: {  	_ =	shalt  }
0x48: {  	_ =	shalt  }
0x49: {  	_ =	shalt  }
0x4a: {  	_ =	shalt  }
0x4b: {  	_ =	shalt  }
0x4c: {  	_ =	shalt  }
0x4d: {  	_ =	shalt  }
0x4e: {  	_ =	shalt  }
0x4f: {  	_ =	shalt  }
0x50: {  	_ =	shalt  }
0x51: {  	_ =	shalt  }
0x52: {  	_ =	shalt  }
0x53: {  	_ =	shalt  }
0x54: {  	_ =	shalt  }
0x55: {  	_ =	shalt  }
0x56: {  	_ =	shalt  }
0x57: {  	_ =	shalt  }
0x58: {  	_ =	shalt  }
0x59: {  	_ =	shalt  }
0x5a: {  	_ =	shalt  }
0x5b: {  	_ =	shalt  }
0x5c: {  	_ =	shalt  }
0x5d: {  	_ =	shalt  }
0x5e: {  	_ =	shalt  }
0x5f: {  	_ =	shalt  }
0x60: {  	_ =	shalt  }
0x61: {  	_ =	shalt  }
0x62: {  	_ =	shalt  }
0x63: {  	_ =	shalt  }
0x64: {  	_ =	shalt  }
0x65: {  	_ =	shalt  }
0x66: {  	_ =	shalt  }
0x67: {  	_ =	shalt  }
0x68: {  	_ =	shalt  }
0x69: {  	_ =	shalt  }
0x6a: {  	_ =	shalt  }
0x6b: {  	_ =	shalt  }
0x6c: {  	_ =	shalt  }
0x6d: {  	_ =	shalt  }
0x6e: {  	_ =	shalt  }
0x6f: {  	_ =	shalt  }
0x70: {  	_ =	shalt  }
0x71: {  	_ =	shalt  }
0x72: {  	_ =	shalt  }
0x73: {  	_ =	shalt  }
0x74: {  	_ =	shalt  }
0x75: {  	_ =	shalt  }
0x76: {  	_ =	shalt  }
0x77: {  	_ =	shalt  }
0x78: {  	_ =	shalt  }
0x79: {  	_ =	shalt  }
0x7a: {  	_ =	shalt  }
0x7b: {  	_ =	shalt  }
0x7c: {  	_ =	shalt  }
0x7d: {  	_ =	shalt  }
0x7e: {  	_ =	shalt  }
0x7f: {  	_ =	shalt  }
0x80: {  	_ =	shalt  }
0x81: {  	_ =	shalt  }
0x82: {  	_ =	shalt  }
0x83: {  	_ =	shalt  }
0x84: {  	_ =	shalt  }
0x85: {  	_ =	shalt  }
0x86: {  	_ =	shalt  }
0x87: {  	_ =	shalt  }
.Lfunc_end0:
.L_simem_size_0:
called_computation.2_lowered:
.L_overlay_start_0:
0x88: {  	s2 =	sld [smem:$0x3FD9]  }
0x89: {  	s3 =	sld [smem:$0x3FFE];
	_ =	sdelay $0x1  }
0x8a: {  	s1 =	srdreg.scid  }
0x8b: {  	s0 =	sand.u32 $0x1, s1  }
0x8c: {  	s16 =	sshll.u32 s0, $0xA;
	s2 =	sadd.s32 s3, s2  }
0x8d: {  	s2 =	sadd.s32 s2, s16  }
0x8e: {  	[smem:$0x3F99] =	sst s2  }
0x8f: {  	_ = 	snop  }
0x90: {  	(tm) =	ssettm $0x1  }
0x91: {  	s17 =	sld [smem:$0x3FFB];
	_ =	sdelay $0x3  }
0x92: {  	_ =	strace s17  }
0x93: {  	s2 =	sld [smem:$0x3FFC];
	_ =	sdelay $0x3  }
0x94: {  	_ =	strace s2  }
0x95: {  	s2 =	sld [smem:$0x3FFD];
	_ =	sdelay $0x3  }
0x96: {  	_ =	strace s2  }
0x97: {  	_ =	strace $0x8FFFFFFF  }
0x98: {  	s18 =	sld [smem:$0x3FDB];
	_ =	sdelay $0x1  }
0x99: {  	s19 =	simm.s32 $_scs_section_size  }
0x9a: {  	s4 =	simm.s32 $_size__tile_overlayer_lowered;
	s5 =	simm.s32 $_tile_overlayer_lowered  }
0x9b: {  	s22 =	simm.s32 $0x1BFF;
	s21 =	sshll.u32 s5, $0x1;
	s2 =	sadd.s32 s19, s18  }
0x9c: {  	s6 =	simm.s32 $0x0;
	s20 =	sshll.u32 s4, $0x1;
	s4 =	sadd.s32 s21, s2  }
0x9d: {  	[timem:s6], [sflag:s22] =	dma.local [hbm:s4], s20  }
0x9e: {  	_ =	swait.ge [sflag:s22], s20  }
0x9f: {  	s3 =	ssub.s32 $0x0, s20;
	[sflag:s22] =	ssyncset.done $0x0  }
0xa0: {  	[sflag:s22] =	ssyncadd.s32 s3;
	_ =	sdelay $0x1  }
0xa1: {  	s23 =	simm.s32 $0x1B8B  }
0xa2: {  	_ =	swait.ge [sflag:s23], $0x1  }
0xa3: {  	[sflag:s23] =	ssyncset.done $0x0  }
0xa4: {  	s25 =	simm.s32 $0x1B8E;
	s24 =	sld [smem:$0x3FFE];
	[sflag:s23] =	ssyncadd.s32 $0xFFFFFFFF  }
0xa5: {  	s26 =	simm.s32 $execute0_lowered;
	[smem:$0x3FD2] =	sst s25  }
0xa6: {  	s4 =	sshll.u32 s26, $0x1;
	_ =	strace $0x8000004C;
	[dreg:$0x1] =	wrdreg $0xFFFFFFFF  }
0xa7: {  	s28 =	simm.s32 $_size_execute0_lowered;
	s2 =	sadd.s32 s2, s4;
	[dreg:$0x0] =	wrdreg $0x0  }
0xa8: {  	s4 =	sshll.u32 s28, $0x1;
	[dreg:$0x2] =	wrdreg s2  }
0xa9: {  	[dreg:$0x3] =	wrdreg s4  }
0xaa: {  	[dreg:$0x4] =	wrdreg $0xC0  }
0xab: {  	_ =	task [dreg:s6], $0x5FFFF  }
0xac: {  	[dreg:$0x1] =	wrdreg $0xFFFFFFFF  }
0xad: {  	[dreg:$0x0] =	wrdreg $0x60  }
0xae: {  	[dreg:$0x2] =	wrdreg s24  }
0xaf: {  	[dreg:$0x3] =	wrdreg $0x38000  }
0xb0: {  	[dreg:$0x4] =	wrdreg $0x9  }
0xb1: {  	_ =	task.clear_ibuf [dreg:s6], $0x5FFFF;
	_ =	strace $0x9000004C  }
0xb2: {  	s29 =	simm.s32 $0x9;
	_ =	strace $0x8000004E  }
0xb3: {  	_ =	swait.ge [sflag:s29], $0x1  }
0xb4: {  	[sflag:s29] =	ssyncadd.s32 $0xFFFFFFFF  }
0xb5: {  	_ =	strace $0x9000004E  }
0xb6: {  	_ =	sfence  }
0xb7: {  	s30 =	sld [smem:$0x0];
	_ =	sdelay $0x2  }
0xb8: {  	s31 =	sshll.u32 s1, $0xD;
	s1 =	sshrl.u32 s1, $0x2  }
0xb9: {  	s3 =	sand.u32 $0x4000, s31;
	s1 =	sadd.s32 s1, s30  }
0xba: {  	s0 =	sor.u32 s3, s0;
	s1 =	sshll.u32 s1, $0x11  }
0xbb: {  	s0 =	sor.u32 s1, s0  }
0xbc: {  	s0 =	sadd.s32 $0x8F2B, s0  }
0xbd: {  	[sflag:s0] =	ssyncadd.remote.s32 $0x1  }
0xbe: {  	_ =	sfence.sel $0xFFFF  }
0xbf: {  	[dreg:$0x0] =	wrdreg $0xFFFFFFFF;
	(pc) =	sbr.abs _section_cstart, $3  }
0xc0: {  	[dreg:$0x1] =	wrdreg $0xFFFFFFFF  }
0xc1: {  	_ =	task.clear_ibuf [dreg:s6], $0x2FFFF;
	_ =	strace $0x9FFFFFFF  }
0xc2: {  	(tm) =	ssettm $0x7FFFFFFF  }
0xc3: {  	_ =	shalt  }
tec
execute0_lowered:
.L_overlay_start_1:
0x0: {  	(tag) =	ssettag $0x1  }
0x1: {  	s7 =	rddreg [dreg:$0x0]  }
0x2: {  	s2 =	rddreg [dreg:$0x1]  }
0x3: {  	s0 =	rddreg [dreg:$0x2];
	s3 =	simm.s32 $0x0  }
0x4: {  	s1 =	stileid.u32;
	s4 =	srdreg.scid;
	s15 =	simm.s32 $0x80  }
0x5: {  	s16 =	simm.s32 $0x2800;
	s17 =	simm.s32 $0x1;
	[smem:$0x7FF] =	sst s3  }
0x6: {  	s8 =	smul.u32 $0x18700, s1;
	s9 =	sand.u32 $0x1, s4;
	s4 =	sadd.s32 $0xCBA00, s7  }
0x7: {  	s5 =	sadd.s32 $0x247400, s7;
	s6 =	sadd.s32 $0x22E400, s7;
	s13 =	sshll.u32 s1, $0x6  }
0x8: {  	_ =	strace $0x8000004D;
	s10 =	smul.u32 $0x187000, s9;
	s12 =	ssub.s32 $0x2, s9  }
0x9: {  	s9 =	sshll.u32 s9, $0x4;
	s11 =	sshrl.u32 s8, $0x3;
	s31 =	sshrl.u32 s12, $0x1  }
0xa: {  	s9 =	sor.u32 s1, s9;
	s14 =	sadd.s32 s8, s2;
	s10 =	sadd.s32 s8, s10  }
0xb: {  	s11 =	sadd.s32 s11, s7;
	s12 =	ssub.s32 s12, s31;
	s8 =	sor.u32 $0x1C02, s13  }
0xc: {  	s9 =	smul.u32 $0xC8, s9;
	s13 =	simm.s32 $0x2;
	s10 =	sshrl.u32 s10, $0x3  }
0xd: {  	s10 =	sadd.s32 s10, s7;
	s7 =	sadd.s32 $0xFC800, s11;
	s11 =	smax.u32 s12, $0x1  }
0xe: {  	s12 =	sshrl.u32 s14, $0x3;
	s14 =	simm.s32 $0x1400;
	s10 =	sadd.s32 $0x12D600, s10  }
.LBB2_1:
0xf: {  	[spmem:s12], [sflag:s8] =	dma.local [hbm:s7], $0x30E0  }
0x10: {  	_ =	swait.ge [sflag:s13], $0x30E0  }
0x11: {  	[sflag:s13] =	ssyncset.done $0x0  }
0x12: {  	[sflag:s13] =	ssyncadd.s32 $0xFFFFCF20  }
0x13: {  	s18 =	simm.s32 $0x0;
	[bflag:$0x0] =	sbarrier.arrive $0xFFFF  }
.LBB2_2:
0x14: {  	s19 =	smul.u32 $0x28, s18;
	_ =	sdelay $0x1  }
0x15: {  	s19 =	sadd.s32 s9, s19  }
0x16: {  	s19 =	sshll.u32 s19, $0x4  }
0x17: {  	s21 =	simm.s32 $0x0;
	s20 =	sadd.s32 s5, s19  }
0x18: {  	[tilespmem:s21], [sflag:$0x2] =	stream.linear.gather [hbm4b:s20+s21], $0x1400, $0x38;
	[tilespmem:$0x1BF00] =	vst v63  }
0x19: {  	_ =	swait.ge [sflag:s13], $0x1400  }
0x1a: {  	[sflag:s13] =	ssyncset.done $0x0  }
0x1b: {  	s19 =	sadd.s32 s6, s19;
	[sflag:s13] =	ssyncadd.s32 $0xFFFFEC00  }
0x1c: {  	[tilespmem:s14], [sflag:$0x2] =	stream.linear.gather [hbm4b:s19+s21], $0x1400, $0x38;
	[tilespmem:$0x1BF00] =	vst v63  }
0x1d: {  	_ =	swait.ge [sflag:s13], $0x1400  }
0x1e: {  	[sflag:s13] =	ssyncset.done $0x0  }
0x1f: {  	s30 =	simm.s32 $0x0;
	[sflag:s13] =	ssyncadd.s32 $0xFFFFEC00  }
0x20: {  	[tilespmem:s16], [sflag:$0x1] =	stream.indirect.gather [hbm4b:s4+s15], $0x20, s30, s15, $0xb8;
	[tilespmem:$0x1BF00] =	vst v63  }
0x21: {  	_ =	swait.ge [sflag:s17], $0x1000  }
0x22: {  	[sflag:s17] =	ssyncset.done $0x0  }
0x23: {  	s31 =	simm.s32 $0x1400;
	[sflag:s17] =	ssyncadd.s32 $0xFFFFF000  }
0x24: {  	[spmem:s2] =	stream.indirect.scatter.add.f32 [tilespmem:s16], [sflag:$0x2], $0x20, s31, s15, $0xb8;
	[tilespmem:$0x1BF00] =	vst v63  }
0x25: {  	_ =	swait.ge [sflag:s13], $0x1000  }
0x26: {  	s20 =	simm.s32 $0x400;
	s19 =	simm.s32 $0x200;
	[sflag:s13] =	ssyncset.done $0x0  }
.LBB2_3:
0x27: {  	s21 =	sshra.s32 s19, $0x2  }
0x28: {  	[sflag:s13] =	ssyncadd.s32 $0xFFFFF000;
	s19 =	smov.u32 s20;
	s22 =	sadd.s32 $0x200, s20  }
0x29: {  	[tilespmem:s16], [sflag:$0x1] =	stream.indirect.gather [hbm4b:s4+s15], $0x20, s21, s15, $0xb8;
	[tilespmem:$0x1BF00] =	vst v63  }
0x2a: {  	p0 =	sne.s32 s20, $0x4E00;
	_ =	swait.ge [sflag:s17], $0x1000  }
.Ltmp0:
0x2b: {  	[sflag:s17] =	ssyncset.done $0x0;
	(pc) =	sbr.rel @p0 .LBB2_3-.Ltmp0, $4  }
0x2c: {  	s20 =	sadd.s32 $0x1400, s21;
	[sflag:s17] =	ssyncadd.s32 $0xFFFFF000  }
0x2d: {  	[spmem:s2] =	stream.indirect.scatter.add.f32 [tilespmem:s16], [sflag:$0x2], $0x20, s20, s15, $0xb8;
	[tilespmem:$0x1BF00] =	vst v63  }
0x2e: {  	_ =	swait.ge [sflag:s13], $0x1000  }
0x2f: {  	s20 =	smov.u32 s22;
	[sflag:s13] =	ssyncset.done $0x0  }
0x30: {  	s19 =	sshra.s32 s19, $0x2;
	[sflag:s13] =	ssyncadd.s32 $0xFFFFF000  }
0x31: {  	[tilespmem:s16], [sflag:$0x1] =	stream.indirect.gather [hbm4b:s4+s15], $0x20, s19, s15, $0xb8;
	[tilespmem:$0x1BF00] =	vst v63  }
0x32: {  	s18 =	sadd.s32 $0x1, s18;
	_ =	swait.ge [sflag:s17], $0x1000  }
0x33: {  	p0 =	sne.s32 s18, $0x5;
	[sflag:s17] =	ssyncset.done $0x0  }
.Ltmp1:
0x34: {  	s19 =	sadd.s32 $0x1400, s19;
	[sflag:s17] =	ssyncadd.s32 $0xFFFFF000;
	(pc) =	sbr.rel @p0 .LBB2_2-.Ltmp1, $4  }
0x35: {  	[spmem:s2] =	stream.indirect.scatter.add.f32 [tilespmem:s16], [sflag:$0x2], $0x20, s19, s15, $0xb8;
	[tilespmem:$0x1BF00] =	vst v63  }
0x36: {  	_ =	swait.ge [sflag:s13], $0x1000  }
0x37: {  	[sflag:s13] =	ssyncset.done $0x0  }
0x38: {  	[sflag:s13] =	ssyncadd.s32 $0xFFFFF000  }
0x39: {  	s3 =	sadd.s32 $0x1, s3  }
0x3a: {  	p0 =	sne.s32 s3, s11  }
.Ltmp2:
0x3b: {  	[bflag:$0x0] =	sbarrier.arrive $0xFFFF;
	(pc) =	sbr.rel @p0 .LBB2_1-.Ltmp2, $4  }
0x3c: {  	[hbm:s10], [sflag:s8] =	dma.local [spmem:s12], $0x30E0  }
0x3d: {  	_ =	swait.ge [sflag:s13], $0x30E0  }
0x3e: {  	[sflag:s13] =	ssyncset.done $0x0  }
0x3f: {  	[sflag:s13] =	ssyncadd.s32 $0xFFFFCF20  }
0x40: {  	_ =	sfence.sel $0x180000  }
0x41: {  	[bflag:$0x0] =	sbarrier.arrive $0xFFFF  }
0x42: {  	p0 =	sne.s32 s1, $0x0;
	_ =	strace $0x9000004D  }
0x43: {  	s0 =	sadd.s32 @!p0 $0x100000, s0;
	[bflag:$0x2] =	sbarrier.arrive $0xFFFF  }
0x44: {  	[sflag:s0] =	ssyncadd.tile.s32 @!p0 $0x1;
	_ =	shalt  }
.Lfunc_end2:
_tile_overlayer_lowered:
.L_overlay_start_2:
0x45: {  	(tag) =	ssettag $0x2  }
0x46: {  	s0 =	rddreg [dreg:$0x0];
	s2 =	stileid.u32  }
0x47: {  	s1 =	rddreg [dreg:$0x1];
	p0 =	sne.s32 s2, $0x0  }
0x48: {  	s3 =	rddreg [dreg:$0x2];
	[bflag:$0x3] =	sbarrier.arrive $0xFFFF;
	s2 =	simm.s32 @!p0 $0x1C02  }
0x49: {  	[timem:s3], [sflag:s2] =	dma.local @!p0 [hbm:s0], s1  }
0x4a: {  	s0 =	simm.s32 @!p0 $0x2  }
0x4b: {  	_ =	swait.ge @!p0 [sflag:s0], s1  }
0x4c: {  	s1 =	ssub.s32 @!p0 $0x0, s1;
	[sflag:s0] =	ssyncset.done @!p0 $0x0  }
0x4d: {  	[sflag:s0] =	ssyncadd.s32 @!p0 s1  }
0x4e: {  	[bflag:$0x3] =	sbarrier.arrive $0xFFFF  }
0x4f: {  	_ =	shalt  }

// kernel: kernel.33.cloned.1.call-start
scs
__scs_entry_jumppad:
0x0: {  	(pc) =	sbr.rel $0x88, $3  }
0x1: {  	(tag) =	ssettag $0x0;
	lr =	simm.s32 $0x1  }
0x2: {  	[smem:$0x3F72] =	sst lr;
	_ =	strace $0xD0000000  }
0x3: {  	_ = 	snop  }
0x4: {  	_ = 	snop  }
0x5: {  	_ = 	snop  }
0x6: {  	_ = 	snop  }
0x7: {  	_ = 	snop  }
__scs_overlays_trampoline_lowered:
0x8: {  	[smem:$0x3F81] =	sst s0  }
0x9: {  	[smem:$0x3F82] =	sst s1  }
0xa: {  	[smem:$0x3F83] =	sst s2  }
0xb: {  	[smem:$0x3F84] =	sst s3  }
0xc: {  	[smem:$0x3F85] =	sst s4  }
0xd: {  	[smem:$0x3F86] =	sst s5  }
0xe: {  	[smem:$0x3F87] =	sst s6  }
0xf: {  	[smem:$0x3F88] =	sst s7  }
0x10: {  	[smem:$0x3F89] =	sst s8  }
0x11: {  	[smem:$0x3F8A] =	sst s9;
	s0 =	simm.s32 @!p0 $0x0  }
0x12: {  	s1 =	sld [smem:$0x3F70];
	s0 =	simm.s32 @p0 $0x1  }
0x13: {  	[smem:$0x3F8B] =	sst s0;
	s0 =	simm.s32 @!p1 $0x0  }
0x14: {  	s2 =	sld [smem:$0x3F6F];
	s0 =	simm.s32 @p1 $0x1  }
0x15: {  	[smem:$0x3F8C] =	sst s0;
	s0 =	simm.s32 @!p2 $0x0  }
0x16: {  	s3 =	sld [smem:$0x3FDB];
	s0 =	simm.s32 @p2 $0x1  }
0x17: {  	s4 =	simm.s32 $0x1BF5;
	[smem:$0x3F8E] =	sst s0  }
0x18: {  	s0 =	sld [smem:$0x3F71];
	_ =	swait.ge [sflag:s4], $0x0  }
0x19: {  	s7 =	sld [smem:$0x3F72]  }
0x1a: {  	s8 =	sadd.s32 $0xFFFFE003, lr  }
0x1b: {  	s9 =	sadd.s32 $0xFFFFFEF7, lr;
	s5 =	simm.s32 $0xFFFFFFFF;
	p2 =	slt.u32 s8, $0xFFFFF086  }
0x1c: {  	p1 =	slt.u32 s9, $0xF7A;
	s5 =	simm.s32 @!p2 $0x0  }
0x1d: {  	s5 =	simm.s32 @p1 $0x1;
	p0 =	seq.s32 s7, s2  }
0x1e: {  	s7 =	smul.u32 @!p0 $0xF7A, s2;
	p2 =	seq.s32 @!p0 s5, $0x0  }
0x1f: {  	s9 =	smul.u32 $0xF7A, s1;
	s8 =	simm.s32 @!p0 $0x1BF5;
	p2 =	por !p2, p0  }
0x20: {  	[sflag:s8] =	ssyncset.s32 @!p0 $0xFFFFF086;
	s6 =	sadd.s32 @!p0 s3, s7;
	s7 =	simm.s32 @!p0 $0x108  }
0x21: {  	s3 =	sadd.s32 s3, s9;
	s6 =	sadd.s32 @!p0 $0x88, s6;
	s7 =	simm.s32 @p2 $0x1082  }
0x22: {  	[simem:s7], [sflag:s8] =	dma.local @!p0 [hbm:s6], $0xF7A  }
0x23: {  	s9 =	sor.u32 $0xD0000000, s2;
	s6 =	simm.s32 $0x108;
	_ =	swait.ge @!p0 [sflag:s8], $0x0  }
0x24: {  	s3 =	sadd.s32 $0x88, s3;
	s6 =	simm.s32 @!p1 $0x1082;
	[sflag:s4] =	ssyncset.s32 $0xFFFFF086  }
0x25: {  	[simem:s6], [sflag:s4] =	dma.local [hbm:s3], $0xF7A  }
0x26: {  	[smem:$0x3F72] =	sst s1;
	(tag) =	ssettag s2;
	_ =	strace s9  }
0x27: {  	s1 =	sld [smem:$0x3F82]  }
0x28: {  	s2 =	sld [smem:$0x3F83]  }
0x29: {  	s4 =	sld [smem:$0x3F85]  }
0x2a: {  	p0 =	seq.s32 s5, $0x0;
	s5 =	sld [smem:$0x3F86]  }
0x2b: {  	s6 =	sld [smem:$0x3F87]  }
0x2c: {  	s7 =	sld [smem:$0x3F88]  }
0x2d: {  	s3 =	simm.s32 $0x108;
	s8 =	sld [smem:$0x3F89]  }
0x2e: {  	s3 =	simm.s32 @!p0 $0x1082;
	s9 =	sld [smem:$0x3F8A]  }
0x2f: {  	lr =	sadd.s32 s0, s3;
	s0 =	sld [smem:$0x3F81]  }
0x30: {  	s3 =	sld [smem:$0x3F84]  }
0x31: {  	[smem:$0x3F8D] =	sst s10  }
0x32: {  	s10 =	sld [smem:$0x3F8B];
	_ =	sdelay $0x3  }
0x33: {  	p0 =	seq.s32 s10, $0x1;
	s10 =	sld [smem:$0x3F8D];
	_ =	sdelay $0x3  }
0x34: {  	[smem:$0x3F8D] =	sst s10  }
0x35: {  	s10 =	sld [smem:$0x3F8C];
	_ =	sdelay $0x3  }
0x36: {  	p1 =	seq.s32 s10, $0x1;
	s10 =	sld [smem:$0x3F8D];
	_ =	sdelay $0x3  }
0x37: {  	[smem:$0x3F8D] =	sst s10  }
0x38: {  	s10 =	sld [smem:$0x3F8E]  }
0x39: {  	_ = 	snop;
	(pc) =	sbr.ind lr, $3  }
0x3a: {  	_ = 	snop  }
0x3b: {  	_ = 	snop  }
0x3c: {  	p2 =	seq.s32 s10, $0x1;
	s10 =	sld [smem:$0x3F8D]  }
0x3d: {  	_ =	shalt  }
0x3e: {  	_ =	shalt  }
0x3f: {  	_ =	shalt  }
0x40: {  	_ =	shalt  }
0x41: {  	_ =	shalt  }
0x42: {  	_ =	shalt  }
0x43: {  	_ =	shalt  }
0x44: {  	_ =	shalt  }
0x45: {  	_ =	shalt  }
0x46: {  	_ =	shalt  }
0x47: {  	_ =	shalt  }
0x48: {  	_ =	shalt  }
0x49: {  	_ =	shalt  }
0x4a: {  	_ =	shalt  }
0x4b: {  	_ =	shalt  }
0x4c: {  	_ =	shalt  }
0x4d: {  	_ =	shalt  }
0x4e: {  	_ =	shalt  }
0x4f: {  	_ =	shalt  }
0x50: {  	_ =	shalt  }
0x51: {  	_ =	shalt  }
0x52: {  	_ =	shalt  }
0x53: {  	_ =	shalt  }
0x54: {  	_ =	shalt  }
0x55: {  	_ =	shalt  }
0x56: {  	_ =	shalt  }
0x57: {  	_ =	shalt  }
0x58: {  	_ =	shalt  }
0x59: {  	_ =	shalt  }
0x5a: {  	_ =	shalt  }
0x5b: {  	_ =	shalt  }
0x5c: {  	_ =	shalt  }
0x5d: {  	_ =	shalt  }
0x5e: {  	_ =	shalt  }
0x5f: {  	_ =	shalt  }
0x60: {  	_ =	shalt  }
0x61: {  	_ =	shalt  }
0x62: {  	_ =	shalt  }
0x63: {  	_ =	shalt  }
0x64: {  	_ =	shalt  }
0x65: {  	_ =	shalt  }
0x66: {  	_ =	shalt  }
0x67: {  	_ =	shalt  }
0x68: {  	_ =	shalt  }
0x69: {  	_ =	shalt  }
0x6a: {  	_ =	shalt  }
0x6b: {  	_ =	shalt  }
0x6c: {  	_ =	shalt  }
0x6d: {  	_ =	shalt  }
0x6e: {  	_ =	shalt  }
0x6f: {  	_ =	shalt  }
0x70: {  	_ =	shalt  }
0x71: {  	_ =	shalt  }
0x72: {  	_ =	shalt  }
0x73: {  	_ =	shalt  }
0x74: {  	_ =	shalt  }
0x75: {  	_ =	shalt  }
0x76: {  	_ =	shalt  }
0x77: {  	_ =	shalt  }
0x78: {  	_ =	shalt  }
0x79: {  	_ =	shalt  }
0x7a: {  	_ =	shalt  }
0x7b: {  	_ =	shalt  }
0x7c: {  	_ =	shalt  }
0x7d: {  	_ =	shalt  }
0x7e: {  	_ =	shalt  }
0x7f: {  	_ =	shalt  }
0x80: {  	_ =	shalt  }
0x81: {  	_ =	shalt  }
0x82: {  	_ =	shalt  }
0x83: {  	_ =	shalt  }
0x84: {  	_ =	shalt  }
0x85: {  	_ =	shalt  }
0x86: {  	_ =	shalt  }
0x87: {  	_ =	shalt  }
.Lfunc_end0:
.L_simem_size_0:
called_computation.3_lowered:
.L_overlay_start_0:
0x88: {  	s2 =	sld [smem:$0x3FD9]  }
0x89: {  	s3 =	sld [smem:$0x3FFE];
	_ =	sdelay $0x1  }
0x8a: {  	s1 =	srdreg.scid  }
0x8b: {  	s0 =	sand.u32 $0x1, s1  }
0x8c: {  	s16 =	sshll.u32 s0, $0xA;
	s2 =	sadd.s32 s3, s2  }
0x8d: {  	s2 =	sadd.s32 s2, s16  }
0x8e: {  	[smem:$0x3F99] =	sst s2  }
0x8f: {  	_ = 	snop  }
0x90: {  	(tm) =	ssettm $0x1  }
0x91: {  	s17 =	sld [smem:$0x3FFB];
	_ =	sdelay $0x3  }
0x92: {  	_ =	strace s17  }
0x93: {  	s2 =	sld [smem:$0x3FFC];
	_ =	sdelay $0x3  }
0x94: {  	_ =	strace s2  }
0x95: {  	s2 =	sld [smem:$0x3FFD];
	_ =	sdelay $0x3  }
0x96: {  	_ =	strace s2  }
0x97: {  	_ =	strace $0x8FFFFFFF  }
0x98: {  	s18 =	sld [smem:$0x3FDB];
	_ =	sdelay $0x1  }
0x99: {  	s19 =	simm.s32 $_scs_section_size  }
0x9a: {  	s4 =	simm.s32 $_size__tile_overlayer_lowered;
	s5 =	simm.s32 $_tile_overlayer_lowered  }
0x9b: {  	s22 =	simm.s32 $0x1BFF;
	s21 =	sshll.u32 s5, $0x1;
	s2 =	sadd.s32 s19, s18  }
0x9c: {  	s6 =	simm.s32 $0x0;
	s20 =	sshll.u32 s4, $0x1;
	s4 =	sadd.s32 s21, s2  }
0x9d: {  	[timem:s6], [sflag:s22] =	dma.local [hbm:s4], s20  }
0x9e: {  	_ =	swait.ge [sflag:s22], s20  }
0x9f: {  	s3 =	ssub.s32 $0x0, s20;
	[sflag:s22] =	ssyncset.done $0x0  }
0xa0: {  	[sflag:s22] =	ssyncadd.s32 s3;
	_ =	sdelay $0x1  }
0xa1: {  	s23 =	simm.s32 $0x1B8B  }
0xa2: {  	_ =	swait.ge [sflag:s23], $0x1  }
0xa3: {  	[sflag:s23] =	ssyncset.done $0x0  }
0xa4: {  	s25 =	simm.s32 $0x1B8E;
	s24 =	sld [smem:$0x3FFE];
	[sflag:s23] =	ssyncadd.s32 $0xFFFFFFFF  }
0xa5: {  	s26 =	simm.s32 $execute0_lowered;
	[smem:$0x3FD2] =	sst s25  }
0xa6: {  	s4 =	sshll.u32 s26, $0x1;
	_ =	strace $0x8000004F;
	[dreg:$0x1] =	wrdreg $0xFFFFFFFF  }
0xa7: {  	s28 =	simm.s32 $_size_execute0_lowered;
	s2 =	sadd.s32 s2, s4;
	[dreg:$0x0] =	wrdreg $0x0  }
0xa8: {  	s4 =	sshll.u32 s28, $0x1;
	[dreg:$0x2] =	wrdreg s2  }
0xa9: {  	[dreg:$0x3] =	wrdreg s4  }
0xaa: {  	[dreg:$0x4] =	wrdreg $0xC0  }
0xab: {  	_ =	task [dreg:s6], $0x5FFFF  }
0xac: {  	[dreg:$0x1] =	wrdreg $0xFFFFFFFF  }
0xad: {  	[dreg:$0x0] =	wrdreg $0x60  }
0xae: {  	[dreg:$0x2] =	wrdreg s24  }
0xaf: {  	[dreg:$0x3] =	wrdreg $0x38000  }
0xb0: {  	[dreg:$0x4] =	wrdreg $0x9  }
0xb1: {  	_ =	task.clear_ibuf [dreg:s6], $0x5FFFF;
	_ =	strace $0x9000004F  }
0xb2: {  	s29 =	simm.s32 $0x9;
	_ =	strace $0x80000051  }
0xb3: {  	_ =	swait.ge [sflag:s29], $0x1  }
0xb4: {  	[sflag:s29] =	ssyncadd.s32 $0xFFFFFFFF  }
0xb5: {  	_ =	strace $0x90000051  }
0xb6: {  	_ =	sfence  }
0xb7: {  	s30 =	sld [smem:$0x0];
	_ =	sdelay $0x2  }
0xb8: {  	s31 =	sshll.u32 s1, $0xD;
	s1 =	sshrl.u32 s1, $0x2  }
0xb9: {  	s3 =	sand.u32 $0x4000, s31;
	s1 =	sadd.s32 s1, s30  }
0xba: {  	s0 =	sor.u32 s3, s0;
	s1 =	sshll.u32 s1, $0x11  }
0xbb: {  	s0 =	sor.u32 s1, s0  }
0xbc: {  	s0 =	sadd.s32 $0x8F2B, s0  }
0xbd: {  	[sflag:s0] =	ssyncadd.remote.s32 $0x1  }
0xbe: {  	_ =	sfence.sel $0xFFFF  }
0xbf: {  	[dreg:$0x0] =	wrdreg $0xFFFFFFFF;
	(pc) =	sbr.abs _section_cstart, $3  }
0xc0: {  	[dreg:$0x1] =	wrdreg $0xFFFFFFFF  }
0xc1: {  	_ =	task.clear_ibuf [dreg:s6], $0x2FFFF;
	_ =	strace $0x9FFFFFFF  }
0xc2: {  	(tm) =	ssettm $0x7FFFFFFF  }
0xc3: {  	_ =	shalt  }
tec
execute0_lowered:
.L_overlay_start_1:
0x0: {  	(tag) =	ssettag $0x1  }
0x1: {  	s7 =	rddreg [dreg:$0x0]  }
0x2: {  	s2 =	rddreg [dreg:$0x1]  }
0x3: {  	s0 =	rddreg [dreg:$0x2];
	s3 =	simm.s32 $0x0  }
0x4: {  	s1 =	stileid.u32;
	s4 =	srdreg.scid;
	s15 =	simm.s32 $0x80  }
0x5: {  	s16 =	simm.s32 $0x2800;
	s17 =	simm.s32 $0x1;
	[smem:$0x7FF] =	sst s3  }
0x6: {  	s8 =	smul.u32 $0x18700, s1;
	s9 =	sand.u32 $0x1, s4;
	s4 =	sadd.s32 $0xCBA00, s7  }
0x7: {  	s5 =	sadd.s32 $0x247400, s7;
	s6 =	sadd.s32 $0x22E400, s7;
	s13 =	sshll.u32 s1, $0x6  }
0x8: {  	_ =	strace $0x80000050;
	s10 =	smul.u32 $0x187000, s9;
	s12 =	ssub.s32 $0x2, s9  }
0x9: {  	s9 =	sshll.u32 s9, $0x4;
	s11 =	sshrl.u32 s8, $0x3;
	s31 =	sshrl.u32 s12, $0x1  }
0xa: {  	s9 =	sor.u32 s1, s9;
	s14 =	sadd.s32 s8, s2;
	s10 =	sadd.s32 s8, s10  }
0xb: {  	s11 =	sadd.s32 s11, s7;
	s12 =	ssub.s32 s12, s31;
	s8 =	sor.u32 $0x1C02, s13  }
0xc: {  	s9 =	smul.u32 $0xC8, s9;
	s13 =	simm.s32 $0x2;
	s10 =	sshrl.u32 s10, $0x3  }
0xd: {  	s10 =	sadd.s32 s10, s7;
	s7 =	sadd.s32 $0xFC800, s11;
	s11 =	smax.u32 s12, $0x1  }
0xe: {  	s12 =	sshrl.u32 s14, $0x3;
	s14 =	simm.s32 $0x1400;
	s10 =	sadd.s32 $0x12D600, s10  }
.LBB2_1:
0xf: {  	[spmem:s12], [sflag:s8] =	dma.local [hbm:s7], $0x30E0  }
0x10: {  	_ =	swait.ge [sflag:s13], $0x30E0  }
0x11: {  	[sflag:s13] =	ssyncset.done $0x0  }
0x12: {  	[sflag:s13] =	ssyncadd.s32 $0xFFFFCF20  }
0x13: {  	s18 =	simm.s32 $0x0;
	[bflag:$0x0] =	sbarrier.arrive $0xFFFF  }
.LBB2_2:
0x14: {  	s19 =	smul.u32 $0x28, s18;
	_ =	sdelay $0x1  }
0x15: {  	s19 =	sadd.s32 s9, s19  }
0x16: {  	s19 =	sshll.u32 s19, $0x4  }
0x17: {  	s21 =	simm.s32 $0x0;
	s20 =	sadd.s32 s5, s19  }
0x18: {  	[tilespmem:s21], [sflag:$0x2] =	stream.linear.gather [hbm4b:s20+s21], $0x1400, $0x38;
	[tilespmem:$0x1BF00] =	vst v63  }
0x19: {  	_ =	swait.ge [sflag:s13], $0x1400  }
0x1a: {  	[sflag:s13] =	ssyncset.done $0x0  }
0x1b: {  	s19 =	sadd.s32 s6, s19;
	[sflag:s13] =	ssyncadd.s32 $0xFFFFEC00  }
0x1c: {  	[tilespmem:s14], [sflag:$0x2] =	stream.linear.gather [hbm4b:s19+s21], $0x1400, $0x38;
	[tilespmem:$0x1BF00] =	vst v63  }
0x1d: {  	_ =	swait.ge [sflag:s13], $0x1400  }
0x1e: {  	[sflag:s13] =	ssyncset.done $0x0  }
0x1f: {  	s30 =	simm.s32 $0x0;
	[sflag:s13] =	ssyncadd.s32 $0xFFFFEC00  }
0x20: {  	[tilespmem:s16], [sflag:$0x1] =	stream.indirect.gather [hbm4b:s4+s15], $0x20, s30, s15, $0xb8;
	[tilespmem:$0x1BF00] =	vst v63  }
0x21: {  	_ =	swait.ge [sflag:s17], $0x1000  }
0x22: {  	[sflag:s17] =	ssyncset.done $0x0  }
0x23: {  	s31 =	simm.s32 $0x1400;
	[sflag:s17] =	ssyncadd.s32 $0xFFFFF000  }
0x24: {  	[spmem:s2] =	stream.indirect.scatter.add.f32 [tilespmem:s16], [sflag:$0x2], $0x20, s31, s15, $0xb8;
	[tilespmem:$0x1BF00] =	vst v63  }
0x25: {  	_ =	swait.ge [sflag:s13], $0x1000  }
0x26: {  	s20 =	simm.s32 $0x400;
	s19 =	simm.s32 $0x200;
	[sflag:s13] =	ssyncset.done $0x0  }
.LBB2_3:
0x27: {  	s21 =	sshra.s32 s19, $0x2  }
0x28: {  	[sflag:s13] =	ssyncadd.s32 $0xFFFFF000;
	s19 =	smov.u32 s20;
	s22 =	sadd.s32 $0x200, s20  }
0x29: {  	[tilespmem:s16], [sflag:$0x1] =	stream.indirect.gather [hbm4b:s4+s15], $0x20, s21, s15, $0xb8;
	[tilespmem:$0x1BF00] =	vst v63  }
0x2a: {  	p0 =	sne.s32 s20, $0x4E00;
	_ =	swait.ge [sflag:s17], $0x1000  }
.Ltmp0:
0x2b: {  	[sflag:s17] =	ssyncset.done $0x0;
	(pc) =	sbr.rel @p0 .LBB2_3-.Ltmp0, $4  }
0x2c: {  	s20 =	sadd.s32 $0x1400, s21;
	[sflag:s17] =	ssyncadd.s32 $0xFFFFF000  }
0x2d: {  	[spmem:s2] =	stream.indirect.scatter.add.f32 [tilespmem:s16], [sflag:$0x2], $0x20, s20, s15, $0xb8;
	[tilespmem:$0x1BF00] =	vst v63  }
0x2e: {  	_ =	swait.ge [sflag:s13], $0x1000  }
0x2f: {  	s20 =	smov.u32 s22;
	[sflag:s13] =	ssyncset.done $0x0  }
0x30: {  	s19 =	sshra.s32 s19, $0x2;
	[sflag:s13] =	ssyncadd.s32 $0xFFFFF000  }
0x31: {  	[tilespmem:s16], [sflag:$0x1] =	stream.indirect.gather [hbm4b:s4+s15], $0x20, s19, s15, $0xb8;
	[tilespmem:$0x1BF00] =	vst v63  }
0x32: {  	s18 =	sadd.s32 $0x1, s18;
	_ =	swait.ge [sflag:s17], $0x1000  }
0x33: {  	p0 =	sne.s32 s18, $0x5;
	[sflag:s17] =	ssyncset.done $0x0  }
.Ltmp1:
0x34: {  	s19 =	sadd.s32 $0x1400, s19;
	[sflag:s17] =	ssyncadd.s32 $0xFFFFF000;
	(pc) =	sbr.rel @p0 .LBB2_2-.Ltmp1, $4  }
0x35: {  	[spmem:s2] =	stream.indirect.scatter.add.f32 [tilespmem:s16], [sflag:$0x2], $0x20, s19, s15, $0xb8;
	[tilespmem:$0x1BF00] =	vst v63  }
0x36: {  	_ =	swait.ge [sflag:s13], $0x1000  }
0x37: {  	[sflag:s13] =	ssyncset.done $0x0  }
0x38: {  	[sflag:s13] =	ssyncadd.s32 $0xFFFFF000  }
0x39: {  	s3 =	sadd.s32 $0x1, s3  }
0x3a: {  	p0 =	sne.s32 s3, s11  }
.Ltmp2:
0x3b: {  	[bflag:$0x0] =	sbarrier.arrive $0xFFFF;
	(pc) =	sbr.rel @p0 .LBB2_1-.Ltmp2, $4  }
0x3c: {  	[hbm:s10], [sflag:s8] =	dma.local [spmem:s12], $0x30E0  }
0x3d: {  	_ =	swait.ge [sflag:s13], $0x30E0  }
0x3e: {  	[sflag:s13] =	ssyncset.done $0x0  }
0x3f: {  	[sflag:s13] =	ssyncadd.s32 $0xFFFFCF20  }
0x40: {  	_ =	sfence.sel $0x180000  }
0x41: {  	[bflag:$0x0] =	sbarrier.arrive $0xFFFF  }
0x42: {  	p0 =	sne.s32 s1, $0x0;
	_ =	strace $0x90000050  }
0x43: {  	s0 =	sadd.s32 @!p0 $0x100000, s0;
	[bflag:$0x2] =	sbarrier.arrive $0xFFFF  }
0x44: {  	[sflag:s0] =	ssyncadd.tile.s32 @!p0 $0x1;
	_ =	shalt  }
.Lfunc_end2:
_tile_overlayer_lowered:
.L_overlay_start_2:
0x45: {  	(tag) =	ssettag $0x2  }
0x46: {  	s0 =	rddreg [dreg:$0x0];
	s2 =	stileid.u32  }
0x47: {  	s1 =	rddreg [dreg:$0x1];
	p0 =	sne.s32 s2, $0x0  }
0x48: {  	s3 =	rddreg [dreg:$0x2];
	[bflag:$0x3] =	sbarrier.arrive $0xFFFF;
	s2 =	simm.s32 @!p0 $0x1C02  }
0x49: {  	[timem:s3], [sflag:s2] =	dma.local @!p0 [hbm:s0], s1  }
0x4a: {  	s0 =	simm.s32 @!p0 $0x2  }
0x4b: {  	_ =	swait.ge @!p0 [sflag:s0], s1  }
0x4c: {  	s1 =	ssub.s32 @!p0 $0x0, s1;
	[sflag:s0] =	ssyncset.done @!p0 $0x0  }
0x4d: {  	[sflag:s0] =	ssyncadd.s32 @!p0 s1  }
0x4e: {  	[bflag:$0x3] =	sbarrier.arrive $0xFFFF  }
0x4f: {  	_ =	shalt  }

// kernel: kernel.36.cloned.1.call-start
scs
__scs_entry_jumppad:
0x0: {  	(pc) =	sbr.rel $0x88, $3  }
0x1: {  	(tag) =	ssettag $0x0;
	lr =	simm.s32 $0x1  }
0x2: {  	[smem:$0x3F72] =	sst lr;
	_ =	strace $0xD0000000  }
0x3: {  	_ = 	snop  }
0x4: {  	_ = 	snop  }
0x5: {  	_ = 	snop  }
0x6: {  	_ = 	snop  }
0x7: {  	_ = 	snop  }
__scs_overlays_trampoline_lowered:
0x8: {  	[smem:$0x3F81] =	sst s0  }
0x9: {  	[smem:$0x3F82] =	sst s1  }
0xa: {  	[smem:$0x3F83] =	sst s2  }
0xb: {  	[smem:$0x3F84] =	sst s3  }
0xc: {  	[smem:$0x3F85] =	sst s4  }
0xd: {  	[smem:$0x3F86] =	sst s5  }
0xe: {  	[smem:$0x3F87] =	sst s6  }
0xf: {  	[smem:$0x3F88] =	sst s7  }
0x10: {  	[smem:$0x3F89] =	sst s8  }
0x11: {  	[smem:$0x3F8A] =	sst s9;
	s0 =	simm.s32 @!p0 $0x0  }
0x12: {  	s1 =	sld [smem:$0x3F70];
	s0 =	simm.s32 @p0 $0x1  }
0x13: {  	[smem:$0x3F8B] =	sst s0;
	s0 =	simm.s32 @!p1 $0x0  }
0x14: {  	s2 =	sld [smem:$0x3F6F];
	s0 =	simm.s32 @p1 $0x1  }
0x15: {  	[smem:$0x3F8C] =	sst s0;
	s0 =	simm.s32 @!p2 $0x0  }
0x16: {  	s3 =	sld [smem:$0x3FDB];
	s0 =	simm.s32 @p2 $0x1  }
0x17: {  	s4 =	simm.s32 $0x1BF5;
	[smem:$0x3F8E] =	sst s0  }
0x18: {  	s0 =	sld [smem:$0x3F71];
	_ =	swait.ge [sflag:s4], $0x0  }
0x19: {  	s7 =	sld [smem:$0x3F72]  }
0x1a: {  	s8 =	sadd.s32 $0xFFFFE003, lr  }
0x1b: {  	s9 =	sadd.s32 $0xFFFFFEF7, lr;
	s5 =	simm.s32 $0xFFFFFFFF;
	p2 =	slt.u32 s8, $0xFFFFF086  }
0x1c: {  	p1 =	slt.u32 s9, $0xF7A;
	s5 =	simm.s32 @!p2 $0x0  }
0x1d: {  	s5 =	simm.s32 @p1 $0x1;
	p0 =	seq.s32 s7, s2  }
0x1e: {  	s7 =	smul.u32 @!p0 $0xF7A, s2;
	p2 =	seq.s32 @!p0 s5, $0x0  }
0x1f: {  	s9 =	smul.u32 $0xF7A, s1;
	s8 =	simm.s32 @!p0 $0x1BF5;
	p2 =	por !p2, p0  }
0x20: {  	[sflag:s8] =	ssyncset.s32 @!p0 $0xFFFFF086;
	s6 =	sadd.s32 @!p0 s3, s7;
	s7 =	simm.s32 @!p0 $0x108  }
0x21: {  	s3 =	sadd.s32 s3, s9;
	s6 =	sadd.s32 @!p0 $0x88, s6;
	s7 =	simm.s32 @p2 $0x1082  }
0x22: {  	[simem:s7], [sflag:s8] =	dma.local @!p0 [hbm:s6], $0xF7A  }
0x23: {  	s9 =	sor.u32 $0xD0000000, s2;
	s6 =	simm.s32 $0x108;
	_ =	swait.ge @!p0 [sflag:s8], $0x0  }
0x24: {  	s3 =	sadd.s32 $0x88, s3;
	s6 =	simm.s32 @!p1 $0x1082;
	[sflag:s4] =	ssyncset.s32 $0xFFFFF086  }
0x25: {  	[simem:s6], [sflag:s4] =	dma.local [hbm:s3], $0xF7A  }
0x26: {  	[smem:$0x3F72] =	sst s1;
	(tag) =	ssettag s2;
	_ =	strace s9  }
0x27: {  	s1 =	sld [smem:$0x3F82]  }
0x28: {  	s2 =	sld [smem:$0x3F83]  }
0x29: {  	s4 =	sld [smem:$0x3F85]  }
0x2a: {  	p0 =	seq.s32 s5, $0x0;
	s5 =	sld [smem:$0x3F86]  }
0x2b: {  	s6 =	sld [smem:$0x3F87]  }
0x2c: {  	s7 =	sld [smem:$0x3F88]  }
0x2d: {  	s3 =	simm.s32 $0x108;
	s8 =	sld [smem:$0x3F89]  }
0x2e: {  	s3 =	simm.s32 @!p0 $0x1082;
	s9 =	sld [smem:$0x3F8A]  }
0x2f: {  	lr =	sadd.s32 s0, s3;
	s0 =	sld [smem:$0x3F81]  }
0x30: {  	s3 =	sld [smem:$0x3F84]  }
0x31: {  	[smem:$0x3F8D] =	sst s10  }
0x32: {  	s10 =	sld [smem:$0x3F8B];
	_ =	sdelay $0x3  }
0x33: {  	p0 =	seq.s32 s10, $0x1;
	s10 =	sld [smem:$0x3F8D];
	_ =	sdelay $0x3  }
0x34: {  	[smem:$0x3F8D] =	sst s10  }
0x35: {  	s10 =	sld [smem:$0x3F8C];
	_ =	sdelay $0x3  }
0x36: {  	p1 =	seq.s32 s10, $0x1;
	s10 =	sld [smem:$0x3F8D];
	_ =	sdelay $0x3  }
0x37: {  	[smem:$0x3F8D] =	sst s10  }
0x38: {  	s10 =	sld [smem:$0x3F8E]  }
0x39: {  	_ = 	snop;
	(pc) =	sbr.ind lr, $3  }
0x3a: {  	_ = 	snop  }
0x3b: {  	_ = 	snop  }
0x3c: {  	p2 =	seq.s32 s10, $0x1;
	s10 =	sld [smem:$0x3F8D]  }
0x3d: {  	_ =	shalt  }
0x3e: {  	_ =	shalt  }
0x3f: {  	_ =	shalt  }
0x40: {  	_ =	shalt  }
0x41: {  	_ =	shalt  }
0x42: {  	_ =	shalt  }
0x43: {  	_ =	shalt  }
0x44: {  	_ =	shalt  }
0x45: {  	_ =	shalt  }
0x46: {  	_ =	shalt  }
0x47: {  	_ =	shalt  }
0x48: {  	_ =	shalt  }
0x49: {  	_ =	shalt  }
0x4a: {  	_ =	shalt  }
0x4b: {  	_ =	shalt  }
0x4c: {  	_ =	shalt  }
0x4d: {  	_ =	shalt  }
0x4e: {  	_ =	shalt  }
0x4f: {  	_ =	shalt  }
0x50: {  	_ =	shalt  }
0x51: {  	_ =	shalt  }
0x52: {  	_ =	shalt  }
0x53: {  	_ =	shalt  }
0x54: {  	_ =	shalt  }
0x55: {  	_ =	shalt  }
0x56: {  	_ =	shalt  }
0x57: {  	_ =	shalt  }
0x58: {  	_ =	shalt  }
0x59: {  	_ =	shalt  }
0x5a: {  	_ =	shalt  }
0x5b: {  	_ =	shalt  }
0x5c: {  	_ =	shalt  }
0x5d: {  	_ =	shalt  }
0x5e: {  	_ =	shalt  }
0x5f: {  	_ =	shalt  }
0x60: {  	_ =	shalt  }
0x61: {  	_ =	shalt  }
0x62: {  	_ =	shalt  }
0x63: {  	_ =	shalt  }
0x64: {  	_ =	shalt  }
0x65: {  	_ =	shalt  }
0x66: {  	_ =	shalt  }
0x67: {  	_ =	shalt  }
0x68: {  	_ =	shalt  }
0x69: {  	_ =	shalt  }
0x6a: {  	_ =	shalt  }
0x6b: {  	_ =	shalt  }
0x6c: {  	_ =	shalt  }
0x6d: {  	_ =	shalt  }
0x6e: {  	_ =	shalt  }
0x6f: {  	_ =	shalt  }
0x70: {  	_ =	shalt  }
0x71: {  	_ =	shalt  }
0x72: {  	_ =	shalt  }
0x73: {  	_ =	shalt  }
0x74: {  	_ =	shalt  }
0x75: {  	_ =	shalt  }
0x76: {  	_ =	shalt  }
0x77: {  	_ =	shalt  }
0x78: {  	_ =	shalt  }
0x79: {  	_ =	shalt  }
0x7a: {  	_ =	shalt  }
0x7b: {  	_ =	shalt  }
0x7c: {  	_ =	shalt  }
0x7d: {  	_ =	shalt  }
0x7e: {  	_ =	shalt  }
0x7f: {  	_ =	shalt  }
0x80: {  	_ =	shalt  }
0x81: {  	_ =	shalt  }
0x82: {  	_ =	shalt  }
0x83: {  	_ =	shalt  }
0x84: {  	_ =	shalt  }
0x85: {  	_ =	shalt  }
0x86: {  	_ =	shalt  }
0x87: {  	_ =	shalt  }
.Lfunc_end0:
.L_simem_size_0:
called_computation.4_lowered:
.L_overlay_start_0:
0x88: {  	s2 =	sld [smem:$0x3FD9]  }
0x89: {  	s3 =	sld [smem:$0x3FFE];
	_ =	sdelay $0x1  }
0x8a: {  	s1 =	srdreg.scid  }
0x8b: {  	s0 =	sand.u32 $0x1, s1  }
0x8c: {  	s16 =	sshll.u32 s0, $0xA;
	s2 =	sadd.s32 s3, s2  }
0x8d: {  	s2 =	sadd.s32 s2, s16  }
0x8e: {  	[smem:$0x3F99] =	sst s2  }
0x8f: {  	_ = 	snop  }
0x90: {  	(tm) =	ssettm $0x1  }
0x91: {  	s17 =	sld [smem:$0x3FFB];
	_ =	sdelay $0x3  }
0x92: {  	_ =	strace s17  }
0x93: {  	s2 =	sld [smem:$0x3FFC];
	_ =	sdelay $0x3  }
0x94: {  	_ =	strace s2  }
0x95: {  	s2 =	sld [smem:$0x3FFD];
	_ =	sdelay $0x3  }
0x96: {  	_ =	strace s2  }
0x97: {  	_ =	strace $0x8FFFFFFF  }
0x98: {  	s18 =	sld [smem:$0x3FDB];
	_ =	sdelay $0x1  }
0x99: {  	s19 =	simm.s32 $_scs_section_size  }
0x9a: {  	s4 =	simm.s32 $_size__tile_overlayer_lowered;
	s5 =	simm.s32 $_tile_overlayer_lowered  }
0x9b: {  	s22 =	simm.s32 $0x1BFF;
	s21 =	sshll.u32 s5, $0x1;
	s2 =	sadd.s32 s19, s18  }
0x9c: {  	s6 =	simm.s32 $0x0;
	s20 =	sshll.u32 s4, $0x1;
	s4 =	sadd.s32 s21, s2  }
0x9d: {  	[timem:s6], [sflag:s22] =	dma.local [hbm:s4], s20  }
0x9e: {  	_ =	swait.ge [sflag:s22], s20  }
0x9f: {  	s3 =	ssub.s32 $0x0, s20;
	[sflag:s22] =	ssyncset.done $0x0  }
0xa0: {  	[sflag:s22] =	ssyncadd.s32 s3;
	_ =	sdelay $0x1  }
0xa1: {  	s23 =	simm.s32 $0x1B8B  }
0xa2: {  	_ =	swait.ge [sflag:s23], $0x1  }
0xa3: {  	[sflag:s23] =	ssyncset.done $0x0  }
0xa4: {  	s25 =	simm.s32 $0x1B8E;
	s24 =	sld [smem:$0x3FFE];
	[sflag:s23] =	ssyncadd.s32 $0xFFFFFFFF  }
0xa5: {  	s26 =	simm.s32 $execute0_lowered;
	[smem:$0x3FD2] =	sst s25  }
0xa6: {  	s4 =	sshll.u32 s26, $0x1;
	_ =	strace $0x80000052;
	[dreg:$0x1] =	wrdreg $0xFFFFFFFF  }
0xa7: {  	s28 =	simm.s32 $_size_execute0_lowered;
	s2 =	sadd.s32 s2, s4;
	[dreg:$0x0] =	wrdreg $0x0  }
0xa8: {  	s4 =	sshll.u32 s28, $0x1;
	[dreg:$0x2] =	wrdreg s2  }
0xa9: {  	[dreg:$0x3] =	wrdreg s4  }
0xaa: {  	[dreg:$0x4] =	wrdreg $0xC0  }
0xab: {  	_ =	task [dreg:s6], $0x5FFFF  }
0xac: {  	[dreg:$0x1] =	wrdreg $0xFFFFFFFF  }
0xad: {  	[dreg:$0x0] =	wrdreg $0x60  }
0xae: {  	[dreg:$0x2] =	wrdreg s24  }
0xaf: {  	[dreg:$0x3] =	wrdreg $0x38000  }
0xb0: {  	[dreg:$0x4] =	wrdreg $0x9  }
0xb1: {  	_ =	task.clear_ibuf [dreg:s6], $0x5FFFF;
	_ =	strace $0x90000052  }
0xb2: {  	s29 =	simm.s32 $0x9;
	_ =	strace $0x80000054  }
0xb3: {  	_ =	swait.ge [sflag:s29], $0x1  }
0xb4: {  	[sflag:s29] =	ssyncadd.s32 $0xFFFFFFFF  }
0xb5: {  	_ =	strace $0x90000054  }
0xb6: {  	_ =	sfence  }
0xb7: {  	s30 =	sld [smem:$0x0];
	_ =	sdelay $0x2  }
0xb8: {  	s31 =	sshll.u32 s1, $0xD;
	s1 =	sshrl.u32 s1, $0x2  }
0xb9: {  	s3 =	sand.u32 $0x4000, s31;
	s1 =	sadd.s32 s1, s30  }
0xba: {  	s0 =	sor.u32 s3, s0;
	s1 =	sshll.u32 s1, $0x11  }
0xbb: {  	s0 =	sor.u32 s1, s0  }
0xbc: {  	s0 =	sadd.s32 $0x8F2B, s0  }
0xbd: {  	[sflag:s0] =	ssyncadd.remote.s32 $0x1  }
0xbe: {  	_ =	sfence.sel $0xFFFF  }
0xbf: {  	[dreg:$0x0] =	wrdreg $0xFFFFFFFF;
	(pc) =	sbr.abs _section_cstart, $3  }
0xc0: {  	[dreg:$0x1] =	wrdreg $0xFFFFFFFF  }
0xc1: {  	_ =	task.clear_ibuf [dreg:s6], $0x2FFFF;
	_ =	strace $0x9FFFFFFF  }
0xc2: {  	(tm) =	ssettm $0x7FFFFFFF  }
0xc3: {  	_ =	shalt  }
tec
execute0_lowered:
.L_overlay_start_1:
0x0: {  	(tag) =	ssettag $0x1  }
0x1: {  	s7 =	rddreg [dreg:$0x0]  }
0x2: {  	s2 =	rddreg [dreg:$0x1]  }
0x3: {  	s0 =	rddreg [dreg:$0x2];
	s3 =	simm.s32 $0x0  }
0x4: {  	s1 =	stileid.u32;
	s4 =	srdreg.scid;
	s15 =	simm.s32 $0x80  }
0x5: {  	s16 =	simm.s32 $0x2800;
	s17 =	simm.s32 $0x1;
	[smem:$0x7FF] =	sst s3  }
0x6: {  	s8 =	smul.u32 $0x18700, s1;
	s9 =	sand.u32 $0x1, s4;
	s4 =	sadd.s32 $0xCBA00, s7  }
0x7: {  	s5 =	sadd.s32 $0x247400, s7;
	s6 =	sadd.s32 $0x22E400, s7;
	s13 =	sshll.u32 s1, $0x6  }
0x8: {  	_ =	strace $0x80000053;
	s10 =	smul.u32 $0x187000, s9;
	s12 =	ssub.s32 $0x2, s9  }
0x9: {  	s9 =	sshll.u32 s9, $0x4;
	s11 =	sshrl.u32 s8, $0x3;
	s31 =	sshrl.u32 s12, $0x1  }
0xa: {  	s9 =	sor.u32 s1, s9;
	s14 =	sadd.s32 s8, s2;
	s10 =	sadd.s32 s8, s10  }
0xb: {  	s11 =	sadd.s32 s11, s7;
	s12 =	ssub.s32 s12, s31;
	s8 =	sor.u32 $0x1C02, s13  }
0xc: {  	s9 =	smul.u32 $0xC8, s9;
	s13 =	simm.s32 $0x2;
	s10 =	sshrl.u32 s10, $0x3  }
0xd: {  	s10 =	sadd.s32 s10, s7;
	s7 =	sadd.s32 $0xFC800, s11;
	s11 =	smax.u32 s12, $0x1  }
0xe: {  	s12 =	sshrl.u32 s14, $0x3;
	s14 =	simm.s32 $0x1400;
	s10 =	sadd.s32 $0x12D600, s10  }
.LBB2_1:
0xf: {  	[spmem:s12], [sflag:s8] =	dma.local [hbm:s7], $0x30E0  }
0x10: {  	_ =	swait.ge [sflag:s13], $0x30E0  }
0x11: {  	[sflag:s13] =	ssyncset.done $0x0  }
0x12: {  	[sflag:s13] =	ssyncadd.s32 $0xFFFFCF20  }
0x13: {  	s18 =	simm.s32 $0x0;
	[bflag:$0x0] =	sbarrier.arrive $0xFFFF  }
.LBB2_2:
0x14: {  	s19 =	smul.u32 $0x28, s18;
	_ =	sdelay $0x1  }
0x15: {  	s19 =	sadd.s32 s9, s19  }
0x16: {  	s19 =	sshll.u32 s19, $0x4  }
0x17: {  	s21 =	simm.s32 $0x0;
	s20 =	sadd.s32 s5, s19  }
0x18: {  	[tilespmem:s21], [sflag:$0x2] =	stream.linear.gather [hbm4b:s20+s21], $0x1400, $0x38;
	[tilespmem:$0x1BF00] =	vst v63  }
0x19: {  	_ =	swait.ge [sflag:s13], $0x1400  }
0x1a: {  	[sflag:s13] =	ssyncset.done $0x0  }
0x1b: {  	s19 =	sadd.s32 s6, s19;
	[sflag:s13] =	ssyncadd.s32 $0xFFFFEC00  }
0x1c: {  	[tilespmem:s14], [sflag:$0x2] =	stream.linear.gather [hbm4b:s19+s21], $0x1400, $0x38;
	[tilespmem:$0x1BF00] =	vst v63  }
0x1d: {  	_ =	swait.ge [sflag:s13], $0x1400  }
0x1e: {  	[sflag:s13] =	ssyncset.done $0x0  }
0x1f: {  	s30 =	simm.s32 $0x0;
	[sflag:s13] =	ssyncadd.s32 $0xFFFFEC00  }
0x20: {  	[tilespmem:s16], [sflag:$0x1] =	stream.indirect.gather [hbm4b:s4+s15], $0x20, s30, s15, $0xb8;
	[tilespmem:$0x1BF00] =	vst v63  }
0x21: {  	_ =	swait.ge [sflag:s17], $0x1000  }
0x22: {  	[sflag:s17] =	ssyncset.done $0x0  }
0x23: {  	s31 =	simm.s32 $0x1400;
	[sflag:s17] =	ssyncadd.s32 $0xFFFFF000  }
0x24: {  	[spmem:s2] =	stream.indirect.scatter.add.f32 [tilespmem:s16], [sflag:$0x2], $0x20, s31, s15, $0xb8;
	[tilespmem:$0x1BF00] =	vst v63  }
0x25: {  	_ =	swait.ge [sflag:s13], $0x1000  }
0x26: {  	s20 =	simm.s32 $0x400;
	s19 =	simm.s32 $0x200;
	[sflag:s13] =	ssyncset.done $0x0  }
.LBB2_3:
0x27: {  	s21 =	sshra.s32 s19, $0x2  }
0x28: {  	[sflag:s13] =	ssyncadd.s32 $0xFFFFF000;
	s19 =	smov.u32 s20;
	s22 =	sadd.s32 $0x200, s20  }
0x29: {  	[tilespmem:s16], [sflag:$0x1] =	stream.indirect.gather [hbm4b:s4+s15], $0x20, s21, s15, $0xb8;
	[tilespmem:$0x1BF00] =	vst v63  }
0x2a: {  	p0 =	sne.s32 s20, $0x4E00;
	_ =	swait.ge [sflag:s17], $0x1000  }
.Ltmp0:
0x2b: {  	[sflag:s17] =	ssyncset.done $0x0;
	(pc) =	sbr.rel @p0 .LBB2_3-.Ltmp0, $4  }
0x2c: {  	s20 =	sadd.s32 $0x1400, s21;
	[sflag:s17] =	ssyncadd.s32 $0xFFFFF000  }
0x2d: {  	[spmem:s2] =	stream.indirect.scatter.add.f32 [tilespmem:s16], [sflag:$0x2], $0x20, s20, s15, $0xb8;
	[tilespmem:$0x1BF00] =	vst v63  }
0x2e: {  	_ =	swait.ge [sflag:s13], $0x1000  }
0x2f: {  	s20 =	smov.u32 s22;
	[sflag:s13] =	ssyncset.done $0x0  }
0x30: {  	s19 =	sshra.s32 s19, $0x2;
	[sflag:s13] =	ssyncadd.s32 $0xFFFFF000  }
0x31: {  	[tilespmem:s16], [sflag:$0x1] =	stream.indirect.gather [hbm4b:s4+s15], $0x20, s19, s15, $0xb8;
	[tilespmem:$0x1BF00] =	vst v63  }
0x32: {  	s18 =	sadd.s32 $0x1, s18;
	_ =	swait.ge [sflag:s17], $0x1000  }
0x33: {  	p0 =	sne.s32 s18, $0x5;
	[sflag:s17] =	ssyncset.done $0x0  }
.Ltmp1:
0x34: {  	s19 =	sadd.s32 $0x1400, s19;
	[sflag:s17] =	ssyncadd.s32 $0xFFFFF000;
	(pc) =	sbr.rel @p0 .LBB2_2-.Ltmp1, $4  }
0x35: {  	[spmem:s2] =	stream.indirect.scatter.add.f32 [tilespmem:s16], [sflag:$0x2], $0x20, s19, s15, $0xb8;
	[tilespmem:$0x1BF00] =	vst v63  }
0x36: {  	_ =	swait.ge [sflag:s13], $0x1000  }
0x37: {  	[sflag:s13] =	ssyncset.done $0x0  }
0x38: {  	[sflag:s13] =	ssyncadd.s32 $0xFFFFF000  }
0x39: {  	s3 =	sadd.s32 $0x1, s3  }
0x3a: {  	p0 =	sne.s32 s3, s11  }
.Ltmp2:
0x3b: {  	[bflag:$0x0] =	sbarrier.arrive $0xFFFF;
	(pc) =	sbr.rel @p0 .LBB2_1-.Ltmp2, $4  }
0x3c: {  	[hbm:s10], [sflag:s8] =	dma.local [spmem:s12], $0x30E0  }
0x3d: {  	_ =	swait.ge [sflag:s13], $0x30E0  }
0x3e: {  	[sflag:s13] =	ssyncset.done $0x0  }
0x3f: {  	[sflag:s13] =	ssyncadd.s32 $0xFFFFCF20  }
0x40: {  	_ =	sfence.sel $0x180000  }
0x41: {  	[bflag:$0x0] =	sbarrier.arrive $0xFFFF  }
0x42: {  	p0 =	sne.s32 s1, $0x0;
	_ =	strace $0x90000053  }
0x43: {  	s0 =	sadd.s32 @!p0 $0x100000, s0;
	[bflag:$0x2] =	sbarrier.arrive $0xFFFF  }
0x44: {  	[sflag:s0] =	ssyncadd.tile.s32 @!p0 $0x1;
	_ =	shalt  }
.Lfunc_end2:
_tile_overlayer_lowered:
.L_overlay_start_2:
0x45: {  	(tag) =	ssettag $0x2  }
0x46: {  	s0 =	rddreg [dreg:$0x0];
	s2 =	stileid.u32  }
0x47: {  	s1 =	rddreg [dreg:$0x1];
	p0 =	sne.s32 s2, $0x0  }
0x48: {  	s3 =	rddreg [dreg:$0x2];
	[bflag:$0x3] =	sbarrier.arrive $0xFFFF;
	s2 =	simm.s32 @!p0 $0x1C02  }
0x49: {  	[timem:s3], [sflag:s2] =	dma.local @!p0 [hbm:s0], s1  }
0x4a: {  	s0 =	simm.s32 @!p0 $0x2  }
0x4b: {  	_ =	swait.ge @!p0 [sflag:s0], s1  }
0x4c: {  	s1 =	ssub.s32 @!p0 $0x0, s1;
	[sflag:s0] =	ssyncset.done @!p0 $0x0  }
0x4d: {  	[sflag:s0] =	ssyncadd.s32 @!p0 s1  }
0x4e: {  	[bflag:$0x3] =	sbarrier.arrive $0xFFFF  }
0x4f: {  	_ =	shalt  }

</sc_bundles>
